<compile_context>
chip_gen: v7x
topology: tpu7x:2x2x1
jax: 0.10.2.dev20260603
libtpu: 0.0.44.dev20260713+nightly
codegen_flags: <defaults>
</compile_context>

<pallas_src>
import functools

import jax
import jax.numpy as jnp
from jax import lax
from jax.experimental import pallas as pl
from jax.experimental.pallas import tpu as pltpu
from jax.experimental.pallas import tpu_sc as plsc

_N = 10000
_E = 320000
_G = 64
_MAXD = 10
_D = 128
_L = 3

_NC = 2
_NS = 16
_EPT = _E // (_NC * _NS)
_CHUNK = 80
_NCHUNK = _EPT // _CHUNK
_NV = _CHUNK // 16
_RPT = 624
_NDR = 640
_DRT = _NDR // _NS


def _sc_mesh():
  return plsc.VectorSubcoreMesh(core_axis_name="c", subcore_axis_name="s",
                                num_cores=_NC)


def _stripe_copy(src, dst, buf, rows, base):
  done = 0
  while done < rows:
    n = min(_CHUNK, rows - done)
    r = pl.multiple_of(base + done, 8)
    pltpu.sync_copy(src.at[pl.ds(r, n)], buf.at[pl.ds(0, n)])
    pltpu.sync_copy(buf.at[pl.ds(0, n)], dst.at[pl.ds(r, n)])
    done += n


def _stripe_zero(z_hbm, dst, buf, rows, base):
  pltpu.sync_copy(z_hbm, buf)
  done = 0
  while done < rows:
    n = min(_CHUNK, rows - done)
    r = pl.multiple_of(base + done, 8)
    pltpu.sync_copy(buf.at[pl.ds(0, n)], dst.at[pl.ds(r, n)])
    done += n


@functools.partial(
    pl.kernel,
    out_type=jax.ShapeDtypeStruct((_NC, _NDR, _D), jnp.float32),
    mesh=_sc_mesh(),
    scratch_types=(
        pltpu.VMEM_SHARED((_NDR, _D), jnp.float32),
        (pltpu.VMEM((_CHUNK,), jnp.int32),) * 2,
        (pltpu.VMEM((_CHUNK,), jnp.int32),) * 2,
        (pltpu.VMEM((_CHUNK,), jnp.int32),) * 2,
        (pltpu.VMEM((_CHUNK, _D), jnp.float32),) * 2,
        (pltpu.SemaphoreType.DMA,) * 2,
        (pltpu.SemaphoreType.DMA,) * 2,
        (pltpu.SemaphoreType.DMA,) * 2,
    ),
)
def _sc_deg(dst_hbm, eye_hbm, z128_hbm, deg_out, shared_deg, dst_v, dhi_v,
            low_v, oneh_v, gsem, ssem, isem):
  cid = lax.axis_index("c")
  sid = lax.axis_index("s")
  _stripe_zero(z128_hbm, shared_deg, oneh_v[0], _DRT, sid * _DRT)
  plsc.subcore_barrier()
  ebase = (cid * _NS + sid) * _EPT
  lanes = lax.iota(jnp.int32, 16)
  spread = lax.shift_left(lax.bitwise_and(lanes, 7), 4)

  def idx_start(c, b):
    off = pl.multiple_of(ebase + c * _CHUNK, 8)
    pltpu.async_copy(dst_hbm.at[pl.ds(off, _CHUNK)], dst_v[b], isem[b])

  def idx_wait(b):
    pltpu.make_async_copy(dst_hbm.at[pl.ds(0, _CHUNK)], dst_v[b],
                          isem[b]).wait()
    for k in range(_NV):
      dv = dst_v[b][pl.ds(16 * k, 16)]
      dhi_v[b][pl.ds(16 * k, 16)] = lax.shift_right_logical(dv, 4)
      low_v[b][pl.ds(16 * k, 16)] = lax.bitwise_or(
          lax.bitwise_and(dv, 15), spread)

  def gather_start(b):
    pltpu.async_copy(eye_hbm.at[low_v[b]], oneh_v[b], gsem[b])

  def gather_wait(b):
    pltpu.make_async_copy(eye_hbm.at[low_v[b]], oneh_v[b], gsem[b]).wait()

  def scat_start(b):
    pltpu.async_copy(oneh_v[b], shared_deg.at[dhi_v[b]], ssem[b], add=True)

  def scat_wait(b):
    pltpu.make_async_copy(oneh_v[b], shared_deg.at[dhi_v[b]],
                          ssem[b]).wait()

  idx_start(0, 0)
  idx_wait(0)
  gather_start(0)
  idx_start(1, 1)

  def body(t, carry):
    idx_wait(1)
    gather_start(1)
    gather_wait(0)
    scat_start(0)
    scat_wait(0)

    @pl.when(2 * t + 2 < _NCHUNK)
    def _():
      idx_start(2 * t + 2, 0)
    gather_wait(1)
    scat_start(1)

    @pl.when(2 * t + 2 < _NCHUNK)
    def _():
      idx_wait(0)
      gather_start(0)
    scat_wait(1)

    @pl.when(2 * t + 3 < _NCHUNK)
    def _():
      idx_start(2 * t + 3, 1)
    return carry

  lax.fori_loop(0, (_NCHUNK - 1) // 2, body, 0)
  gather_wait(0)
  scat_start(0)
  scat_wait(0)
  plsc.subcore_barrier()
  _stripe_copy(shared_deg, deg_out.at[cid], oneh_v[0], _DRT, sid * _DRT)


@functools.partial(
    pl.kernel,
    out_type=jax.ShapeDtypeStruct((_NC, _N, _D), jnp.float32),
    mesh=_sc_mesh(),
    scratch_types=(
        pltpu.VMEM_SHARED((_N, _D), jnp.float32),
        (pltpu.VMEM((_CHUNK,), jnp.int32),) * 2,
        (pltpu.VMEM((_CHUNK,), jnp.int32),) * 2,
        (pltpu.VMEM((_CHUNK, _D), jnp.float32),) * 2,
        (pltpu.SemaphoreType.DMA,) * 2,
        (pltpu.SemaphoreType.DMA,) * 2,
        (pltpu.SemaphoreType.DMA,) * 2,
    ),
)
def _sc_agg(x_hbm, src_hbm, dst_hbm, z128_hbm, h_out, shared_h, src_v,
            dst_v, rows_v, gsem, ssem, isem):
  cid = lax.axis_index("c")
  sid = lax.axis_index("s")
  _stripe_zero(z128_hbm, shared_h, rows_v[0], _RPT, sid * _RPT)

  @pl.when(sid == _NS - 1)
  def _():
    _stripe_zero(z128_hbm, shared_h, rows_v[0], _N - _NS * _RPT,
                 _NS * _RPT)

  plsc.subcore_barrier()
  ebase = (cid * _NS + sid) * _EPT

  def idx_start(c, b):
    off = pl.multiple_of(ebase + c * _CHUNK, 8)
    pltpu.async_copy(src_hbm.at[pl.ds(off, _CHUNK)], src_v[b], isem[b])
    pltpu.async_copy(dst_hbm.at[pl.ds(off, _CHUNK)], dst_v[b], isem[b])

  def idx_wait(b):
    pltpu.make_async_copy(src_hbm.at[pl.ds(0, _CHUNK)], src_v[b],
                          isem[b]).wait()
    pltpu.make_async_copy(dst_hbm.at[pl.ds(0, _CHUNK)], dst_v[b],
                          isem[b]).wait()

  def gather_start(b):
    pltpu.async_copy(x_hbm.at[src_v[b]], rows_v[b], gsem[b])

  def gather_wait(b):
    pltpu.make_async_copy(x_hbm.at[src_v[b]], rows_v[b], gsem[b]).wait()

  def scat_start(b):
    pltpu.async_copy(rows_v[b], shared_h.at[dst_v[b]], ssem[b], add=True)

  def scat_wait(b):
    pltpu.make_async_copy(rows_v[b], shared_h.at[dst_v[b]], ssem[b]).wait()

  idx_start(0, 0)
  idx_wait(0)
  gather_start(0)
  idx_start(1, 1)

  def body(t, carry):
    idx_wait(1)
    gather_start(1)
    gather_wait(0)
    scat_start(0)
    scat_wait(0)

    @pl.when(2 * t + 2 < _NCHUNK)
    def _():
      idx_start(2 * t + 2, 0)
    gather_wait(1)
    scat_start(1)

    @pl.when(2 * t + 2 < _NCHUNK)
    def _():
      idx_wait(0)
      gather_start(0)
    scat_wait(1)

    @pl.when(2 * t + 3 < _NCHUNK)
    def _():
      idx_start(2 * t + 3, 1)
    return carry

  lax.fori_loop(0, (_NCHUNK - 1) // 2, body, 0)
  gather_wait(0)
  scat_start(0)
  scat_wait(0)
  plsc.subcore_barrier()
  _stripe_copy(shared_h, h_out.at[cid], rows_v[0], _RPT, sid * _RPT)

  @pl.when(sid == _NS - 1)
  def _():
    _stripe_copy(shared_h, h_out.at[cid], rows_v[0], _N - _NS * _RPT,
                 _NS * _RPT)


_NB = 10
_B = _N // _NB


def _tc_body(x_ref, h_ref, deg_ref, wcat_ref, bl_ref, linwt_ref,
             batch_ref, acc_ref, xo_ref, pool_ref):
  i = pl.program_id(0)
  x = x_ref[...]
  h = h_ref[0] + h_ref[1]
  degf = jnp.minimum(deg_ref[0] + deg_ref[1], float(_MAXD))
  hx = jnp.concatenate([h, x], axis=1)
  out = jnp.zeros((_B, _D), jnp.float32)
  for d in range(_MAXD + 1):
    r = jnp.dot(hx, wcat_ref[d], preferred_element_type=jnp.float32)
    r = r + bl_ref[d][None, :]
    out = jnp.where(degf == float(d), r, out)
  xo = jax.nn.sigmoid(out)
  xo_ref[...] = xo
  y = jnp.dot(xo, linwt_ref[...], preferred_element_type=jnp.float32)
  onehot = (batch_ref[...] == lax.broadcasted_iota(jnp.int32, (1, _G), 1)
            ).astype(jnp.float32)
  p = lax.dot_general(onehot, y, (((0,), (0,)), ((), ())),
                      preferred_element_type=jnp.float32)

  @pl.when(i == 0)
  def _():
    pool_ref[...] = acc_ref[...]

  pool_ref[...] += p


_tc_layer = pl.pallas_call(
    _tc_body,
    grid=(_NB,),
    in_specs=[
        pl.BlockSpec((_B, _D), lambda i: (i, 0)),
        pl.BlockSpec((_NC, _B, _D), lambda i: (0, i, 0)),
        pl.BlockSpec((_NC, _B, 1), lambda i: (0, i, 0)),
        pl.BlockSpec((_MAXD + 1, 2 * _D, _D), lambda i: (0, 0, 0)),
        pl.BlockSpec((16, _D), lambda i: (0, 0)),
        pl.BlockSpec((_D, _D), lambda i: (0, 0)),
        pl.BlockSpec((_B, 1), lambda i: (i, 0)),
        pl.BlockSpec((_G, _D), lambda i: (0, 0)),
    ],
    out_specs=[
        pl.BlockSpec((_B, _D), lambda i: (i, 0)),
        pl.BlockSpec((_G, _D), lambda i: (0, 0)),
    ],
    out_shape=[
        jax.ShapeDtypeStruct((_N, _D), jnp.float32),
        jax.ShapeDtypeStruct((_G, _D), jnp.float32),
    ],
)


def _mlp_body(acc_ref, mlpwt_ref, mlpb_ref, out_ref):
  out_ref[...] = (jnp.dot(acc_ref[...], mlpwt_ref[...],
                          preferred_element_type=jnp.float32)
                  + mlpb_ref[...])


_tc_mlp = pl.pallas_call(
    _mlp_body,
    out_shape=jax.ShapeDtypeStruct((_G, _D), jnp.float32),
)


@jax.jit
def kernel(x, edge_index, batch, Wl, bl, Wr, lin_W, mlp_W, mlp_b):
  src = edge_index[0]
  dst = edge_index[1]
  z128 = jnp.zeros((_CHUNK, _D), jnp.float32)
  wcat = jnp.concatenate(
      [jnp.transpose(Wl, (0, 1, 3, 2)), jnp.transpose(Wr, (0, 1, 3, 2))],
      axis=2)
  blp = jnp.pad(bl, ((0, 0), (0, 16 - (_MAXD + 1)), (0, 0)))
  linwt = jnp.transpose(lin_W, (0, 2, 1))
  mlpwt = mlp_W.T
  mlpb2 = mlp_b[None, :]
  batch2 = batch[:, None]
  acc = jnp.zeros((_G, _D), jnp.float32)

  eye = jnp.tile(jnp.eye(16, _D, dtype=jnp.float32), (8, 1))
  deg_plane = _sc_deg(dst, eye, z128)
  deg2 = deg_plane[:, :, :16].reshape(_NC, _NDR * 16, 1)[:, :_N]

  def layer(carry, ws):
    xc, accc = carry
    wcat_l, bl_l, linwt_l = ws
    h2 = _sc_agg(xc, src, dst, z128)
    xn, accn = _tc_layer(xc, h2, deg2, wcat_l, bl_l, linwt_l, batch2, accc)
    return (xn, accn), None

  (x, acc), _ = lax.scan(layer, (x, acc), (wcat, blp, linwt))
  return _tc_mlp(acc, mlpwt, mlpb2)

# --- scband reference (transcript-rebuilt; emitter-appended) ---
"""Pipeline reference for scband-mf-71751723647734 (READ-ONLY COPY).

The authoritative reference and input builder live on the scoring server;
editing this copy changes nothing except your own understanding.
"""

import jax, jax.numpy as jnp
import numpy as np

N = 10000
E = 320000
NUM_GRAPHS = 64
MAX_DEG = 10
D = 128
L = 3


def setup_inputs(seed: int = 0) -> dict:
    key = jax.random.key(seed)
    ks = jax.random.split(key, 9)
    x = jax.random.normal(ks[0], (N, D), jnp.float32)
    edge_index = jax.random.randint(ks[1], (2, E), 0, N, jnp.int32)
    batch = jnp.sort(jax.random.randint(ks[2], (N,), 0, NUM_GRAPHS, jnp.int32))
    s = 1.0 / float(np.sqrt(D))
    # MFConv degree-conditioned weights: lins_l (with bias) and lins_r (no bias), max_degree+1 each, per conv layer
    Wl = jax.random.uniform(ks[3], (L, MAX_DEG + 1, D, D), jnp.float32, -s, s)
    bl = jax.random.uniform(ks[4], (L, MAX_DEG + 1, D), jnp.float32, -s, s)
    Wr = jax.random.uniform(ks[5], (L, MAX_DEG + 1, D, D), jnp.float32, -s, s)
    # per-layer fingerprint linear (bias=False): dim_h_conv -> dim_out
    lin_W = jax.random.uniform(ks[6], (L, D, D), jnp.float32, -s, s)
    # MLP with num_layers=1: single Linear(dim_h_conv -> dim_out) with bias
    mlp_W = jax.random.uniform(ks[7], (D, D), jnp.float32, -s, s)
    mlp_b = jax.random.uniform(ks[8], (D,), jnp.float32, -s, s)
    return {"x": x, "edge_index": edge_index, "batch": batch, "Wl": Wl, "bl": bl,
            "Wr": Wr, "lin_W": lin_W, "mlp_W": mlp_W, "mlp_b": mlp_b}


def _mfconv(x, src, dst, Wl_d, bl_d, Wr_d):
    # degree of each destination node, clamped at MAX_DEG
    deg = jax.ops.segment_sum(jnp.ones((src.shape[0],), jnp.int32), dst, num_segments=N)
    deg = jnp.minimum(deg, MAX_DEG)
    # sum aggregation of source features at destination nodes
    h = jax.ops.segment_sum(x[src], dst, num_segments=N)
    out = jnp.zeros((N, Wl_d.shape[2]), x.dtype)
    for d in range(MAX_DEG + 1):
        r = h @ Wl_d[d].T + bl_d[d] + x @ Wr_d[d].T
        out = jnp.where((deg == d)[:, None], r, out)
    return out


def reference(x, edge_index, batch, Wl, bl, Wr, lin_W, mlp_W, mlp_b):
    src, dst = edge_index[0], edge_index[1]
    h_acc = jnp.zeros((NUM_GRAPHS, D), x.dtype)
    for l in range(L):
        x = jax.nn.sigmoid(_mfconv(x, src, dst, Wl[l], bl[l], Wr[l]))
        y = x @ lin_W[l].T
        h_acc = h_acc + jax.ops.segment_sum(y, batch, num_segments=NUM_GRAPHS)
    return h_acc @ mlp_W.T + mlp_b

if __name__ == "__main__":
    import jax
    _d = setup_inputs()
    print(jax.jit(kernel)(*tuple(_d.values())))

</pallas_src>

<mosaic_0001>
#map = affine_map<(d0, d1) -> (0, 0)>
#map1 = affine_map<(d0, d1) -> (0)>
#map2 = affine_map<(d0, d1) -> (0, 0, 0)>
module attributes {stable_mosaic.version = 14 : i64} {
  func.func @_sc_agg(%arg0: i32, %arg1: i32, %arg2: memref<10000x128xf32, #tpu.memory_space<hbm>>, %arg3: memref<320000xi32, #tpu.memory_space<hbm>>, %arg4: memref<320000xi32, #tpu.memory_space<hbm>>, %arg5: memref<80x128xf32, #tpu.memory_space<hbm>>, %arg6: memref<2x10000x128xf32, #tpu.memory_space<hbm>>, %arg7: memref<10000x128xf32, #tpu.memory_space<vmem_shared>>, %arg8: memref<80xi32, #tpu.memory_space<vmem>>, %arg9: memref<80xi32, #tpu.memory_space<vmem>>, %arg10: memref<80xi32, #tpu.memory_space<vmem>>, %arg11: memref<80xi32, #tpu.memory_space<vmem>>, %arg12: memref<80x128xf32, #tpu.memory_space<vmem>>, %arg13: memref<80x128xf32, #tpu.memory_space<vmem>>, %arg14: memref<!tpu.dma_semaphore, #tpu.memory_space<semaphore_mem>>, %arg15: memref<!tpu.dma_semaphore, #tpu.memory_space<semaphore_mem>>, %arg16: memref<!tpu.dma_semaphore, #tpu.memory_space<semaphore_mem>>, %arg17: memref<!tpu.dma_semaphore, #tpu.memory_space<semaphore_mem>>, %arg18: memref<!tpu.dma_semaphore, #tpu.memory_space<semaphore_mem>>, %arg19: memref<!tpu.dma_semaphore, #tpu.memory_space<semaphore_mem>>) attributes {dimension_semantics = [#tpu.dimension_semantics<core_parallel>, #tpu.dimension_semantics<subcore_parallel>], iteration_bounds = array<i64: 2, 16>, scalar_prefetch = 0 : i64, scratch_operands = 13 : i64, tpu.core_type = #tpu.core_type<sc_vector_subcore>, window_params = [{transform_indices = #map}, {transform_indices = #map1}, {transform_indices = #map1}, {transform_indices = #map}, {transform_indices = #map2}]} {
    %mul3A = arith.constant 624 : i32
    %mul3A_0 = arith.muli %arg1, %mul3A : i32
    "tpu.region"() ({
      %run_scoped3A = tpu.sem_alloc : memref<!tpu.dma_semaphore, #tpu.memory_space<semaphore_mem>>
      tpu.enqueue_dma source(%arg5 : memref<80x128xf32, #tpu.memory_space<hbm>>) target(%arg12 : memref<80x128xf32, #tpu.memory_space<vmem>>) target_semaphore(%run_scoped3A : memref<!tpu.dma_semaphore, #tpu.memory_space<semaphore_mem>>)
      tpu.wait_dma2 semaphore(%run_scoped3A : memref<!tpu.dma_semaphore, #tpu.memory_space<semaphore_mem>>) src(%arg5 : memref<80x128xf32, #tpu.memory_space<hbm>>) dst(%arg12 : memref<80x128xf32, #tpu.memory_space<vmem>>)
      tpu.yield
    }) : () -> ()
    %add3A = arith.constant 0 : i32
    %add3A_1 = arith.addi %mul3A_0, %add3A : i32
    %multiple_of3A = tpu.assume_multiple %add3A_1, 8 : i32
    "tpu.region"() ({
      %run_scoped3A = tpu.sem_alloc : memref<!tpu.dma_semaphore, #tpu.memory_space<semaphore_mem>>
      %dma_start3A_99 = arith.constant 0 : i32
      %dma_start3A_100 = arith.constant 0 : i32
      %dma_start3A_101 = tpu.memref_slice %arg12[%dma_start3A_99, %dma_start3A_100] : memref<80x128xf32, #tpu.memory_space<vmem>> -> memref<80x128xf32, #tpu.memory_space<vmem>>
      %dma_start3A_102 = arith.constant 0 : i32
      %dma_start3A_103 = tpu.memref_slice %arg7[%multiple_of3A, %dma_start3A_102] : memref<10000x128xf32, #tpu.memory_space<vmem_shared>> -> memref<80x128xf32, #tpu.memory_space<vmem_shared>>
      %dma_start3A_104 = arith.constant 0 : i32
      %dma_start3A_105 = tpu.memref_slice %arg7[%multiple_of3A, %dma_start3A_104] : memref<10000x128xf32, #tpu.memory_space<vmem_shared>> -> memref<80x128xf32, #tpu.memory_space<vmem_shared>>
      %dma_start3A_106 = arith.constant 0 : i32
      %dma_start3A_107 = arith.constant 0 : i32
      %dma_start3A_108 = tpu.memref_slice %arg12[%dma_start3A_106, %dma_start3A_107] : memref<80x128xf32, #tpu.memory_space<vmem>> -> memref<80x128xf32, #tpu.memory_space<vmem>>
      tpu.enqueue_dma source(%dma_start3A_108 : memref<80x128xf32, #tpu.memory_space<vmem>>) target(%dma_start3A_105 : memref<80x128xf32, #tpu.memory_space<vmem_shared>>) target_semaphore(%run_scoped3A : memref<!tpu.dma_semaphore, #tpu.memory_space<semaphore_mem>>)
      %dma_wait3A_109 = arith.constant 0 : i32
      %dma_wait3A_110 = arith.constant 0 : i32
      %dma_wait3A_111 = tpu.memref_slice %arg12[%dma_wait3A_109, %dma_wait3A_110] : memref<80x128xf32, #tpu.memory_space<vmem>> -> memref<80x128xf32, #tpu.memory_space<vmem>>
      %dma_wait3A_112 = arith.constant 0 : i32
      %dma_wait3A_113 = tpu.memref_slice %arg7[%multiple_of3A, %dma_wait3A_112] : memref<10000x128xf32, #tpu.memory_space<vmem_shared>> -> memref<80x128xf32, #tpu.memory_space<vmem_shared>>
      %dma_wait3A_114 = arith.constant 0 : i32
      %dma_wait3A_115 = tpu.memref_slice %arg7[%multiple_of3A, %dma_wait3A_114] : memref<10000x128xf32, #tpu.memory_space<vmem_shared>> -> memref<80x128xf32, #tpu.memory_space<vmem_shared>>
      %dma_wait3A_116 = arith.constant 0 : i32
      %dma_wait3A_117 = arith.constant 0 : i32
      %dma_wait3A_118 = tpu.memref_slice %arg12[%dma_wait3A_116, %dma_wait3A_117] : memref<80x128xf32, #tpu.memory_space<vmem>> -> memref<80x128xf32, #tpu.memory_space<vmem>>
      tpu.wait_dma2 semaphore(%run_scoped3A : memref<!tpu.dma_semaphore, #tpu.memory_space<semaphore_mem>>) src(%dma_wait3A_118 : memref<80x128xf32, #tpu.memory_space<vmem>>) dst(%dma_wait3A_115 : memref<80x128xf32, #tpu.memory_space<vmem_shared>>)
      tpu.yield
    }) : () -> ()
    %add3A_2 = arith.constant 80 : i32
    %add3A_3 = arith.addi %mul3A_0, %add3A_2 : i32
    %multiple_of3A_4 = tpu.assume_multiple %add3A_3, 8 : i32
    "tpu.region"() ({
      %run_scoped3A = tpu.sem_alloc : memref<!tpu.dma_semaphore, #tpu.memory_space<semaphore_mem>>
      %dma_start3A_99 = arith.constant 0 : i32
      %dma_start3A_100 = arith.constant 0 : i32
      %dma_start3A_101 = tpu.memref_slice %arg12[%dma_start3A_99, %dma_start3A_100] : memref<80x128xf32, #tpu.memory_space<vmem>> -> memref<80x128xf32, #tpu.memory_space<vmem>>
      %dma_start3A_102 = arith.constant 0 : i32
      %dma_start3A_103 = tpu.memref_slice %arg7[%multiple_of3A_4, %dma_start3A_102] : memref<10000x128xf32, #tpu.memory_space<vmem_shared>> -> memref<80x128xf32, #tpu.memory_space<vmem_shared>>
      %dma_start3A_104 = arith.constant 0 : i32
      %dma_start3A_105 = tpu.memref_slice %arg7[%multiple_of3A_4, %dma_start3A_104] : memref<10000x128xf32, #tpu.memory_space<vmem_shared>> -> memref<80x128xf32, #tpu.memory_space<vmem_shared>>
      %dma_start3A_106 = arith.constant 0 : i32
      %dma_start3A_107 = arith.constant 0 : i32
      %dma_start3A_108 = tpu.memref_slice %arg12[%dma_start3A_106, %dma_start3A_107] : memref<80x128xf32, #tpu.memory_space<vmem>> -> memref<80x128xf32, #tpu.memory_space<vmem>>
      tpu.enqueue_dma source(%dma_start3A_108 : memref<80x128xf32, #tpu.memory_space<vmem>>) target(%dma_start3A_105 : memref<80x128xf32, #tpu.memory_space<vmem_shared>>) target_semaphore(%run_scoped3A : memref<!tpu.dma_semaphore, #tpu.memory_space<semaphore_mem>>)
      %dma_wait3A_109 = arith.constant 0 : i32
      %dma_wait3A_110 = arith.constant 0 : i32
      %dma_wait3A_111 = tpu.memref_slice %arg12[%dma_wait3A_109, %dma_wait3A_110] : memref<80x128xf32, #tpu.memory_space<vmem>> -> memref<80x128xf32, #tpu.memory_space<vmem>>
      %dma_wait3A_112 = arith.constant 0 : i32
      %dma_wait3A_113 = tpu.memref_slice %arg7[%multiple_of3A_4, %dma_wait3A_112] : memref<10000x128xf32, #tpu.memory_space<vmem_shared>> -> memref<80x128xf32, #tpu.memory_space<vmem_shared>>
      %dma_wait3A_114 = arith.constant 0 : i32
      %dma_wait3A_115 = tpu.memref_slice %arg7[%multiple_of3A_4, %dma_wait3A_114] : memref<10000x128xf32, #tpu.memory_space<vmem_shared>> -> memref<80x128xf32, #tpu.memory_space<vmem_shared>>
      %dma_wait3A_116 = arith.constant 0 : i32
      %dma_wait3A_117 = arith.constant 0 : i32
      %dma_wait3A_118 = tpu.memref_slice %arg12[%dma_wait3A_116, %dma_wait3A_117] : memref<80x128xf32, #tpu.memory_space<vmem>> -> memref<80x128xf32, #tpu.memory_space<vmem>>
      tpu.wait_dma2 semaphore(%run_scoped3A : memref<!tpu.dma_semaphore, #tpu.memory_space<semaphore_mem>>) src(%dma_wait3A_118 : memref<80x128xf32, #tpu.memory_space<vmem>>) dst(%dma_wait3A_115 : memref<80x128xf32, #tpu.memory_space<vmem_shared>>)
      tpu.yield
    }) : () -> ()
    %add3A_5 = arith.constant 160 : i32
    %add3A_6 = arith.addi %mul3A_0, %add3A_5 : i32
    %multiple_of3A_7 = tpu.assume_multiple %add3A_6, 8 : i32
    "tpu.region"() ({
      %run_scoped3A = tpu.sem_alloc : memref<!tpu.dma_semaphore, #tpu.memory_space<semaphore_mem>>
      %dma_start3A_99 = arith.constant 0 : i32
      %dma_start3A_100 = arith.constant 0 : i32
      %dma_start3A_101 = tpu.memref_slice %arg12[%dma_start3A_99, %dma_start3A_100] : memref<80x128xf32, #tpu.memory_space<vmem>> -> memref<80x128xf32, #tpu.memory_space<vmem>>
      %dma_start3A_102 = arith.constant 0 : i32
      %dma_start3A_103 = tpu.memref_slice %arg7[%multiple_of3A_7, %dma_start3A_102] : memref<10000x128xf32, #tpu.memory_space<vmem_shared>> -> memref<80x128xf32, #tpu.memory_space<vmem_shared>>
      %dma_start3A_104 = arith.constant 0 : i32
      %dma_start3A_105 = tpu.memref_slice %arg7[%multiple_of3A_7, %dma_start3A_104] : memref<10000x128xf32, #tpu.memory_space<vmem_shared>> -> memref<80x128xf32, #tpu.memory_space<vmem_shared>>
      %dma_start3A_106 = arith.constant 0 : i32
      %dma_start3A_107 = arith.constant 0 : i32
      %dma_start3A_108 = tpu.memref_slice %arg12[%dma_start3A_106, %dma_start3A_107] : memref<80x128xf32, #tpu.memory_space<vmem>> -> memref<80x128xf32, #tpu.memory_space<vmem>>
      tpu.enqueue_dma source(%dma_start3A_108 : memref<80x128xf32, #tpu.memory_space<vmem>>) target(%dma_start3A_105 : memref<80x128xf32, #tpu.memory_space<vmem_shared>>) target_semaphore(%run_scoped3A : memref<!tpu.dma_semaphore, #tpu.memory_space<semaphore_mem>>)
      %dma_wait3A_109 = arith.constant 0 : i32
      %dma_wait3A_110 = arith.constant 0 : i32
      %dma_wait3A_111 = tpu.memref_slice %arg12[%dma_wait3A_109, %dma_wait3A_110] : memref<80x128xf32, #tpu.memory_space<vmem>> -> memref<80x128xf32, #tpu.memory_space<vmem>>
      %dma_wait3A_112 = arith.constant 0 : i32
      %dma_wait3A_113 = tpu.memref_slice %arg7[%multiple_of3A_7, %dma_wait3A_112] : memref<10000x128xf32, #tpu.memory_space<vmem_shared>> -> memref<80x128xf32, #tpu.memory_space<vmem_shared>>
      %dma_wait3A_114 = arith.constant 0 : i32
      %dma_wait3A_115 = tpu.memref_slice %arg7[%multiple_of3A_7, %dma_wait3A_114] : memref<10000x128xf32, #tpu.memory_space<vmem_shared>> -> memref<80x128xf32, #tpu.memory_space<vmem_shared>>
      %dma_wait3A_116 = arith.constant 0 : i32
      %dma_wait3A_117 = arith.constant 0 : i32
      %dma_wait3A_118 = tpu.memref_slice %arg12[%dma_wait3A_116, %dma_wait3A_117] : memref<80x128xf32, #tpu.memory_space<vmem>> -> memref<80x128xf32, #tpu.memory_space<vmem>>
      tpu.wait_dma2 semaphore(%run_scoped3A : memref<!tpu.dma_semaphore, #tpu.memory_space<semaphore_mem>>) src(%dma_wait3A_118 : memref<80x128xf32, #tpu.memory_space<vmem>>) dst(%dma_wait3A_115 : memref<80x128xf32, #tpu.memory_space<vmem_shared>>)
      tpu.yield
    }) : () -> ()
    %add3A_8 = arith.constant 240 : i32
    %add3A_9 = arith.addi %mul3A_0, %add3A_8 : i32
    %multiple_of3A_10 = tpu.assume_multiple %add3A_9, 8 : i32
    "tpu.region"() ({
      %run_scoped3A = tpu.sem_alloc : memref<!tpu.dma_semaphore, #tpu.memory_space<semaphore_mem>>
      %dma_start3A_99 = arith.constant 0 : i32
      %dma_start3A_100 = arith.constant 0 : i32
      %dma_start3A_101 = tpu.memref_slice %arg12[%dma_start3A_99, %dma_start3A_100] : memref<80x128xf32, #tpu.memory_space<vmem>> -> memref<80x128xf32, #tpu.memory_space<vmem>>
      %dma_start3A_102 = arith.constant 0 : i32
      %dma_start3A_103 = tpu.memref_slice %arg7[%multiple_of3A_10, %dma_start3A_102] : memref<10000x128xf32, #tpu.memory_space<vmem_shared>> -> memref<80x128xf32, #tpu.memory_space<vmem_shared>>
      %dma_start3A_104 = arith.constant 0 : i32
      %dma_start3A_105 = tpu.memref_slice %arg7[%multiple_of3A_10, %dma_start3A_104] : memref<10000x128xf32, #tpu.memory_space<vmem_shared>> -> memref<80x128xf32, #tpu.memory_space<vmem_shared>>
      %dma_start3A_106 = arith.constant 0 : i32
      %dma_start3A_107 = arith.constant 0 : i32
      %dma_start3A_108 = tpu.memref_slice %arg12[%dma_start3A_106, %dma_start3A_107] : memref<80x128xf32, #tpu.memory_space<vmem>> -> memref<80x128xf32, #tpu.memory_space<vmem>>
      tpu.enqueue_dma source(%dma_start3A_108 : memref<80x128xf32, #tpu.memory_space<vmem>>) target(%dma_start3A_105 : memref<80x128xf32, #tpu.memory_space<vmem_shared>>) target_semaphore(%run_scoped3A : memref<!tpu.dma_semaphore, #tpu.memory_space<semaphore_mem>>)
      %dma_wait3A_109 = arith.constant 0 : i32
      %dma_wait3A_110 = arith.constant 0 : i32
      %dma_wait3A_111 = tpu.memref_slice %arg12[%dma_wait3A_109, %dma_wait3A_110] : memref<80x128xf32, #tpu.memory_space<vmem>> -> memref<80x128xf32, #tpu.memory_space<vmem>>
      %dma_wait3A_112 = arith.constant 0 : i32
      %dma_wait3A_113 = tpu.memref_slice %arg7[%multiple_of3A_10, %dma_wait3A_112] : memref<10000x128xf32, #tpu.memory_space<vmem_shared>> -> memref<80x128xf32, #tpu.memory_space<vmem_shared>>
      %dma_wait3A_114 = arith.constant 0 : i32
      %dma_wait3A_115 = tpu.memref_slice %arg7[%multiple_of3A_10, %dma_wait3A_114] : memref<10000x128xf32, #tpu.memory_space<vmem_shared>> -> memref<80x128xf32, #tpu.memory_space<vmem_shared>>
      %dma_wait3A_116 = arith.constant 0 : i32
      %dma_wait3A_117 = arith.constant 0 : i32
      %dma_wait3A_118 = tpu.memref_slice %arg12[%dma_wait3A_116, %dma_wait3A_117] : memref<80x128xf32, #tpu.memory_space<vmem>> -> memref<80x128xf32, #tpu.memory_space<vmem>>
      tpu.wait_dma2 semaphore(%run_scoped3A : memref<!tpu.dma_semaphore, #tpu.memory_space<semaphore_mem>>) src(%dma_wait3A_118 : memref<80x128xf32, #tpu.memory_space<vmem>>) dst(%dma_wait3A_115 : memref<80x128xf32, #tpu.memory_space<vmem_shared>>)
      tpu.yield
    }) : () -> ()
    %add3A_11 = arith.constant 320 : i32
    %add3A_12 = arith.addi %mul3A_0, %add3A_11 : i32
    %multiple_of3A_13 = tpu.assume_multiple %add3A_12, 8 : i32
    "tpu.region"() ({
      %run_scoped3A = tpu.sem_alloc : memref<!tpu.dma_semaphore, #tpu.memory_space<semaphore_mem>>
      %dma_start3A_99 = arith.constant 0 : i32
      %dma_start3A_100 = arith.constant 0 : i32
      %dma_start3A_101 = tpu.memref_slice %arg12[%dma_start3A_99, %dma_start3A_100] : memref<80x128xf32, #tpu.memory_space<vmem>> -> memref<80x128xf32, #tpu.memory_space<vmem>>
      %dma_start3A_102 = arith.constant 0 : i32
      %dma_start3A_103 = tpu.memref_slice %arg7[%multiple_of3A_13, %dma_start3A_102] : memref<10000x128xf32, #tpu.memory_space<vmem_shared>> -> memref<80x128xf32, #tpu.memory_space<vmem_shared>>
      %dma_start3A_104 = arith.constant 0 : i32
      %dma_start3A_105 = tpu.memref_slice %arg7[%multiple_of3A_13, %dma_start3A_104] : memref<10000x128xf32, #tpu.memory_space<vmem_shared>> -> memref<80x128xf32, #tpu.memory_space<vmem_shared>>
      %dma_start3A_106 = arith.constant 0 : i32
      %dma_start3A_107 = arith.constant 0 : i32
      %dma_start3A_108 = tpu.memref_slice %arg12[%dma_start3A_106, %dma_start3A_107] : memref<80x128xf32, #tpu.memory_space<vmem>> -> memref<80x128xf32, #tpu.memory_space<vmem>>
      tpu.enqueue_dma source(%dma_start3A_108 : memref<80x128xf32, #tpu.memory_space<vmem>>) target(%dma_start3A_105 : memref<80x128xf32, #tpu.memory_space<vmem_shared>>) target_semaphore(%run_scoped3A : memref<!tpu.dma_semaphore, #tpu.memory_space<semaphore_mem>>)
      %dma_wait3A_109 = arith.constant 0 : i32
      %dma_wait3A_110 = arith.constant 0 : i32
      %dma_wait3A_111 = tpu.memref_slice %arg12[%dma_wait3A_109, %dma_wait3A_110] : memref<80x128xf32, #tpu.memory_space<vmem>> -> memref<80x128xf32, #tpu.memory_space<vmem>>
      %dma_wait3A_112 = arith.constant 0 : i32
      %dma_wait3A_113 = tpu.memref_slice %arg7[%multiple_of3A_13, %dma_wait3A_112] : memref<10000x128xf32, #tpu.memory_space<vmem_shared>> -> memref<80x128xf32, #tpu.memory_space<vmem_shared>>
      %dma_wait3A_114 = arith.constant 0 : i32
      %dma_wait3A_115 = tpu.memref_slice %arg7[%multiple_of3A_13, %dma_wait3A_114] : memref<10000x128xf32, #tpu.memory_space<vmem_shared>> -> memref<80x128xf32, #tpu.memory_space<vmem_shared>>
      %dma_wait3A_116 = arith.constant 0 : i32
      %dma_wait3A_117 = arith.constant 0 : i32
      %dma_wait3A_118 = tpu.memref_slice %arg12[%dma_wait3A_116, %dma_wait3A_117] : memref<80x128xf32, #tpu.memory_space<vmem>> -> memref<80x128xf32, #tpu.memory_space<vmem>>
      tpu.wait_dma2 semaphore(%run_scoped3A : memref<!tpu.dma_semaphore, #tpu.memory_space<semaphore_mem>>) src(%dma_wait3A_118 : memref<80x128xf32, #tpu.memory_space<vmem>>) dst(%dma_wait3A_115 : memref<80x128xf32, #tpu.memory_space<vmem_shared>>)
      tpu.yield
    }) : () -> ()
    %add3A_14 = arith.constant 400 : i32
    %add3A_15 = arith.addi %mul3A_0, %add3A_14 : i32
    %multiple_of3A_16 = tpu.assume_multiple %add3A_15, 8 : i32
    "tpu.region"() ({
      %run_scoped3A = tpu.sem_alloc : memref<!tpu.dma_semaphore, #tpu.memory_space<semaphore_mem>>
      %dma_start3A_99 = arith.constant 0 : i32
      %dma_start3A_100 = arith.constant 0 : i32
      %dma_start3A_101 = tpu.memref_slice %arg12[%dma_start3A_99, %dma_start3A_100] : memref<80x128xf32, #tpu.memory_space<vmem>> -> memref<80x128xf32, #tpu.memory_space<vmem>>
      %dma_start3A_102 = arith.constant 0 : i32
      %dma_start3A_103 = tpu.memref_slice %arg7[%multiple_of3A_16, %dma_start3A_102] : memref<10000x128xf32, #tpu.memory_space<vmem_shared>> -> memref<80x128xf32, #tpu.memory_space<vmem_shared>>
      %dma_start3A_104 = arith.constant 0 : i32
      %dma_start3A_105 = tpu.memref_slice %arg7[%multiple_of3A_16, %dma_start3A_104] : memref<10000x128xf32, #tpu.memory_space<vmem_shared>> -> memref<80x128xf32, #tpu.memory_space<vmem_shared>>
      %dma_start3A_106 = arith.constant 0 : i32
      %dma_start3A_107 = arith.constant 0 : i32
      %dma_start3A_108 = tpu.memref_slice %arg12[%dma_start3A_106, %dma_start3A_107] : memref<80x128xf32, #tpu.memory_space<vmem>> -> memref<80x128xf32, #tpu.memory_space<vmem>>
      tpu.enqueue_dma source(%dma_start3A_108 : memref<80x128xf32, #tpu.memory_space<vmem>>) target(%dma_start3A_105 : memref<80x128xf32, #tpu.memory_space<vmem_shared>>) target_semaphore(%run_scoped3A : memref<!tpu.dma_semaphore, #tpu.memory_space<semaphore_mem>>)
      %dma_wait3A_109 = arith.constant 0 : i32
      %dma_wait3A_110 = arith.constant 0 : i32
      %dma_wait3A_111 = tpu.memref_slice %arg12[%dma_wait3A_109, %dma_wait3A_110] : memref<80x128xf32, #tpu.memory_space<vmem>> -> memref<80x128xf32, #tpu.memory_space<vmem>>
      %dma_wait3A_112 = arith.constant 0 : i32
      %dma_wait3A_113 = tpu.memref_slice %arg7[%multiple_of3A_16, %dma_wait3A_112] : memref<10000x128xf32, #tpu.memory_space<vmem_shared>> -> memref<80x128xf32, #tpu.memory_space<vmem_shared>>
      %dma_wait3A_114 = arith.constant 0 : i32
      %dma_wait3A_115 = tpu.memref_slice %arg7[%multiple_of3A_16, %dma_wait3A_114] : memref<10000x128xf32, #tpu.memory_space<vmem_shared>> -> memref<80x128xf32, #tpu.memory_space<vmem_shared>>
      %dma_wait3A_116 = arith.constant 0 : i32
      %dma_wait3A_117 = arith.constant 0 : i32
      %dma_wait3A_118 = tpu.memref_slice %arg12[%dma_wait3A_116, %dma_wait3A_117] : memref<80x128xf32, #tpu.memory_space<vmem>> -> memref<80x128xf32, #tpu.memory_space<vmem>>
      tpu.wait_dma2 semaphore(%run_scoped3A : memref<!tpu.dma_semaphore, #tpu.memory_space<semaphore_mem>>) src(%dma_wait3A_118 : memref<80x128xf32, #tpu.memory_space<vmem>>) dst(%dma_wait3A_115 : memref<80x128xf32, #tpu.memory_space<vmem_shared>>)
      tpu.yield
    }) : () -> ()
    %add3A_17 = arith.constant 480 : i32
    %add3A_18 = arith.addi %mul3A_0, %add3A_17 : i32
    %multiple_of3A_19 = tpu.assume_multiple %add3A_18, 8 : i32
    "tpu.region"() ({
      %run_scoped3A = tpu.sem_alloc : memref<!tpu.dma_semaphore, #tpu.memory_space<semaphore_mem>>
      %dma_start3A_99 = arith.constant 0 : i32
      %dma_start3A_100 = arith.constant 0 : i32
      %dma_start3A_101 = tpu.memref_slice %arg12[%dma_start3A_99, %dma_start3A_100] : memref<80x128xf32, #tpu.memory_space<vmem>> -> memref<80x128xf32, #tpu.memory_space<vmem>>
      %dma_start3A_102 = arith.constant 0 : i32
      %dma_start3A_103 = tpu.memref_slice %arg7[%multiple_of3A_19, %dma_start3A_102] : memref<10000x128xf32, #tpu.memory_space<vmem_shared>> -> memref<80x128xf32, #tpu.memory_space<vmem_shared>>
      %dma_start3A_104 = arith.constant 0 : i32
      %dma_start3A_105 = tpu.memref_slice %arg7[%multiple_of3A_19, %dma_start3A_104] : memref<10000x128xf32, #tpu.memory_space<vmem_shared>> -> memref<80x128xf32, #tpu.memory_space<vmem_shared>>
      %dma_start3A_106 = arith.constant 0 : i32
      %dma_start3A_107 = arith.constant 0 : i32
      %dma_start3A_108 = tpu.memref_slice %arg12[%dma_start3A_106, %dma_start3A_107] : memref<80x128xf32, #tpu.memory_space<vmem>> -> memref<80x128xf32, #tpu.memory_space<vmem>>
      tpu.enqueue_dma source(%dma_start3A_108 : memref<80x128xf32, #tpu.memory_space<vmem>>) target(%dma_start3A_105 : memref<80x128xf32, #tpu.memory_space<vmem_shared>>) target_semaphore(%run_scoped3A : memref<!tpu.dma_semaphore, #tpu.memory_space<semaphore_mem>>)
      %dma_wait3A_109 = arith.constant 0 : i32
      %dma_wait3A_110 = arith.constant 0 : i32
      %dma_wait3A_111 = tpu.memref_slice %arg12[%dma_wait3A_109, %dma_wait3A_110] : memref<80x128xf32, #tpu.memory_space<vmem>> -> memref<80x128xf32, #tpu.memory_space<vmem>>
      %dma_wait3A_112 = arith.constant 0 : i32
      %dma_wait3A_113 = tpu.memref_slice %arg7[%multiple_of3A_19, %dma_wait3A_112] : memref<10000x128xf32, #tpu.memory_space<vmem_shared>> -> memref<80x128xf32, #tpu.memory_space<vmem_shared>>
      %dma_wait3A_114 = arith.constant 0 : i32
      %dma_wait3A_115 = tpu.memref_slice %arg7[%multiple_of3A_19, %dma_wait3A_114] : memref<10000x128xf32, #tpu.memory_space<vmem_shared>> -> memref<80x128xf32, #tpu.memory_space<vmem_shared>>
      %dma_wait3A_116 = arith.constant 0 : i32
      %dma_wait3A_117 = arith.constant 0 : i32
      %dma_wait3A_118 = tpu.memref_slice %arg12[%dma_wait3A_116, %dma_wait3A_117] : memref<80x128xf32, #tpu.memory_space<vmem>> -> memref<80x128xf32, #tpu.memory_space<vmem>>
      tpu.wait_dma2 semaphore(%run_scoped3A : memref<!tpu.dma_semaphore, #tpu.memory_space<semaphore_mem>>) src(%dma_wait3A_118 : memref<80x128xf32, #tpu.memory_space<vmem>>) dst(%dma_wait3A_115 : memref<80x128xf32, #tpu.memory_space<vmem_shared>>)
      tpu.yield
    }) : () -> ()
    %add3A_20 = arith.constant 560 : i32
    %add3A_21 = arith.addi %mul3A_0, %add3A_20 : i32
    %multiple_of3A_22 = tpu.assume_multiple %add3A_21, 8 : i32
    "tpu.region"() ({
      %run_scoped3A = tpu.sem_alloc : memref<!tpu.dma_semaphore, #tpu.memory_space<semaphore_mem>>
      %dma_start3A_99 = arith.constant 0 : i32
      %dma_start3A_100 = arith.constant 0 : i32
      %dma_start3A_101 = tpu.memref_slice %arg12[%dma_start3A_99, %dma_start3A_100] : memref<80x128xf32, #tpu.memory_space<vmem>> -> memref<64x128xf32, #tpu.memory_space<vmem>>
      %dma_start3A_102 = arith.constant 0 : i32
      %dma_start3A_103 = tpu.memref_slice %arg7[%multiple_of3A_22, %dma_start3A_102] : memref<10000x128xf32, #tpu.memory_space<vmem_shared>> -> memref<64x128xf32, #tpu.memory_space<vmem_shared>>
      %dma_start3A_104 = arith.constant 0 : i32
      %dma_start3A_105 = tpu.memref_slice %arg7[%multiple_of3A_22, %dma_start3A_104] : memref<10000x128xf32, #tpu.memory_space<vmem_shared>> -> memref<64x128xf32, #tpu.memory_space<vmem_shared>>
      %dma_start3A_106 = arith.constant 0 : i32
      %dma_start3A_107 = arith.constant 0 : i32
      %dma_start3A_108 = tpu.memref_slice %arg12[%dma_start3A_106, %dma_start3A_107] : memref<80x128xf32, #tpu.memory_space<vmem>> -> memref<64x128xf32, #tpu.memory_space<vmem>>
      tpu.enqueue_dma source(%dma_start3A_108 : memref<64x128xf32, #tpu.memory_space<vmem>>) target(%dma_start3A_105 : memref<64x128xf32, #tpu.memory_space<vmem_shared>>) target_semaphore(%run_scoped3A : memref<!tpu.dma_semaphore, #tpu.memory_space<semaphore_mem>>)
      %dma_wait3A_109 = arith.constant 0 : i32
      %dma_wait3A_110 = arith.constant 0 : i32
      %dma_wait3A_111 = tpu.memref_slice %arg12[%dma_wait3A_109, %dma_wait3A_110] : memref<80x128xf32, #tpu.memory_space<vmem>> -> memref<64x128xf32, #tpu.memory_space<vmem>>
      %dma_wait3A_112 = arith.constant 0 : i32
      %dma_wait3A_113 = tpu.memref_slice %arg7[%multiple_of3A_22, %dma_wait3A_112] : memref<10000x128xf32, #tpu.memory_space<vmem_shared>> -> memref<64x128xf32, #tpu.memory_space<vmem_shared>>
      %dma_wait3A_114 = arith.constant 0 : i32
      %dma_wait3A_115 = tpu.memref_slice %arg7[%multiple_of3A_22, %dma_wait3A_114] : memref<10000x128xf32, #tpu.memory_space<vmem_shared>> -> memref<64x128xf32, #tpu.memory_space<vmem_shared>>
      %dma_wait3A_116 = arith.constant 0 : i32
      %dma_wait3A_117 = arith.constant 0 : i32
      %dma_wait3A_118 = tpu.memref_slice %arg12[%dma_wait3A_116, %dma_wait3A_117] : memref<80x128xf32, #tpu.memory_space<vmem>> -> memref<64x128xf32, #tpu.memory_space<vmem>>
      tpu.wait_dma2 semaphore(%run_scoped3A : memref<!tpu.dma_semaphore, #tpu.memory_space<semaphore_mem>>) src(%dma_wait3A_118 : memref<64x128xf32, #tpu.memory_space<vmem>>) dst(%dma_wait3A_115 : memref<64x128xf32, #tpu.memory_space<vmem_shared>>)
      tpu.yield
    }) : () -> ()
    %eq3A = arith.constant 15 : i32
    %eq3A_23 = arith.cmpi eq, %arg1, %eq3A : i32
    %convert_element_type3A = arith.extui %eq3A_23 : i1 to i32
    %cond3A = arith.constant 0 : i32
    %cond3A_24 = arith.cmpi ne, %convert_element_type3A, %cond3A : i32
    scf.if %cond3A_24 {
      "tpu.region"() ({
        %run_scoped3A = tpu.sem_alloc : memref<!tpu.dma_semaphore, #tpu.memory_space<semaphore_mem>>
        tpu.enqueue_dma source(%arg5 : memref<80x128xf32, #tpu.memory_space<hbm>>) target(%arg12 : memref<80x128xf32, #tpu.memory_space<vmem>>) target_semaphore(%run_scoped3A : memref<!tpu.dma_semaphore, #tpu.memory_space<semaphore_mem>>)
        tpu.wait_dma2 semaphore(%run_scoped3A : memref<!tpu.dma_semaphore, #tpu.memory_space<semaphore_mem>>) src(%arg5 : memref<80x128xf32, #tpu.memory_space<hbm>>) dst(%arg12 : memref<80x128xf32, #tpu.memory_space<vmem>>)
        tpu.yield
      }) : () -> ()
      %multiple_of3A_99 = arith.constant 9984 : i32
      %multiple_of3A_100 = tpu.assume_multiple %multiple_of3A_99, 8 : i32
      "tpu.region"() ({
        %run_scoped3A = tpu.sem_alloc : memref<!tpu.dma_semaphore, #tpu.memory_space<semaphore_mem>>
        %dma_start3A_101 = arith.constant 0 : i32
        %dma_start3A_102 = arith.constant 0 : i32
        %dma_start3A_103 = tpu.memref_slice %arg12[%dma_start3A_101, %dma_start3A_102] : memref<80x128xf32, #tpu.memory_space<vmem>> -> memref<16x128xf32, #tpu.memory_space<vmem>>
        %dma_start3A_104 = arith.constant 0 : i32
        %dma_start3A_105 = tpu.memref_slice %arg7[%multiple_of3A_100, %dma_start3A_104] : memref<10000x128xf32, #tpu.memory_space<vmem_shared>> -> memref<16x128xf32, #tpu.memory_space<vmem_shared>>
        %dma_start3A_106 = arith.constant 0 : i32
        %dma_start3A_107 = tpu.memref_slice %arg7[%multiple_of3A_100, %dma_start3A_106] : memref<10000x128xf32, #tpu.memory_space<vmem_shared>> -> memref<16x128xf32, #tpu.memory_space<vmem_shared>>
        %dma_start3A_108 = arith.constant 0 : i32
        %dma_start3A_109 = arith.constant 0 : i32
        %dma_start3A_110 = tpu.memref_slice %arg12[%dma_start3A_108, %dma_start3A_109] : memref<80x128xf32, #tpu.memory_space<vmem>> -> memref<16x128xf32, #tpu.memory_space<vmem>>
        tpu.enqueue_dma source(%dma_start3A_110 : memref<16x128xf32, #tpu.memory_space<vmem>>) target(%dma_start3A_107 : memref<16x128xf32, #tpu.memory_space<vmem_shared>>) target_semaphore(%run_scoped3A : memref<!tpu.dma_semaphore, #tpu.memory_space<semaphore_mem>>)
        %dma_wait3A_111 = arith.constant 0 : i32
        %dma_wait3A_112 = arith.constant 0 : i32
        %dma_wait3A_113 = tpu.memref_slice %arg12[%dma_wait3A_111, %dma_wait3A_112] : memref<80x128xf32, #tpu.memory_space<vmem>> -> memref<16x128xf32, #tpu.memory_space<vmem>>
        %dma_wait3A_114 = arith.constant 0 : i32
        %dma_wait3A_115 = tpu.memref_slice %arg7[%multiple_of3A_100, %dma_wait3A_114] : memref<10000x128xf32, #tpu.memory_space<vmem_shared>> -> memref<16x128xf32, #tpu.memory_space<vmem_shared>>
        %dma_wait3A_116 = arith.constant 0 : i32
        %dma_wait3A_117 = tpu.memref_slice %arg7[%multiple_of3A_100, %dma_wait3A_116] : memref<10000x128xf32, #tpu.memory_space<vmem_shared>> -> memref<16x128xf32, #tpu.memory_space<vmem_shared>>
        %dma_wait3A_118 = arith.constant 0 : i32
        %dma_wait3A_119 = arith.constant 0 : i32
        %dma_wait3A_120 = tpu.memref_slice %arg12[%dma_wait3A_118, %dma_wait3A_119] : memref<80x128xf32, #tpu.memory_space<vmem>> -> memref<16x128xf32, #tpu.memory_space<vmem>>
        tpu.wait_dma2 semaphore(%run_scoped3A : memref<!tpu.dma_semaphore, #tpu.memory_space<semaphore_mem>>) src(%dma_wait3A_120 : memref<16x128xf32, #tpu.memory_space<vmem>>) dst(%dma_wait3A_117 : memref<16x128xf32, #tpu.memory_space<vmem_shared>>)
        tpu.yield
      }) : () -> ()
    } else {
    }
    %barrier3A = arith.constant 0 : index
    tpu.barrier barrier_id(%barrier3A)
    %mul3A_25 = arith.constant 16 : i32
    %mul3A_26 = arith.muli %arg0, %mul3A_25 : i32
    %add3A_27 = arith.addi %mul3A_26, %arg1 : i32
    %mul3A_28 = arith.constant 10000 : i32
    %mul3A_29 = arith.muli %add3A_27, %mul3A_28 : i32
    %add3A_30 = arith.constant 0 : i32
    %add3A_31 = arith.addi %mul3A_29, %add3A_30 : i32
    %multiple_of3A_32 = tpu.assume_multiple %add3A_31, 8 : i32
    %dma_start3A = tpu.memref_slice %arg3[%multiple_of3A_32] : memref<320000xi32, #tpu.memory_space<hbm>> -> memref<80xi32, #tpu.memory_space<hbm>>
    %dma_start3A_33 = tpu.memref_slice %arg3[%multiple_of3A_32] : memref<320000xi32, #tpu.memory_space<hbm>> -> memref<80xi32, #tpu.memory_space<hbm>>
    tpu.enqueue_dma source(%dma_start3A_33 : memref<80xi32, #tpu.memory_space<hbm>>) target(%arg8 : memref<80xi32, #tpu.memory_space<vmem>>) target_semaphore(%arg18 : memref<!tpu.dma_semaphore, #tpu.memory_space<semaphore_mem>>)
    %dma_start3A_34 = tpu.memref_slice %arg4[%multiple_of3A_32] : memref<320000xi32, #tpu.memory_space<hbm>> -> memref<80xi32, #tpu.memory_space<hbm>>
    %dma_start3A_35 = tpu.memref_slice %arg4[%multiple_of3A_32] : memref<320000xi32, #tpu.memory_space<hbm>> -> memref<80xi32, #tpu.memory_space<hbm>>
    tpu.enqueue_dma source(%dma_start3A_35 : memref<80xi32, #tpu.memory_space<hbm>>) target(%arg10 : memref<80xi32, #tpu.memory_space<vmem>>) target_semaphore(%arg18 : memref<!tpu.dma_semaphore, #tpu.memory_space<semaphore_mem>>)
    %dma_wait3A = arith.constant 0 : i32
    %dma_wait3A_36 = tpu.memref_slice %arg3[%dma_wait3A] : memref<320000xi32, #tpu.memory_space<hbm>> -> memref<80xi32, #tpu.memory_space<hbm>>
    %dma_wait3A_37 = arith.constant 0 : i32
    %dma_wait3A_38 = tpu.memref_slice %arg3[%dma_wait3A_37] : memref<320000xi32, #tpu.memory_space<hbm>> -> memref<80xi32, #tpu.memory_space<hbm>>
    tpu.wait_dma2 semaphore(%arg18 : memref<!tpu.dma_semaphore, #tpu.memory_space<semaphore_mem>>) src(%dma_wait3A_38 : memref<80xi32, #tpu.memory_space<hbm>>) dst(%arg8 : memref<80xi32, #tpu.memory_space<vmem>>)
    %dma_wait3A_39 = arith.constant 0 : i32
    %dma_wait3A_40 = tpu.memref_slice %arg4[%dma_wait3A_39] : memref<320000xi32, #tpu.memory_space<hbm>> -> memref<80xi32, #tpu.memory_space<hbm>>
    %dma_wait3A_41 = arith.constant 0 : i32
    %dma_wait3A_42 = tpu.memref_slice %arg4[%dma_wait3A_41] : memref<320000xi32, #tpu.memory_space<hbm>> -> memref<80xi32, #tpu.memory_space<hbm>>
    tpu.wait_dma2 semaphore(%arg18 : memref<!tpu.dma_semaphore, #tpu.memory_space<semaphore_mem>>) src(%dma_wait3A_42 : memref<80xi32, #tpu.memory_space<hbm>>) dst(%arg10 : memref<80xi32, #tpu.memory_space<vmem>>)
    %dma_start3A_43 = arith.constant 0 : i32
    %dma_start3A_44 = arith.constant 0 : i32
    %dma_start3A_45 = tpu.memref_slice %arg2[%dma_start3A_43, %dma_start3A_44] : memref<10000x128xf32, #tpu.memory_space<hbm>> -> memref<10000x128xf32, #tpu.memory_space<hbm>>
    tpu.enqueue_indirect_dma source(%dma_start3A_45 : memref<10000x128xf32, #tpu.memory_space<hbm>>) target(%arg12 : memref<80x128xf32, #tpu.memory_space<vmem>>) offsets(%arg8 : memref<80xi32, #tpu.memory_space<vmem>>) semaphore(%arg14 : memref<!tpu.dma_semaphore, #tpu.memory_space<semaphore_mem>>)
    %add3A_46 = arith.constant 80 : i32
    %add3A_47 = arith.addi %mul3A_29, %add3A_46 : i32
    %multiple_of3A_48 = tpu.assume_multiple %add3A_47, 8 : i32
    %dma_start3A_49 = tpu.memref_slice %arg3[%multiple_of3A_48] : memref<320000xi32, #tpu.memory_space<hbm>> -> memref<80xi32, #tpu.memory_space<hbm>>
    %dma_start3A_50 = tpu.memref_slice %arg3[%multiple_of3A_48] : memref<320000xi32, #tpu.memory_space<hbm>> -> memref<80xi32, #tpu.memory_space<hbm>>
    tpu.enqueue_dma source(%dma_start3A_50 : memref<80xi32, #tpu.memory_space<hbm>>) target(%arg9 : memref<80xi32, #tpu.memory_space<vmem>>) target_semaphore(%arg19 : memref<!tpu.dma_semaphore, #tpu.memory_space<semaphore_mem>>)
    %dma_start3A_51 = tpu.memref_slice %arg4[%multiple_of3A_48] : memref<320000xi32, #tpu.memory_space<hbm>> -> memref<80xi32, #tpu.memory_space<hbm>>
    %dma_start3A_52 = tpu.memref_slice %arg4[%multiple_of3A_48] : memref<320000xi32, #tpu.memory_space<hbm>> -> memref<80xi32, #tpu.memory_space<hbm>>
    tpu.enqueue_dma source(%dma_start3A_52 : memref<80xi32, #tpu.memory_space<hbm>>) target(%arg11 : memref<80xi32, #tpu.memory_space<vmem>>) target_semaphore(%arg19 : memref<!tpu.dma_semaphore, #tpu.memory_space<semaphore_mem>>)
    %scan3A = arith.constant 0 : i32
    %scan3A_53 = arith.constant 0 : i32
    %scan3A_54 = arith.constant 62 : i32
    %scan3A_55 = arith.addi %scan3A_53, %scan3A_54 : i32
    %scan3A_56 = arith.constant 1 : i32
    scf.for %scan3A_99 = %scan3A_53 to %scan3A_55 step %scan3A_56  : i32 {
      %dma_wait3A_100 = arith.constant 0 : i32
      %dma_wait3A_101 = tpu.memref_slice %arg3[%dma_wait3A_100] : memref<320000xi32, #tpu.memory_space<hbm>> -> memref<80xi32, #tpu.memory_space<hbm>>
      %dma_wait3A_102 = arith.constant 0 : i32
      %dma_wait3A_103 = tpu.memref_slice %arg3[%dma_wait3A_102] : memref<320000xi32, #tpu.memory_space<hbm>> -> memref<80xi32, #tpu.memory_space<hbm>>
      tpu.wait_dma2 semaphore(%arg19 : memref<!tpu.dma_semaphore, #tpu.memory_space<semaphore_mem>>) src(%dma_wait3A_103 : memref<80xi32, #tpu.memory_space<hbm>>) dst(%arg9 : memref<80xi32, #tpu.memory_space<vmem>>)
      %dma_wait3A_104 = arith.constant 0 : i32
      %dma_wait3A_105 = tpu.memref_slice %arg4[%dma_wait3A_104] : memref<320000xi32, #tpu.memory_space<hbm>> -> memref<80xi32, #tpu.memory_space<hbm>>
      %dma_wait3A_106 = arith.constant 0 : i32
      %dma_wait3A_107 = tpu.memref_slice %arg4[%dma_wait3A_106] : memref<320000xi32, #tpu.memory_space<hbm>> -> memref<80xi32, #tpu.memory_space<hbm>>
      tpu.wait_dma2 semaphore(%arg19 : memref<!tpu.dma_semaphore, #tpu.memory_space<semaphore_mem>>) src(%dma_wait3A_107 : memref<80xi32, #tpu.memory_space<hbm>>) dst(%arg11 : memref<80xi32, #tpu.memory_space<vmem>>)
      %dma_start3A_108 = arith.constant 0 : i32
      %dma_start3A_109 = arith.constant 0 : i32
      %dma_start3A_110 = tpu.memref_slice %arg2[%dma_start3A_108, %dma_start3A_109] : memref<10000x128xf32, #tpu.memory_space<hbm>> -> memref<10000x128xf32, #tpu.memory_space<hbm>>
      tpu.enqueue_indirect_dma source(%dma_start3A_110 : memref<10000x128xf32, #tpu.memory_space<hbm>>) target(%arg13 : memref<80x128xf32, #tpu.memory_space<vmem>>) offsets(%arg9 : memref<80xi32, #tpu.memory_space<vmem>>) semaphore(%arg15 : memref<!tpu.dma_semaphore, #tpu.memory_space<semaphore_mem>>)
      %dma_wait3A_111 = arith.constant 0 : i32
      %dma_wait3A_112 = arith.constant 0 : i32
      %dma_wait3A_113 = tpu.memref_slice %arg2[%dma_wait3A_111, %dma_wait3A_112] : memref<10000x128xf32, #tpu.memory_space<hbm>> -> memref<10000x128xf32, #tpu.memory_space<hbm>>
      tpu.wait_indirect_dma semaphore(%arg14 : memref<!tpu.dma_semaphore, #tpu.memory_space<semaphore_mem>>) src(%dma_wait3A_113 : memref<10000x128xf32, #tpu.memory_space<hbm>>) dst(%arg12 : memref<80x128xf32, #tpu.memory_space<vmem>>)
      %dma_start3A_114 = arith.constant 0 : i32
      %dma_start3A_115 = arith.constant 0 : i32
      %dma_start3A_116 = tpu.memref_slice %arg7[%dma_start3A_114, %dma_start3A_115] : memref<10000x128xf32, #tpu.memory_space<vmem_shared>> -> memref<10000x128xf32, #tpu.memory_space<vmem_shared>>
      tpu.enqueue_indirect_dma source(%arg12 : memref<80x128xf32, #tpu.memory_space<vmem>>) target(%dma_start3A_116 : memref<10000x128xf32, #tpu.memory_space<vmem_shared>>) offsets(%arg10 : memref<80xi32, #tpu.memory_space<vmem>>) semaphore(%arg16 : memref<!tpu.dma_semaphore, #tpu.memory_space<semaphore_mem>>) {add = true}
      %dma_wait3A_117 = arith.constant 0 : i32
      %dma_wait3A_118 = arith.constant 0 : i32
      %dma_wait3A_119 = tpu.memref_slice %arg7[%dma_wait3A_117, %dma_wait3A_118] : memref<10000x128xf32, #tpu.memory_space<vmem_shared>> -> memref<10000x128xf32, #tpu.memory_space<vmem_shared>>
      tpu.wait_indirect_dma semaphore(%arg16 : memref<!tpu.dma_semaphore, #tpu.memory_space<semaphore_mem>>) src(%arg12 : memref<80x128xf32, #tpu.memory_space<vmem>>) dst(%dma_wait3A_119 : memref<10000x128xf32, #tpu.memory_space<vmem_shared>>)
      %mul3A_120 = arith.constant 2 : i32
      %mul3A_121 = arith.muli %mul3A_120, %scan3A_99 : i32
      %add3A_122 = arith.constant 2 : i32
      %add3A_123 = arith.addi %mul3A_121, %add3A_122 : i32
      %lt3A = arith.constant 125 : i32
      %lt3A_124 = arith.cmpi slt, %add3A_123, %lt3A : i32
      %convert_element_type3A_125 = arith.extui %lt3A_124 : i1 to i32
      %cond3A_126 = arith.constant 0 : i32
      %cond3A_127 = arith.cmpi ne, %convert_element_type3A_125, %cond3A_126 : i32
      scf.if %cond3A_127 {
        %mul3A_155 = arith.constant 2 : i32
        %mul3A_156 = arith.muli %mul3A_155, %scan3A_99 : i32
        %add3A_157 = arith.constant 2 : i32
        %add3A_158 = arith.addi %mul3A_156, %add3A_157 : i32
        %mul3A_159 = arith.constant 80 : i32
        %mul3A_160 = arith.muli %add3A_158, %mul3A_159 : i32
        %add3A_161 = arith.addi %mul3A_29, %mul3A_160 : i32
        %multiple_of3A_162 = tpu.assume_multiple %add3A_161, 8 : i32
        %dma_start3A_163 = tpu.memref_slice %arg3[%multiple_of3A_162] : memref<320000xi32, #tpu.memory_space<hbm>> -> memref<80xi32, #tpu.memory_space<hbm>>
        %dma_start3A_164 = tpu.memref_slice %arg3[%multiple_of3A_162] : memref<320000xi32, #tpu.memory_space<hbm>> -> memref<80xi32, #tpu.memory_space<hbm>>
        tpu.enqueue_dma source(%dma_start3A_164 : memref<80xi32, #tpu.memory_space<hbm>>) target(%arg8 : memref<80xi32, #tpu.memory_space<vmem>>) target_semaphore(%arg18 : memref<!tpu.dma_semaphore, #tpu.memory_space<semaphore_mem>>)
        %dma_start3A_165 = tpu.memref_slice %arg4[%multiple_of3A_162] : memref<320000xi32, #tpu.memory_space<hbm>> -> memref<80xi32, #tpu.memory_space<hbm>>
        %dma_start3A_166 = tpu.memref_slice %arg4[%multiple_of3A_162] : memref<320000xi32, #tpu.memory_space<hbm>> -> memref<80xi32, #tpu.memory_space<hbm>>
        tpu.enqueue_dma source(%dma_start3A_166 : memref<80xi32, #tpu.memory_space<hbm>>) target(%arg10 : memref<80xi32, #tpu.memory_space<vmem>>) target_semaphore(%arg18 : memref<!tpu.dma_semaphore, #tpu.memory_space<semaphore_mem>>)
      } else {
      }
      %dma_wait3A_128 = arith.constant 0 : i32
      %dma_wait3A_129 = arith.constant 0 : i32
      %dma_wait3A_130 = tpu.memref_slice %arg2[%dma_wait3A_128, %dma_wait3A_129] : memref<10000x128xf32, #tpu.memory_space<hbm>> -> memref<10000x128xf32, #tpu.memory_space<hbm>>
      tpu.wait_indirect_dma semaphore(%arg15 : memref<!tpu.dma_semaphore, #tpu.memory_space<semaphore_mem>>) src(%dma_wait3A_130 : memref<10000x128xf32, #tpu.memory_space<hbm>>) dst(%arg13 : memref<80x128xf32, #tpu.memory_space<vmem>>)
      %dma_start3A_131 = arith.constant 0 : i32
      %dma_start3A_132 = arith.constant 0 : i32
      %dma_start3A_133 = tpu.memref_slice %arg7[%dma_start3A_131, %dma_start3A_132] : memref<10000x128xf32, #tpu.memory_space<vmem_shared>> -> memref<10000x128xf32, #tpu.memory_space<vmem_shared>>
      tpu.enqueue_indirect_dma source(%arg13 : memref<80x128xf32, #tpu.memory_space<vmem>>) target(%dma_start3A_133 : memref<10000x128xf32, #tpu.memory_space<vmem_shared>>) offsets(%arg11 : memref<80xi32, #tpu.memory_space<vmem>>) semaphore(%arg17 : memref<!tpu.dma_semaphore, #tpu.memory_space<semaphore_mem>>) {add = true}
      %mul3A_134 = arith.constant 2 : i32
      %mul3A_135 = arith.muli %mul3A_134, %scan3A_99 : i32
      %add3A_136 = arith.constant 2 : i32
      %add3A_137 = arith.addi %mul3A_135, %add3A_136 : i32
      %lt3A_138 = arith.constant 125 : i32
      %lt3A_139 = arith.cmpi slt, %add3A_137, %lt3A_138 : i32
      %convert_element_type3A_140 = arith.extui %lt3A_139 : i1 to i32
      %cond3A_141 = arith.constant 0 : i32
      %cond3A_142 = arith.cmpi ne, %convert_element_type3A_140, %cond3A_141 : i32
      scf.if %cond3A_142 {
        %dma_wait3A_155 = arith.constant 0 : i32
        %dma_wait3A_156 = tpu.memref_slice %arg3[%dma_wait3A_155] : memref<320000xi32, #tpu.memory_space<hbm>> -> memref<80xi32, #tpu.memory_space<hbm>>
        %dma_wait3A_157 = arith.constant 0 : i32
        %dma_wait3A_158 = tpu.memref_slice %arg3[%dma_wait3A_157] : memref<320000xi32, #tpu.memory_space<hbm>> -> memref<80xi32, #tpu.memory_space<hbm>>
        tpu.wait_dma2 semaphore(%arg18 : memref<!tpu.dma_semaphore, #tpu.memory_space<semaphore_mem>>) src(%dma_wait3A_158 : memref<80xi32, #tpu.memory_space<hbm>>) dst(%arg8 : memref<80xi32, #tpu.memory_space<vmem>>)
        %dma_wait3A_159 = arith.constant 0 : i32
        %dma_wait3A_160 = tpu.memref_slice %arg4[%dma_wait3A_159] : memref<320000xi32, #tpu.memory_space<hbm>> -> memref<80xi32, #tpu.memory_space<hbm>>
        %dma_wait3A_161 = arith.constant 0 : i32
        %dma_wait3A_162 = tpu.memref_slice %arg4[%dma_wait3A_161] : memref<320000xi32, #tpu.memory_space<hbm>> -> memref<80xi32, #tpu.memory_space<hbm>>
        tpu.wait_dma2 semaphore(%arg18 : memref<!tpu.dma_semaphore, #tpu.memory_space<semaphore_mem>>) src(%dma_wait3A_162 : memref<80xi32, #tpu.memory_space<hbm>>) dst(%arg10 : memref<80xi32, #tpu.memory_space<vmem>>)
        %dma_start3A_163 = arith.constant 0 : i32
        %dma_start3A_164 = arith.constant 0 : i32
        %dma_start3A_165 = tpu.memref_slice %arg2[%dma_start3A_163, %dma_start3A_164] : memref<10000x128xf32, #tpu.memory_space<hbm>> -> memref<10000x128xf32, #tpu.memory_space<hbm>>
        tpu.enqueue_indirect_dma source(%dma_start3A_165 : memref<10000x128xf32, #tpu.memory_space<hbm>>) target(%arg12 : memref<80x128xf32, #tpu.memory_space<vmem>>) offsets(%arg8 : memref<80xi32, #tpu.memory_space<vmem>>) semaphore(%arg14 : memref<!tpu.dma_semaphore, #tpu.memory_space<semaphore_mem>>)
      } else {
      }
      %dma_wait3A_143 = arith.constant 0 : i32
      %dma_wait3A_144 = arith.constant 0 : i32
      %dma_wait3A_145 = tpu.memref_slice %arg7[%dma_wait3A_143, %dma_wait3A_144] : memref<10000x128xf32, #tpu.memory_space<vmem_shared>> -> memref<10000x128xf32, #tpu.memory_space<vmem_shared>>
      tpu.wait_indirect_dma semaphore(%arg17 : memref<!tpu.dma_semaphore, #tpu.memory_space<semaphore_mem>>) src(%arg13 : memref<80x128xf32, #tpu.memory_space<vmem>>) dst(%dma_wait3A_145 : memref<10000x128xf32, #tpu.memory_space<vmem_shared>>)
      %mul3A_146 = arith.constant 2 : i32
      %mul3A_147 = arith.muli %mul3A_146, %scan3A_99 : i32
      %add3A_148 = arith.constant 3 : i32
      %add3A_149 = arith.addi %mul3A_147, %add3A_148 : i32
      %lt3A_150 = arith.constant 125 : i32
      %lt3A_151 = arith.cmpi slt, %add3A_149, %lt3A_150 : i32
      %convert_element_type3A_152 = arith.extui %lt3A_151 : i1 to i32
      %cond3A_153 = arith.constant 0 : i32
      %cond3A_154 = arith.cmpi ne, %convert_element_type3A_152, %cond3A_153 : i32
      scf.if %cond3A_154 {
        %mul3A_155 = arith.constant 2 : i32
        %mul3A_156 = arith.muli %mul3A_155, %scan3A_99 : i32
        %add3A_157 = arith.constant 3 : i32
        %add3A_158 = arith.addi %mul3A_156, %add3A_157 : i32
        %mul3A_159 = arith.constant 80 : i32
        %mul3A_160 = arith.muli %add3A_158, %mul3A_159 : i32
        %add3A_161 = arith.addi %mul3A_29, %mul3A_160 : i32
        %multiple_of3A_162 = tpu.assume_multiple %add3A_161, 8 : i32
        %dma_start3A_163 = tpu.memref_slice %arg3[%multiple_of3A_162] : memref<320000xi32, #tpu.memory_space<hbm>> -> memref<80xi32, #tpu.memory_space<hbm>>
        %dma_start3A_164 = tpu.memref_slice %arg3[%multiple_of3A_162] : memref<320000xi32, #tpu.memory_space<hbm>> -> memref<80xi32, #tpu.memory_space<hbm>>
        tpu.enqueue_dma source(%dma_start3A_164 : memref<80xi32, #tpu.memory_space<hbm>>) target(%arg9 : memref<80xi32, #tpu.memory_space<vmem>>) target_semaphore(%arg19 : memref<!tpu.dma_semaphore, #tpu.memory_space<semaphore_mem>>)
        %dma_start3A_165 = tpu.memref_slice %arg4[%multiple_of3A_162] : memref<320000xi32, #tpu.memory_space<hbm>> -> memref<80xi32, #tpu.memory_space<hbm>>
        %dma_start3A_166 = tpu.memref_slice %arg4[%multiple_of3A_162] : memref<320000xi32, #tpu.memory_space<hbm>> -> memref<80xi32, #tpu.memory_space<hbm>>
        tpu.enqueue_dma source(%dma_start3A_166 : memref<80xi32, #tpu.memory_space<hbm>>) target(%arg11 : memref<80xi32, #tpu.memory_space<vmem>>) target_semaphore(%arg19 : memref<!tpu.dma_semaphore, #tpu.memory_space<semaphore_mem>>)
      } else {
      }
    }
    %scan3A_57 = arith.constant 62 : i32
    %dma_wait3A_58 = arith.constant 0 : i32
    %dma_wait3A_59 = arith.constant 0 : i32
    %dma_wait3A_60 = tpu.memref_slice %arg2[%dma_wait3A_58, %dma_wait3A_59] : memref<10000x128xf32, #tpu.memory_space<hbm>> -> memref<10000x128xf32, #tpu.memory_space<hbm>>
    tpu.wait_indirect_dma semaphore(%arg14 : memref<!tpu.dma_semaphore, #tpu.memory_space<semaphore_mem>>) src(%dma_wait3A_60 : memref<10000x128xf32, #tpu.memory_space<hbm>>) dst(%arg12 : memref<80x128xf32, #tpu.memory_space<vmem>>)
    %dma_start3A_61 = arith.constant 0 : i32
    %dma_start3A_62 = arith.constant 0 : i32
    %dma_start3A_63 = tpu.memref_slice %arg7[%dma_start3A_61, %dma_start3A_62] : memref<10000x128xf32, #tpu.memory_space<vmem_shared>> -> memref<10000x128xf32, #tpu.memory_space<vmem_shared>>
    tpu.enqueue_indirect_dma source(%arg12 : memref<80x128xf32, #tpu.memory_space<vmem>>) target(%dma_start3A_63 : memref<10000x128xf32, #tpu.memory_space<vmem_shared>>) offsets(%arg10 : memref<80xi32, #tpu.memory_space<vmem>>) semaphore(%arg16 : memref<!tpu.dma_semaphore, #tpu.memory_space<semaphore_mem>>) {add = true}
    %dma_wait3A_64 = arith.constant 0 : i32
    %dma_wait3A_65 = arith.constant 0 : i32
    %dma_wait3A_66 = tpu.memref_slice %arg7[%dma_wait3A_64, %dma_wait3A_65] : memref<10000x128xf32, #tpu.memory_space<vmem_shared>> -> memref<10000x128xf32, #tpu.memory_space<vmem_shared>>
    tpu.wait_indirect_dma semaphore(%arg16 : memref<!tpu.dma_semaphore, #tpu.memory_space<semaphore_mem>>) src(%arg12 : memref<80x128xf32, #tpu.memory_space<vmem>>) dst(%dma_wait3A_66 : memref<10000x128xf32, #tpu.memory_space<vmem_shared>>)
    %barrier3A_67 = arith.constant 0 : index
    tpu.barrier barrier_id(%barrier3A_67)
    %mul3A_68 = arith.constant 624 : i32
    %mul3A_69 = arith.muli %arg1, %mul3A_68 : i32
    %add3A_70 = arith.constant 0 : i32
    %add3A_71 = arith.addi %mul3A_69, %add3A_70 : i32
    %multiple_of3A_72 = tpu.assume_multiple %add3A_71, 8 : i32
    "tpu.region"() ({
      %run_scoped3A = tpu.sem_alloc : memref<!tpu.dma_semaphore, #tpu.memory_space<semaphore_mem>>
      %dma_start3A_99 = arith.constant 0 : i32
      %dma_start3A_100 = arith.constant 0 : i32
      %dma_start3A_101 = tpu.memref_slice %arg12[%dma_start3A_99, %dma_start3A_100] : memref<80x128xf32, #tpu.memory_space<vmem>> -> memref<80x128xf32, #tpu.memory_space<vmem>>
      %dma_start3A_102 = arith.constant 0 : i32
      %dma_start3A_103 = tpu.memref_slice %arg7[%multiple_of3A_72, %dma_start3A_102] : memref<10000x128xf32, #tpu.memory_space<vmem_shared>> -> memref<80x128xf32, #tpu.memory_space<vmem_shared>>
      %dma_start3A_104 = arith.constant 0 : i32
      %dma_start3A_105 = arith.constant 0 : i32
      %dma_start3A_106 = tpu.memref_slice %arg12[%dma_start3A_104, %dma_start3A_105] : memref<80x128xf32, #tpu.memory_space<vmem>> -> memref<80x128xf32, #tpu.memory_space<vmem>>
      %dma_start3A_107 = arith.constant 0 : i32
      %dma_start3A_108 = tpu.memref_slice %arg7[%multiple_of3A_72, %dma_start3A_107] : memref<10000x128xf32, #tpu.memory_space<vmem_shared>> -> memref<80x128xf32, #tpu.memory_space<vmem_shared>>
      tpu.enqueue_dma source(%dma_start3A_108 : memref<80x128xf32, #tpu.memory_space<vmem_shared>>) target(%dma_start3A_106 : memref<80x128xf32, #tpu.memory_space<vmem>>) target_semaphore(%run_scoped3A : memref<!tpu.dma_semaphore, #tpu.memory_space<semaphore_mem>>)
      %dma_wait3A_109 = arith.constant 0 : i32
      %dma_wait3A_110 = arith.constant 0 : i32
      %dma_wait3A_111 = tpu.memref_slice %arg12[%dma_wait3A_109, %dma_wait3A_110] : memref<80x128xf32, #tpu.memory_space<vmem>> -> memref<80x128xf32, #tpu.memory_space<vmem>>
      %dma_wait3A_112 = arith.constant 0 : i32
      %dma_wait3A_113 = tpu.memref_slice %arg7[%multiple_of3A_72, %dma_wait3A_112] : memref<10000x128xf32, #tpu.memory_space<vmem_shared>> -> memref<80x128xf32, #tpu.memory_space<vmem_shared>>
      %dma_wait3A_114 = arith.constant 0 : i32
      %dma_wait3A_115 = arith.constant 0 : i32
      %dma_wait3A_116 = tpu.memref_slice %arg12[%dma_wait3A_114, %dma_wait3A_115] : memref<80x128xf32, #tpu.memory_space<vmem>> -> memref<80x128xf32, #tpu.memory_space<vmem>>
      %dma_wait3A_117 = arith.constant 0 : i32
      %dma_wait3A_118 = tpu.memref_slice %arg7[%multiple_of3A_72, %dma_wait3A_117] : memref<10000x128xf32, #tpu.memory_space<vmem_shared>> -> memref<80x128xf32, #tpu.memory_space<vmem_shared>>
      tpu.wait_dma2 semaphore(%run_scoped3A : memref<!tpu.dma_semaphore, #tpu.memory_space<semaphore_mem>>) src(%dma_wait3A_118 : memref<80x128xf32, #tpu.memory_space<vmem_shared>>) dst(%dma_wait3A_116 : memref<80x128xf32, #tpu.memory_space<vmem>>)
      tpu.yield
    }) : () -> ()
    "tpu.region"() ({
      %run_scoped3A = tpu.sem_alloc : memref<!tpu.dma_semaphore, #tpu.memory_space<semaphore_mem>>
      %dma_start3A_99 = arith.constant 0 : i32
      %dma_start3A_100 = arith.constant 0 : i32
      %dma_start3A_101 = tpu.memref_slice %arg12[%dma_start3A_99, %dma_start3A_100] : memref<80x128xf32, #tpu.memory_space<vmem>> -> memref<80x128xf32, #tpu.memory_space<vmem>>
      %dma_start3A_102 = arith.constant 0 : i32
      %dma_start3A_103 = arith.constant 0 : i32
      %dma_start3A_104 = tpu.memref_slice %arg6[%arg0, %dma_start3A_102, %dma_start3A_103] : memref<2x10000x128xf32, #tpu.memory_space<hbm>> -> memref<1x10000x128xf32, #tpu.memory_space<hbm>>
      %dma_start3A_105 = tpu.memref_squeeze %dma_start3A_104 : memref<1x10000x128xf32, #tpu.memory_space<hbm>> -> memref<10000x128xf32, #tpu.memory_space<hbm>>
      %dma_start3A_106 = arith.constant 0 : i32
      %dma_start3A_107 = tpu.memref_slice %dma_start3A_105[%multiple_of3A_72, %dma_start3A_106] : memref<10000x128xf32, #tpu.memory_space<hbm>> -> memref<80x128xf32, #tpu.memory_space<hbm>>
      %dma_start3A_108 = arith.constant 0 : i32
      %dma_start3A_109 = arith.constant 0 : i32
      %dma_start3A_110 = tpu.memref_slice %arg6[%arg0, %dma_start3A_108, %dma_start3A_109] : memref<2x10000x128xf32, #tpu.memory_space<hbm>> -> memref<1x10000x128xf32, #tpu.memory_space<hbm>>
      %dma_start3A_111 = tpu.memref_squeeze %dma_start3A_110 : memref<1x10000x128xf32, #tpu.memory_space<hbm>> -> memref<10000x128xf32, #tpu.memory_space<hbm>>
      %dma_start3A_112 = arith.constant 0 : i32
      %dma_start3A_113 = tpu.memref_slice %dma_start3A_111[%multiple_of3A_72, %dma_start3A_112] : memref<10000x128xf32, #tpu.memory_space<hbm>> -> memref<80x128xf32, #tpu.memory_space<hbm>>
      %dma_start3A_114 = arith.constant 0 : i32
      %dma_start3A_115 = arith.constant 0 : i32
      %dma_start3A_116 = tpu.memref_slice %arg12[%dma_start3A_114, %dma_start3A_115] : memref<80x128xf32, #tpu.memory_space<vmem>> -> memref<80x128xf32, #tpu.memory_space<vmem>>
      tpu.enqueue_dma source(%dma_start3A_116 : memref<80x128xf32, #tpu.memory_space<vmem>>) target(%dma_start3A_113 : memref<80x128xf32, #tpu.memory_space<hbm>>) target_semaphore(%run_scoped3A : memref<!tpu.dma_semaphore, #tpu.memory_space<semaphore_mem>>)
      %dma_wait3A_117 = arith.constant 0 : i32
      %dma_wait3A_118 = arith.constant 0 : i32
      %dma_wait3A_119 = tpu.memref_slice %arg12[%dma_wait3A_117, %dma_wait3A_118] : memref<80x128xf32, #tpu.memory_space<vmem>> -> memref<80x128xf32, #tpu.memory_space<vmem>>
      %dma_wait3A_120 = arith.constant 0 : i32
      %dma_wait3A_121 = arith.constant 0 : i32
      %dma_wait3A_122 = tpu.memref_slice %arg6[%arg0, %dma_wait3A_120, %dma_wait3A_121] : memref<2x10000x128xf32, #tpu.memory_space<hbm>> -> memref<1x10000x128xf32, #tpu.memory_space<hbm>>
      %dma_wait3A_123 = tpu.memref_squeeze %dma_wait3A_122 : memref<1x10000x128xf32, #tpu.memory_space<hbm>> -> memref<10000x128xf32, #tpu.memory_space<hbm>>
      %dma_wait3A_124 = arith.constant 0 : i32
      %dma_wait3A_125 = tpu.memref_slice %dma_wait3A_123[%multiple_of3A_72, %dma_wait3A_124] : memref<10000x128xf32, #tpu.memory_space<hbm>> -> memref<80x128xf32, #tpu.memory_space<hbm>>
      %dma_wait3A_126 = arith.constant 0 : i32
      %dma_wait3A_127 = arith.constant 0 : i32
      %dma_wait3A_128 = tpu.memref_slice %arg6[%arg0, %dma_wait3A_126, %dma_wait3A_127] : memref<2x10000x128xf32, #tpu.memory_space<hbm>> -> memref<1x10000x128xf32, #tpu.memory_space<hbm>>
      %dma_wait3A_129 = tpu.memref_squeeze %dma_wait3A_128 : memref<1x10000x128xf32, #tpu.memory_space<hbm>> -> memref<10000x128xf32, #tpu.memory_space<hbm>>
      %dma_wait3A_130 = arith.constant 0 : i32
      %dma_wait3A_131 = tpu.memref_slice %dma_wait3A_129[%multiple_of3A_72, %dma_wait3A_130] : memref<10000x128xf32, #tpu.memory_space<hbm>> -> memref<80x128xf32, #tpu.memory_space<hbm>>
      %dma_wait3A_132 = arith.constant 0 : i32
      %dma_wait3A_133 = arith.constant 0 : i32
      %dma_wait3A_134 = tpu.memref_slice %arg12[%dma_wait3A_132, %dma_wait3A_133] : memref<80x128xf32, #tpu.memory_space<vmem>> -> memref<80x128xf32, #tpu.memory_space<vmem>>
      tpu.wait_dma2 semaphore(%run_scoped3A : memref<!tpu.dma_semaphore, #tpu.memory_space<semaphore_mem>>) src(%dma_wait3A_134 : memref<80x128xf32, #tpu.memory_space<vmem>>) dst(%dma_wait3A_131 : memref<80x128xf32, #tpu.memory_space<hbm>>)
      tpu.yield
    }) : () -> ()
    %add3A_73 = arith.constant 80 : i32
    %add3A_74 = arith.addi %mul3A_69, %add3A_73 : i32
    %multiple_of3A_75 = tpu.assume_multiple %add3A_74, 8 : i32
    "tpu.region"() ({
      %run_scoped3A = tpu.sem_alloc : memref<!tpu.dma_semaphore, #tpu.memory_space<semaphore_mem>>
      %dma_start3A_99 = arith.constant 0 : i32
      %dma_start3A_100 = arith.constant 0 : i32
      %dma_start3A_101 = tpu.memref_slice %arg12[%dma_start3A_99, %dma_start3A_100] : memref<80x128xf32, #tpu.memory_space<vmem>> -> memref<80x128xf32, #tpu.memory_space<vmem>>
      %dma_start3A_102 = arith.constant 0 : i32
      %dma_start3A_103 = tpu.memref_slice %arg7[%multiple_of3A_75, %dma_start3A_102] : memref<10000x128xf32, #tpu.memory_space<vmem_shared>> -> memref<80x128xf32, #tpu.memory_space<vmem_shared>>
      %dma_start3A_104 = arith.constant 0 : i32
      %dma_start3A_105 = arith.constant 0 : i32
      %dma_start3A_106 = tpu.memref_slice %arg12[%dma_start3A_104, %dma_start3A_105] : memref<80x128xf32, #tpu.memory_space<vmem>> -> memref<80x128xf32, #tpu.memory_space<vmem>>
      %dma_start3A_107 = arith.constant 0 : i32
      %dma_start3A_108 = tpu.memref_slice %arg7[%multiple_of3A_75, %dma_start3A_107] : memref<10000x128xf32, #tpu.memory_space<vmem_shared>> -> memref<80x128xf32, #tpu.memory_space<vmem_shared>>
      tpu.enqueue_dma source(%dma_start3A_108 : memref<80x128xf32, #tpu.memory_space<vmem_shared>>) target(%dma_start3A_106 : memref<80x128xf32, #tpu.memory_space<vmem>>) target_semaphore(%run_scoped3A : memref<!tpu.dma_semaphore, #tpu.memory_space<semaphore_mem>>)
      %dma_wait3A_109 = arith.constant 0 : i32
      %dma_wait3A_110 = arith.constant 0 : i32
      %dma_wait3A_111 = tpu.memref_slice %arg12[%dma_wait3A_109, %dma_wait3A_110] : memref<80x128xf32, #tpu.memory_space<vmem>> -> memref<80x128xf32, #tpu.memory_space<vmem>>
      %dma_wait3A_112 = arith.constant 0 : i32
      %dma_wait3A_113 = tpu.memref_slice %arg7[%multiple_of3A_75, %dma_wait3A_112] : memref<10000x128xf32, #tpu.memory_space<vmem_shared>> -> memref<80x128xf32, #tpu.memory_space<vmem_shared>>
      %dma_wait3A_114 = arith.constant 0 : i32
      %dma_wait3A_115 = arith.constant 0 : i32
      %dma_wait3A_116 = tpu.memref_slice %arg12[%dma_wait3A_114, %dma_wait3A_115] : memref<80x128xf32, #tpu.memory_space<vmem>> -> memref<80x128xf32, #tpu.memory_space<vmem>>
      %dma_wait3A_117 = arith.constant 0 : i32
      %dma_wait3A_118 = tpu.memref_slice %arg7[%multiple_of3A_75, %dma_wait3A_117] : memref<10000x128xf32, #tpu.memory_space<vmem_shared>> -> memref<80x128xf32, #tpu.memory_space<vmem_shared>>
      tpu.wait_dma2 semaphore(%run_scoped3A : memref<!tpu.dma_semaphore, #tpu.memory_space<semaphore_mem>>) src(%dma_wait3A_118 : memref<80x128xf32, #tpu.memory_space<vmem_shared>>) dst(%dma_wait3A_116 : memref<80x128xf32, #tpu.memory_space<vmem>>)
      tpu.yield
    }) : () -> ()
    "tpu.region"() ({
      %run_scoped3A = tpu.sem_alloc : memref<!tpu.dma_semaphore, #tpu.memory_space<semaphore_mem>>
      %dma_start3A_99 = arith.constant 0 : i32
      %dma_start3A_100 = arith.constant 0 : i32
      %dma_start3A_101 = tpu.memref_slice %arg12[%dma_start3A_99, %dma_start3A_100] : memref<80x128xf32, #tpu.memory_space<vmem>> -> memref<80x128xf32, #tpu.memory_space<vmem>>
      %dma_start3A_102 = arith.constant 0 : i32
      %dma_start3A_103 = arith.constant 0 : i32
      %dma_start3A_104 = tpu.memref_slice %arg6[%arg0, %dma_start3A_102, %dma_start3A_103] : memref<2x10000x128xf32, #tpu.memory_space<hbm>> -> memref<1x10000x128xf32, #tpu.memory_space<hbm>>
      %dma_start3A_105 = tpu.memref_squeeze %dma_start3A_104 : memref<1x10000x128xf32, #tpu.memory_space<hbm>> -> memref<10000x128xf32, #tpu.memory_space<hbm>>
      %dma_start3A_106 = arith.constant 0 : i32
      %dma_start3A_107 = tpu.memref_slice %dma_start3A_105[%multiple_of3A_75, %dma_start3A_106] : memref<10000x128xf32, #tpu.memory_space<hbm>> -> memref<80x128xf32, #tpu.memory_space<hbm>>
      %dma_start3A_108 = arith.constant 0 : i32
      %dma_start3A_109 = arith.constant 0 : i32
      %dma_start3A_110 = tpu.memref_slice %arg6[%arg0, %dma_start3A_108, %dma_start3A_109] : memref<2x10000x128xf32, #tpu.memory_space<hbm>> -> memref<1x10000x128xf32, #tpu.memory_space<hbm>>
      %dma_start3A_111 = tpu.memref_squeeze %dma_start3A_110 : memref<1x10000x128xf32, #tpu.memory_space<hbm>> -> memref<10000x128xf32, #tpu.memory_space<hbm>>
      %dma_start3A_112 = arith.constant 0 : i32
      %dma_start3A_113 = tpu.memref_slice %dma_start3A_111[%multiple_of3A_75, %dma_start3A_112] : memref<10000x128xf32, #tpu.memory_space<hbm>> -> memref<80x128xf32, #tpu.memory_space<hbm>>
      %dma_start3A_114 = arith.constant 0 : i32
      %dma_start3A_115 = arith.constant 0 : i32
      %dma_start3A_116 = tpu.memref_slice %arg12[%dma_start3A_114, %dma_start3A_115] : memref<80x128xf32, #tpu.memory_space<vmem>> -> memref<80x128xf32, #tpu.memory_space<vmem>>
      tpu.enqueue_dma source(%dma_start3A_116 : memref<80x128xf32, #tpu.memory_space<vmem>>) target(%dma_start3A_113 : memref<80x128xf32, #tpu.memory_space<hbm>>) target_semaphore(%run_scoped3A : memref<!tpu.dma_semaphore, #tpu.memory_space<semaphore_mem>>)
      %dma_wait3A_117 = arith.constant 0 : i32
      %dma_wait3A_118 = arith.constant 0 : i32
      %dma_wait3A_119 = tpu.memref_slice %arg12[%dma_wait3A_117, %dma_wait3A_118] : memref<80x128xf32, #tpu.memory_space<vmem>> -> memref<80x128xf32, #tpu.memory_space<vmem>>
      %dma_wait3A_120 = arith.constant 0 : i32
      %dma_wait3A_121 = arith.constant 0 : i32
      %dma_wait3A_122 = tpu.memref_slice %arg6[%arg0, %dma_wait3A_120, %dma_wait3A_121] : memref<2x10000x128xf32, #tpu.memory_space<hbm>> -> memref<1x10000x128xf32, #tpu.memory_space<hbm>>
      %dma_wait3A_123 = tpu.memref_squeeze %dma_wait3A_122 : memref<1x10000x128xf32, #tpu.memory_space<hbm>> -> memref<10000x128xf32, #tpu.memory_space<hbm>>
      %dma_wait3A_124 = arith.constant 0 : i32
      %dma_wait3A_125 = tpu.memref_slice %dma_wait3A_123[%multiple_of3A_75, %dma_wait3A_124] : memref<10000x128xf32, #tpu.memory_space<hbm>> -> memref<80x128xf32, #tpu.memory_space<hbm>>
      %dma_wait3A_126 = arith.constant 0 : i32
      %dma_wait3A_127 = arith.constant 0 : i32
      %dma_wait3A_128 = tpu.memref_slice %arg6[%arg0, %dma_wait3A_126, %dma_wait3A_127] : memref<2x10000x128xf32, #tpu.memory_space<hbm>> -> memref<1x10000x128xf32, #tpu.memory_space<hbm>>
      %dma_wait3A_129 = tpu.memref_squeeze %dma_wait3A_128 : memref<1x10000x128xf32, #tpu.memory_space<hbm>> -> memref<10000x128xf32, #tpu.memory_space<hbm>>
      %dma_wait3A_130 = arith.constant 0 : i32
      %dma_wait3A_131 = tpu.memref_slice %dma_wait3A_129[%multiple_of3A_75, %dma_wait3A_130] : memref<10000x128xf32, #tpu.memory_space<hbm>> -> memref<80x128xf32, #tpu.memory_space<hbm>>
      %dma_wait3A_132 = arith.constant 0 : i32
      %dma_wait3A_133 = arith.constant 0 : i32
      %dma_wait3A_134 = tpu.memref_slice %arg12[%dma_wait3A_132, %dma_wait3A_133] : memref<80x128xf32, #tpu.memory_space<vmem>> -> memref<80x128xf32, #tpu.memory_space<vmem>>
      tpu.wait_dma2 semaphore(%run_scoped3A : memref<!tpu.dma_semaphore, #tpu.memory_space<semaphore_mem>>) src(%dma_wait3A_134 : memref<80x128xf32, #tpu.memory_space<vmem>>) dst(%dma_wait3A_131 : memref<80x128xf32, #tpu.memory_space<hbm>>)
      tpu.yield
    }) : () -> ()
    %add3A_76 = arith.constant 160 : i32
    %add3A_77 = arith.addi %mul3A_69, %add3A_76 : i32
    %multiple_of3A_78 = tpu.assume_multiple %add3A_77, 8 : i32
    "tpu.region"() ({
      %run_scoped3A = tpu.sem_alloc : memref<!tpu.dma_semaphore, #tpu.memory_space<semaphore_mem>>
      %dma_start3A_99 = arith.constant 0 : i32
      %dma_start3A_100 = arith.constant 0 : i32
      %dma_start3A_101 = tpu.memref_slice %arg12[%dma_start3A_99, %dma_start3A_100] : memref<80x128xf32, #tpu.memory_space<vmem>> -> memref<80x128xf32, #tpu.memory_space<vmem>>
      %dma_start3A_102 = arith.constant 0 : i32
      %dma_start3A_103 = tpu.memref_slice %arg7[%multiple_of3A_78, %dma_start3A_102] : memref<10000x128xf32, #tpu.memory_space<vmem_shared>> -> memref<80x128xf32, #tpu.memory_space<vmem_shared>>
      %dma_start3A_104 = arith.constant 0 : i32
      %dma_start3A_105 = arith.constant 0 : i32
      %dma_start3A_106 = tpu.memref_slice %arg12[%dma_start3A_104, %dma_start3A_105] : memref<80x128xf32, #tpu.memory_space<vmem>> -> memref<80x128xf32, #tpu.memory_space<vmem>>
      %dma_start3A_107 = arith.constant 0 : i32
      %dma_start3A_108 = tpu.memref_slice %arg7[%multiple_of3A_78, %dma_start3A_107] : memref<10000x128xf32, #tpu.memory_space<vmem_shared>> -> memref<80x128xf32, #tpu.memory_space<vmem_shared>>
      tpu.enqueue_dma source(%dma_start3A_108 : memref<80x128xf32, #tpu.memory_space<vmem_shared>>) target(%dma_start3A_106 : memref<80x128xf32, #tpu.memory_space<vmem>>) target_semaphore(%run_scoped3A : memref<!tpu.dma_semaphore, #tpu.memory_space<semaphore_mem>>)
      %dma_wait3A_109 = arith.constant 0 : i32
      %dma_wait3A_110 = arith.constant 0 : i32
      %dma_wait3A_111 = tpu.memref_slice %arg12[%dma_wait3A_109, %dma_wait3A_110] : memref<80x128xf32, #tpu.memory_space<vmem>> -> memref<80x128xf32, #tpu.memory_space<vmem>>
      %dma_wait3A_112 = arith.constant 0 : i32
      %dma_wait3A_113 = tpu.memref_slice %arg7[%multiple_of3A_78, %dma_wait3A_112] : memref<10000x128xf32, #tpu.memory_space<vmem_shared>> -> memref<80x128xf32, #tpu.memory_space<vmem_shared>>
      %dma_wait3A_114 = arith.constant 0 : i32
      %dma_wait3A_115 = arith.constant 0 : i32
      %dma_wait3A_116 = tpu.memref_slice %arg12[%dma_wait3A_114, %dma_wait3A_115] : memref<80x128xf32, #tpu.memory_space<vmem>> -> memref<80x128xf32, #tpu.memory_space<vmem>>
      %dma_wait3A_117 = arith.constant 0 : i32
      %dma_wait3A_118 = tpu.memref_slice %arg7[%multiple_of3A_78, %dma_wait3A_117] : memref<10000x128xf32, #tpu.memory_space<vmem_shared>> -> memref<80x128xf32, #tpu.memory_space<vmem_shared>>
      tpu.wait_dma2 semaphore(%run_scoped3A : memref<!tpu.dma_semaphore, #tpu.memory_space<semaphore_mem>>) src(%dma_wait3A_118 : memref<80x128xf32, #tpu.memory_space<vmem_shared>>) dst(%dma_wait3A_116 : memref<80x128xf32, #tpu.memory_space<vmem>>)
      tpu.yield
    }) : () -> ()
    "tpu.region"() ({
      %run_scoped3A = tpu.sem_alloc : memref<!tpu.dma_semaphore, #tpu.memory_space<semaphore_mem>>
      %dma_start3A_99 = arith.constant 0 : i32
      %dma_start3A_100 = arith.constant 0 : i32
      %dma_start3A_101 = tpu.memref_slice %arg12[%dma_start3A_99, %dma_start3A_100] : memref<80x128xf32, #tpu.memory_space<vmem>> -> memref<80x128xf32, #tpu.memory_space<vmem>>
      %dma_start3A_102 = arith.constant 0 : i32
      %dma_start3A_103 = arith.constant 0 : i32
      %dma_start3A_104 = tpu.memref_slice %arg6[%arg0, %dma_start3A_102, %dma_start3A_103] : memref<2x10000x128xf32, #tpu.memory_space<hbm>> -> memref<1x10000x128xf32, #tpu.memory_space<hbm>>
      %dma_start3A_105 = tpu.memref_squeeze %dma_start3A_104 : memref<1x10000x128xf32, #tpu.memory_space<hbm>> -> memref<10000x128xf32, #tpu.memory_space<hbm>>
      %dma_start3A_106 = arith.constant 0 : i32
      %dma_start3A_107 = tpu.memref_slice %dma_start3A_105[%multiple_of3A_78, %dma_start3A_106] : memref<10000x128xf32, #tpu.memory_space<hbm>> -> memref<80x128xf32, #tpu.memory_space<hbm>>
      %dma_start3A_108 = arith.constant 0 : i32
      %dma_start3A_109 = arith.constant 0 : i32
      %dma_start3A_110 = tpu.memref_slice %arg6[%arg0, %dma_start3A_108, %dma_start3A_109] : memref<2x10000x128xf32, #tpu.memory_space<hbm>> -> memref<1x10000x128xf32, #tpu.memory_space<hbm>>
      %dma_start3A_111 = tpu.memref_squeeze %dma_start3A_110 : memref<1x10000x128xf32, #tpu.memory_space<hbm>> -> memref<10000x128xf32, #tpu.memory_space<hbm>>
      %dma_start3A_112 = arith.constant 0 : i32
      %dma_start3A_113 = tpu.memref_slice %dma_start3A_111[%multiple_of3A_78, %dma_start3A_112] : memref<10000x128xf32, #tpu.memory_space<hbm>> -> memref<80x128xf32, #tpu.memory_space<hbm>>
      %dma_start3A_114 = arith.constant 0 : i32
      %dma_start3A_115 = arith.constant 0 : i32
      %dma_start3A_116 = tpu.memref_slice %arg12[%dma_start3A_114, %dma_start3A_115] : memref<80x128xf32, #tpu.memory_space<vmem>> -> memref<80x128xf32, #tpu.memory_space<vmem>>
      tpu.enqueue_dma source(%dma_start3A_116 : memref<80x128xf32, #tpu.memory_space<vmem>>) target(%dma_start3A_113 : memref<80x128xf32, #tpu.memory_space<hbm>>) target_semaphore(%run_scoped3A : memref<!tpu.dma_semaphore, #tpu.memory_space<semaphore_mem>>)
      %dma_wait3A_117 = arith.constant 0 : i32
      %dma_wait3A_118 = arith.constant 0 : i32
      %dma_wait3A_119 = tpu.memref_slice %arg12[%dma_wait3A_117, %dma_wait3A_118] : memref<80x128xf32, #tpu.memory_space<vmem>> -> memref<80x128xf32, #tpu.memory_space<vmem>>
      %dma_wait3A_120 = arith.constant 0 : i32
      %dma_wait3A_121 = arith.constant 0 : i32
      %dma_wait3A_122 = tpu.memref_slice %arg6[%arg0, %dma_wait3A_120, %dma_wait3A_121] : memref<2x10000x128xf32, #tpu.memory_space<hbm>> -> memref<1x10000x128xf32, #tpu.memory_space<hbm>>
      %dma_wait3A_123 = tpu.memref_squeeze %dma_wait3A_122 : memref<1x10000x128xf32, #tpu.memory_space<hbm>> -> memref<10000x128xf32, #tpu.memory_space<hbm>>
      %dma_wait3A_124 = arith.constant 0 : i32
      %dma_wait3A_125 = tpu.memref_slice %dma_wait3A_123[%multiple_of3A_78, %dma_wait3A_124] : memref<10000x128xf32, #tpu.memory_space<hbm>> -> memref<80x128xf32, #tpu.memory_space<hbm>>
      %dma_wait3A_126 = arith.constant 0 : i32
      %dma_wait3A_127 = arith.constant 0 : i32
      %dma_wait3A_128 = tpu.memref_slice %arg6[%arg0, %dma_wait3A_126, %dma_wait3A_127] : memref<2x10000x128xf32, #tpu.memory_space<hbm>> -> memref<1x10000x128xf32, #tpu.memory_space<hbm>>
      %dma_wait3A_129 = tpu.memref_squeeze %dma_wait3A_128 : memref<1x10000x128xf32, #tpu.memory_space<hbm>> -> memref<10000x128xf32, #tpu.memory_space<hbm>>
      %dma_wait3A_130 = arith.constant 0 : i32
      %dma_wait3A_131 = tpu.memref_slice %dma_wait3A_129[%multiple_of3A_78, %dma_wait3A_130] : memref<10000x128xf32, #tpu.memory_space<hbm>> -> memref<80x128xf32, #tpu.memory_space<hbm>>
      %dma_wait3A_132 = arith.constant 0 : i32
      %dma_wait3A_133 = arith.constant 0 : i32
      %dma_wait3A_134 = tpu.memref_slice %arg12[%dma_wait3A_132, %dma_wait3A_133] : memref<80x128xf32, #tpu.memory_space<vmem>> -> memref<80x128xf32, #tpu.memory_space<vmem>>
      tpu.wait_dma2 semaphore(%run_scoped3A : memref<!tpu.dma_semaphore, #tpu.memory_space<semaphore_mem>>) src(%dma_wait3A_134 : memref<80x128xf32, #tpu.memory_space<vmem>>) dst(%dma_wait3A_131 : memref<80x128xf32, #tpu.memory_space<hbm>>)
      tpu.yield
    }) : () -> ()
    %add3A_79 = arith.constant 240 : i32
    %add3A_80 = arith.addi %mul3A_69, %add3A_79 : i32
    %multiple_of3A_81 = tpu.assume_multiple %add3A_80, 8 : i32
    "tpu.region"() ({
      %run_scoped3A = tpu.sem_alloc : memref<!tpu.dma_semaphore, #tpu.memory_space<semaphore_mem>>
      %dma_start3A_99 = arith.constant 0 : i32
      %dma_start3A_100 = arith.constant 0 : i32
      %dma_start3A_101 = tpu.memref_slice %arg12[%dma_start3A_99, %dma_start3A_100] : memref<80x128xf32, #tpu.memory_space<vmem>> -> memref<80x128xf32, #tpu.memory_space<vmem>>
      %dma_start3A_102 = arith.constant 0 : i32
      %dma_start3A_103 = tpu.memref_slice %arg7[%multiple_of3A_81, %dma_start3A_102] : memref<10000x128xf32, #tpu.memory_space<vmem_shared>> -> memref<80x128xf32, #tpu.memory_space<vmem_shared>>
      %dma_start3A_104 = arith.constant 0 : i32
      %dma_start3A_105 = arith.constant 0 : i32
      %dma_start3A_106 = tpu.memref_slice %arg12[%dma_start3A_104, %dma_start3A_105] : memref<80x128xf32, #tpu.memory_space<vmem>> -> memref<80x128xf32, #tpu.memory_space<vmem>>
      %dma_start3A_107 = arith.constant 0 : i32
      %dma_start3A_108 = tpu.memref_slice %arg7[%multiple_of3A_81, %dma_start3A_107] : memref<10000x128xf32, #tpu.memory_space<vmem_shared>> -> memref<80x128xf32, #tpu.memory_space<vmem_shared>>
      tpu.enqueue_dma source(%dma_start3A_108 : memref<80x128xf32, #tpu.memory_space<vmem_shared>>) target(%dma_start3A_106 : memref<80x128xf32, #tpu.memory_space<vmem>>) target_semaphore(%run_scoped3A : memref<!tpu.dma_semaphore, #tpu.memory_space<semaphore_mem>>)
      %dma_wait3A_109 = arith.constant 0 : i32
      %dma_wait3A_110 = arith.constant 0 : i32
      %dma_wait3A_111 = tpu.memref_slice %arg12[%dma_wait3A_109, %dma_wait3A_110] : memref<80x128xf32, #tpu.memory_space<vmem>> -> memref<80x128xf32, #tpu.memory_space<vmem>>
      %dma_wait3A_112 = arith.constant 0 : i32
      %dma_wait3A_113 = tpu.memref_slice %arg7[%multiple_of3A_81, %dma_wait3A_112] : memref<10000x128xf32, #tpu.memory_space<vmem_shared>> -> memref<80x128xf32, #tpu.memory_space<vmem_shared>>
      %dma_wait3A_114 = arith.constant 0 : i32
      %dma_wait3A_115 = arith.constant 0 : i32
      %dma_wait3A_116 = tpu.memref_slice %arg12[%dma_wait3A_114, %dma_wait3A_115] : memref<80x128xf32, #tpu.memory_space<vmem>> -> memref<80x128xf32, #tpu.memory_space<vmem>>
      %dma_wait3A_117 = arith.constant 0 : i32
      %dma_wait3A_118 = tpu.memref_slice %arg7[%multiple_of3A_81, %dma_wait3A_117] : memref<10000x128xf32, #tpu.memory_space<vmem_shared>> -> memref<80x128xf32, #tpu.memory_space<vmem_shared>>
      tpu.wait_dma2 semaphore(%run_scoped3A : memref<!tpu.dma_semaphore, #tpu.memory_space<semaphore_mem>>) src(%dma_wait3A_118 : memref<80x128xf32, #tpu.memory_space<vmem_shared>>) dst(%dma_wait3A_116 : memref<80x128xf32, #tpu.memory_space<vmem>>)
      tpu.yield
    }) : () -> ()
    "tpu.region"() ({
      %run_scoped3A = tpu.sem_alloc : memref<!tpu.dma_semaphore, #tpu.memory_space<semaphore_mem>>
      %dma_start3A_99 = arith.constant 0 : i32
      %dma_start3A_100 = arith.constant 0 : i32
      %dma_start3A_101 = tpu.memref_slice %arg12[%dma_start3A_99, %dma_start3A_100] : memref<80x128xf32, #tpu.memory_space<vmem>> -> memref<80x128xf32, #tpu.memory_space<vmem>>
      %dma_start3A_102 = arith.constant 0 : i32
      %dma_start3A_103 = arith.constant 0 : i32
      %dma_start3A_104 = tpu.memref_slice %arg6[%arg0, %dma_start3A_102, %dma_start3A_103] : memref<2x10000x128xf32, #tpu.memory_space<hbm>> -> memref<1x10000x128xf32, #tpu.memory_space<hbm>>
      %dma_start3A_105 = tpu.memref_squeeze %dma_start3A_104 : memref<1x10000x128xf32, #tpu.memory_space<hbm>> -> memref<10000x128xf32, #tpu.memory_space<hbm>>
      %dma_start3A_106 = arith.constant 0 : i32
      %dma_start3A_107 = tpu.memref_slice %dma_start3A_105[%multiple_of3A_81, %dma_start3A_106] : memref<10000x128xf32, #tpu.memory_space<hbm>> -> memref<80x128xf32, #tpu.memory_space<hbm>>
      %dma_start3A_108 = arith.constant 0 : i32
      %dma_start3A_109 = arith.constant 0 : i32
      %dma_start3A_110 = tpu.memref_slice %arg6[%arg0, %dma_start3A_108, %dma_start3A_109] : memref<2x10000x128xf32, #tpu.memory_space<hbm>> -> memref<1x10000x128xf32, #tpu.memory_space<hbm>>
      %dma_start3A_111 = tpu.memref_squeeze %dma_start3A_110 : memref<1x10000x128xf32, #tpu.memory_space<hbm>> -> memref<10000x128xf32, #tpu.memory_space<hbm>>
      %dma_start3A_112 = arith.constant 0 : i32
      %dma_start3A_113 = tpu.memref_slice %dma_start3A_111[%multiple_of3A_81, %dma_start3A_112] : memref<10000x128xf32, #tpu.memory_space<hbm>> -> memref<80x128xf32, #tpu.memory_space<hbm>>
      %dma_start3A_114 = arith.constant 0 : i32
      %dma_start3A_115 = arith.constant 0 : i32
      %dma_start3A_116 = tpu.memref_slice %arg12[%dma_start3A_114, %dma_start3A_115] : memref<80x128xf32, #tpu.memory_space<vmem>> -> memref<80x128xf32, #tpu.memory_space<vmem>>
      tpu.enqueue_dma source(%dma_start3A_116 : memref<80x128xf32, #tpu.memory_space<vmem>>) target(%dma_start3A_113 : memref<80x128xf32, #tpu.memory_space<hbm>>) target_semaphore(%run_scoped3A : memref<!tpu.dma_semaphore, #tpu.memory_space<semaphore_mem>>)
      %dma_wait3A_117 = arith.constant 0 : i32
      %dma_wait3A_118 = arith.constant 0 : i32
      %dma_wait3A_119 = tpu.memref_slice %arg12[%dma_wait3A_117, %dma_wait3A_118] : memref<80x128xf32, #tpu.memory_space<vmem>> -> memref<80x128xf32, #tpu.memory_space<vmem>>
      %dma_wait3A_120 = arith.constant 0 : i32
      %dma_wait3A_121 = arith.constant 0 : i32
      %dma_wait3A_122 = tpu.memref_slice %arg6[%arg0, %dma_wait3A_120, %dma_wait3A_121] : memref<2x10000x128xf32, #tpu.memory_space<hbm>> -> memref<1x10000x128xf32, #tpu.memory_space<hbm>>
      %dma_wait3A_123 = tpu.memref_squeeze %dma_wait3A_122 : memref<1x10000x128xf32, #tpu.memory_space<hbm>> -> memref<10000x128xf32, #tpu.memory_space<hbm>>
      %dma_wait3A_124 = arith.constant 0 : i32
      %dma_wait3A_125 = tpu.memref_slice %dma_wait3A_123[%multiple_of3A_81, %dma_wait3A_124] : memref<10000x128xf32, #tpu.memory_space<hbm>> -> memref<80x128xf32, #tpu.memory_space<hbm>>
      %dma_wait3A_126 = arith.constant 0 : i32
      %dma_wait3A_127 = arith.constant 0 : i32
      %dma_wait3A_128 = tpu.memref_slice %arg6[%arg0, %dma_wait3A_126, %dma_wait3A_127] : memref<2x10000x128xf32, #tpu.memory_space<hbm>> -> memref<1x10000x128xf32, #tpu.memory_space<hbm>>
      %dma_wait3A_129 = tpu.memref_squeeze %dma_wait3A_128 : memref<1x10000x128xf32, #tpu.memory_space<hbm>> -> memref<10000x128xf32, #tpu.memory_space<hbm>>
      %dma_wait3A_130 = arith.constant 0 : i32
      %dma_wait3A_131 = tpu.memref_slice %dma_wait3A_129[%multiple_of3A_81, %dma_wait3A_130] : memref<10000x128xf32, #tpu.memory_space<hbm>> -> memref<80x128xf32, #tpu.memory_space<hbm>>
      %dma_wait3A_132 = arith.constant 0 : i32
      %dma_wait3A_133 = arith.constant 0 : i32
      %dma_wait3A_134 = tpu.memref_slice %arg12[%dma_wait3A_132, %dma_wait3A_133] : memref<80x128xf32, #tpu.memory_space<vmem>> -> memref<80x128xf32, #tpu.memory_space<vmem>>
      tpu.wait_dma2 semaphore(%run_scoped3A : memref<!tpu.dma_semaphore, #tpu.memory_space<semaphore_mem>>) src(%dma_wait3A_134 : memref<80x128xf32, #tpu.memory_space<vmem>>) dst(%dma_wait3A_131 : memref<80x128xf32, #tpu.memory_space<hbm>>)
      tpu.yield
    }) : () -> ()
    %add3A_82 = arith.constant 320 : i32
    %add3A_83 = arith.addi %mul3A_69, %add3A_82 : i32
    %multiple_of3A_84 = tpu.assume_multiple %add3A_83, 8 : i32
    "tpu.region"() ({
      %run_scoped3A = tpu.sem_alloc : memref<!tpu.dma_semaphore, #tpu.memory_space<semaphore_mem>>
      %dma_start3A_99 = arith.constant 0 : i32
      %dma_start3A_100 = arith.constant 0 : i32
      %dma_start3A_101 = tpu.memref_slice %arg12[%dma_start3A_99, %dma_start3A_100] : memref<80x128xf32, #tpu.memory_space<vmem>> -> memref<80x128xf32, #tpu.memory_space<vmem>>
      %dma_start3A_102 = arith.constant 0 : i32
      %dma_start3A_103 = tpu.memref_slice %arg7[%multiple_of3A_84, %dma_start3A_102] : memref<10000x128xf32, #tpu.memory_space<vmem_shared>> -> memref<80x128xf32, #tpu.memory_space<vmem_shared>>
      %dma_start3A_104 = arith.constant 0 : i32
      %dma_start3A_105 = arith.constant 0 : i32
      %dma_start3A_106 = tpu.memref_slice %arg12[%dma_start3A_104, %dma_start3A_105] : memref<80x128xf32, #tpu.memory_space<vmem>> -> memref<80x128xf32, #tpu.memory_space<vmem>>
      %dma_start3A_107 = arith.constant 0 : i32
      %dma_start3A_108 = tpu.memref_slice %arg7[%multiple_of3A_84, %dma_start3A_107] : memref<10000x128xf32, #tpu.memory_space<vmem_shared>> -> memref<80x128xf32, #tpu.memory_space<vmem_shared>>
      tpu.enqueue_dma source(%dma_start3A_108 : memref<80x128xf32, #tpu.memory_space<vmem_shared>>) target(%dma_start3A_106 : memref<80x128xf32, #tpu.memory_space<vmem>>) target_semaphore(%run_scoped3A : memref<!tpu.dma_semaphore, #tpu.memory_space<semaphore_mem>>)
      %dma_wait3A_109 = arith.constant 0 : i32
      %dma_wait3A_110 = arith.constant 0 : i32
      %dma_wait3A_111 = tpu.memref_slice %arg12[%dma_wait3A_109, %dma_wait3A_110] : memref<80x128xf32, #tpu.memory_space<vmem>> -> memref<80x128xf32, #tpu.memory_space<vmem>>
      %dma_wait3A_112 = arith.constant 0 : i32
      %dma_wait3A_113 = tpu.memref_slice %arg7[%multiple_of3A_84, %dma_wait3A_112] : memref<10000x128xf32, #tpu.memory_space<vmem_shared>> -> memref<80x128xf32, #tpu.memory_space<vmem_shared>>
      %dma_wait3A_114 = arith.constant 0 : i32
      %dma_wait3A_115 = arith.constant 0 : i32
      %dma_wait3A_116 = tpu.memref_slice %arg12[%dma_wait3A_114, %dma_wait3A_115] : memref<80x128xf32, #tpu.memory_space<vmem>> -> memref<80x128xf32, #tpu.memory_space<vmem>>
      %dma_wait3A_117 = arith.constant 0 : i32
      %dma_wait3A_118 = tpu.memref_slice %arg7[%multiple_of3A_84, %dma_wait3A_117] : memref<10000x128xf32, #tpu.memory_space<vmem_shared>> -> memref<80x128xf32, #tpu.memory_space<vmem_shared>>
      tpu.wait_dma2 semaphore(%run_scoped3A : memref<!tpu.dma_semaphore, #tpu.memory_space<semaphore_mem>>) src(%dma_wait3A_118 : memref<80x128xf32, #tpu.memory_space<vmem_shared>>) dst(%dma_wait3A_116 : memref<80x128xf32, #tpu.memory_space<vmem>>)
      tpu.yield
    }) : () -> ()
    "tpu.region"() ({
      %run_scoped3A = tpu.sem_alloc : memref<!tpu.dma_semaphore, #tpu.memory_space<semaphore_mem>>
      %dma_start3A_99 = arith.constant 0 : i32
      %dma_start3A_100 = arith.constant 0 : i32
      %dma_start3A_101 = tpu.memref_slice %arg12[%dma_start3A_99, %dma_start3A_100] : memref<80x128xf32, #tpu.memory_space<vmem>> -> memref<80x128xf32, #tpu.memory_space<vmem>>
      %dma_start3A_102 = arith.constant 0 : i32
      %dma_start3A_103 = arith.constant 0 : i32
      %dma_start3A_104 = tpu.memref_slice %arg6[%arg0, %dma_start3A_102, %dma_start3A_103] : memref<2x10000x128xf32, #tpu.memory_space<hbm>> -> memref<1x10000x128xf32, #tpu.memory_space<hbm>>
      %dma_start3A_105 = tpu.memref_squeeze %dma_start3A_104 : memref<1x10000x128xf32, #tpu.memory_space<hbm>> -> memref<10000x128xf32, #tpu.memory_space<hbm>>
      %dma_start3A_106 = arith.constant 0 : i32
      %dma_start3A_107 = tpu.memref_slice %dma_start3A_105[%multiple_of3A_84, %dma_start3A_106] : memref<10000x128xf32, #tpu.memory_space<hbm>> -> memref<80x128xf32, #tpu.memory_space<hbm>>
      %dma_start3A_108 = arith.constant 0 : i32
      %dma_start3A_109 = arith.constant 0 : i32
      %dma_start3A_110 = tpu.memref_slice %arg6[%arg0, %dma_start3A_108, %dma_start3A_109] : memref<2x10000x128xf32, #tpu.memory_space<hbm>> -> memref<1x10000x128xf32, #tpu.memory_space<hbm>>
      %dma_start3A_111 = tpu.memref_squeeze %dma_start3A_110 : memref<1x10000x128xf32, #tpu.memory_space<hbm>> -> memref<10000x128xf32, #tpu.memory_space<hbm>>
      %dma_start3A_112 = arith.constant 0 : i32
      %dma_start3A_113 = tpu.memref_slice %dma_start3A_111[%multiple_of3A_84, %dma_start3A_112] : memref<10000x128xf32, #tpu.memory_space<hbm>> -> memref<80x128xf32, #tpu.memory_space<hbm>>
      %dma_start3A_114 = arith.constant 0 : i32
      %dma_start3A_115 = arith.constant 0 : i32
      %dma_start3A_116 = tpu.memref_slice %arg12[%dma_start3A_114, %dma_start3A_115] : memref<80x128xf32, #tpu.memory_space<vmem>> -> memref<80x128xf32, #tpu.memory_space<vmem>>
      tpu.enqueue_dma source(%dma_start3A_116 : memref<80x128xf32, #tpu.memory_space<vmem>>) target(%dma_start3A_113 : memref<80x128xf32, #tpu.memory_space<hbm>>) target_semaphore(%run_scoped3A : memref<!tpu.dma_semaphore, #tpu.memory_space<semaphore_mem>>)
      %dma_wait3A_117 = arith.constant 0 : i32
      %dma_wait3A_118 = arith.constant 0 : i32
      %dma_wait3A_119 = tpu.memref_slice %arg12[%dma_wait3A_117, %dma_wait3A_118] : memref<80x128xf32, #tpu.memory_space<vmem>> -> memref<80x128xf32, #tpu.memory_space<vmem>>
      %dma_wait3A_120 = arith.constant 0 : i32
      %dma_wait3A_121 = arith.constant 0 : i32
      %dma_wait3A_122 = tpu.memref_slice %arg6[%arg0, %dma_wait3A_120, %dma_wait3A_121] : memref<2x10000x128xf32, #tpu.memory_space<hbm>> -> memref<1x10000x128xf32, #tpu.memory_space<hbm>>
      %dma_wait3A_123 = tpu.memref_squeeze %dma_wait3A_122 : memref<1x10000x128xf32, #tpu.memory_space<hbm>> -> memref<10000x128xf32, #tpu.memory_space<hbm>>
      %dma_wait3A_124 = arith.constant 0 : i32
      %dma_wait3A_125 = tpu.memref_slice %dma_wait3A_123[%multiple_of3A_84, %dma_wait3A_124] : memref<10000x128xf32, #tpu.memory_space<hbm>> -> memref<80x128xf32, #tpu.memory_space<hbm>>
      %dma_wait3A_126 = arith.constant 0 : i32
      %dma_wait3A_127 = arith.constant 0 : i32
      %dma_wait3A_128 = tpu.memref_slice %arg6[%arg0, %dma_wait3A_126, %dma_wait3A_127] : memref<2x10000x128xf32, #tpu.memory_space<hbm>> -> memref<1x10000x128xf32, #tpu.memory_space<hbm>>
      %dma_wait3A_129 = tpu.memref_squeeze %dma_wait3A_128 : memref<1x10000x128xf32, #tpu.memory_space<hbm>> -> memref<10000x128xf32, #tpu.memory_space<hbm>>
      %dma_wait3A_130 = arith.constant 0 : i32
      %dma_wait3A_131 = tpu.memref_slice %dma_wait3A_129[%multiple_of3A_84, %dma_wait3A_130] : memref<10000x128xf32, #tpu.memory_space<hbm>> -> memref<80x128xf32, #tpu.memory_space<hbm>>
      %dma_wait3A_132 = arith.constant 0 : i32
      %dma_wait3A_133 = arith.constant 0 : i32
      %dma_wait3A_134 = tpu.memref_slice %arg12[%dma_wait3A_132, %dma_wait3A_133] : memref<80x128xf32, #tpu.memory_space<vmem>> -> memref<80x128xf32, #tpu.memory_space<vmem>>
      tpu.wait_dma2 semaphore(%run_scoped3A : memref<!tpu.dma_semaphore, #tpu.memory_space<semaphore_mem>>) src(%dma_wait3A_134 : memref<80x128xf32, #tpu.memory_space<vmem>>) dst(%dma_wait3A_131 : memref<80x128xf32, #tpu.memory_space<hbm>>)
      tpu.yield
    }) : () -> ()
    %add3A_85 = arith.constant 400 : i32
    %add3A_86 = arith.addi %mul3A_69, %add3A_85 : i32
    %multiple_of3A_87 = tpu.assume_multiple %add3A_86, 8 : i32
    "tpu.region"() ({
      %run_scoped3A = tpu.sem_alloc : memref<!tpu.dma_semaphore, #tpu.memory_space<semaphore_mem>>
      %dma_start3A_99 = arith.constant 0 : i32
      %dma_start3A_100 = arith.constant 0 : i32
      %dma_start3A_101 = tpu.memref_slice %arg12[%dma_start3A_99, %dma_start3A_100] : memref<80x128xf32, #tpu.memory_space<vmem>> -> memref<80x128xf32, #tpu.memory_space<vmem>>
      %dma_start3A_102 = arith.constant 0 : i32
      %dma_start3A_103 = tpu.memref_slice %arg7[%multiple_of3A_87, %dma_start3A_102] : memref<10000x128xf32, #tpu.memory_space<vmem_shared>> -> memref<80x128xf32, #tpu.memory_space<vmem_shared>>
      %dma_start3A_104 = arith.constant 0 : i32
      %dma_start3A_105 = arith.constant 0 : i32
      %dma_start3A_106 = tpu.memref_slice %arg12[%dma_start3A_104, %dma_start3A_105] : memref<80x128xf32, #tpu.memory_space<vmem>> -> memref<80x128xf32, #tpu.memory_space<vmem>>
      %dma_start3A_107 = arith.constant 0 : i32
      %dma_start3A_108 = tpu.memref_slice %arg7[%multiple_of3A_87, %dma_start3A_107] : memref<10000x128xf32, #tpu.memory_space<vmem_shared>> -> memref<80x128xf32, #tpu.memory_space<vmem_shared>>
      tpu.enqueue_dma source(%dma_start3A_108 : memref<80x128xf32, #tpu.memory_space<vmem_shared>>) target(%dma_start3A_106 : memref<80x128xf32, #tpu.memory_space<vmem>>) target_semaphore(%run_scoped3A : memref<!tpu.dma_semaphore, #tpu.memory_space<semaphore_mem>>)
      %dma_wait3A_109 = arith.constant 0 : i32
      %dma_wait3A_110 = arith.constant 0 : i32
      %dma_wait3A_111 = tpu.memref_slice %arg12[%dma_wait3A_109, %dma_wait3A_110] : memref<80x128xf32, #tpu.memory_space<vmem>> -> memref<80x128xf32, #tpu.memory_space<vmem>>
      %dma_wait3A_112 = arith.constant 0 : i32
      %dma_wait3A_113 = tpu.memref_slice %arg7[%multiple_of3A_87, %dma_wait3A_112] : memref<10000x128xf32, #tpu.memory_space<vmem_shared>> -> memref<80x128xf32, #tpu.memory_space<vmem_shared>>
      %dma_wait3A_114 = arith.constant 0 : i32
      %dma_wait3A_115 = arith.constant 0 : i32
      %dma_wait3A_116 = tpu.memref_slice %arg12[%dma_wait3A_114, %dma_wait3A_115] : memref<80x128xf32, #tpu.memory_space<vmem>> -> memref<80x128xf32, #tpu.memory_space<vmem>>
      %dma_wait3A_117 = arith.constant 0 : i32
      %dma_wait3A_118 = tpu.memref_slice %arg7[%multiple_of3A_87, %dma_wait3A_117] : memref<10000x128xf32, #tpu.memory_space<vmem_shared>> -> memref<80x128xf32, #tpu.memory_space<vmem_shared>>
      tpu.wait_dma2 semaphore(%run_scoped3A : memref<!tpu.dma_semaphore, #tpu.memory_space<semaphore_mem>>) src(%dma_wait3A_118 : memref<80x128xf32, #tpu.memory_space<vmem_shared>>) dst(%dma_wait3A_116 : memref<80x128xf32, #tpu.memory_space<vmem>>)
      tpu.yield
    }) : () -> ()
    "tpu.region"() ({
      %run_scoped3A = tpu.sem_alloc : memref<!tpu.dma_semaphore, #tpu.memory_space<semaphore_mem>>
      %dma_start3A_99 = arith.constant 0 : i32
      %dma_start3A_100 = arith.constant 0 : i32
      %dma_start3A_101 = tpu.memref_slice %arg12[%dma_start3A_99, %dma_start3A_100] : memref<80x128xf32, #tpu.memory_space<vmem>> -> memref<80x128xf32, #tpu.memory_space<vmem>>
      %dma_start3A_102 = arith.constant 0 : i32
      %dma_start3A_103 = arith.constant 0 : i32
      %dma_start3A_104 = tpu.memref_slice %arg6[%arg0, %dma_start3A_102, %dma_start3A_103] : memref<2x10000x128xf32, #tpu.memory_space<hbm>> -> memref<1x10000x128xf32, #tpu.memory_space<hbm>>
      %dma_start3A_105 = tpu.memref_squeeze %dma_start3A_104 : memref<1x10000x128xf32, #tpu.memory_space<hbm>> -> memref<10000x128xf32, #tpu.memory_space<hbm>>
      %dma_start3A_106 = arith.constant 0 : i32
      %dma_start3A_107 = tpu.memref_slice %dma_start3A_105[%multiple_of3A_87, %dma_start3A_106] : memref<10000x128xf32, #tpu.memory_space<hbm>> -> memref<80x128xf32, #tpu.memory_space<hbm>>
      %dma_start3A_108 = arith.constant 0 : i32
      %dma_start3A_109 = arith.constant 0 : i32
      %dma_start3A_110 = tpu.memref_slice %arg6[%arg0, %dma_start3A_108, %dma_start3A_109] : memref<2x10000x128xf32, #tpu.memory_space<hbm>> -> memref<1x10000x128xf32, #tpu.memory_space<hbm>>
      %dma_start3A_111 = tpu.memref_squeeze %dma_start3A_110 : memref<1x10000x128xf32, #tpu.memory_space<hbm>> -> memref<10000x128xf32, #tpu.memory_space<hbm>>
      %dma_start3A_112 = arith.constant 0 : i32
      %dma_start3A_113 = tpu.memref_slice %dma_start3A_111[%multiple_of3A_87, %dma_start3A_112] : memref<10000x128xf32, #tpu.memory_space<hbm>> -> memref<80x128xf32, #tpu.memory_space<hbm>>
      %dma_start3A_114 = arith.constant 0 : i32
      %dma_start3A_115 = arith.constant 0 : i32
      %dma_start3A_116 = tpu.memref_slice %arg12[%dma_start3A_114, %dma_start3A_115] : memref<80x128xf32, #tpu.memory_space<vmem>> -> memref<80x128xf32, #tpu.memory_space<vmem>>
      tpu.enqueue_dma source(%dma_start3A_116 : memref<80x128xf32, #tpu.memory_space<vmem>>) target(%dma_start3A_113 : memref<80x128xf32, #tpu.memory_space<hbm>>) target_semaphore(%run_scoped3A : memref<!tpu.dma_semaphore, #tpu.memory_space<semaphore_mem>>)
      %dma_wait3A_117 = arith.constant 0 : i32
      %dma_wait3A_118 = arith.constant 0 : i32
      %dma_wait3A_119 = tpu.memref_slice %arg12[%dma_wait3A_117, %dma_wait3A_118] : memref<80x128xf32, #tpu.memory_space<vmem>> -> memref<80x128xf32, #tpu.memory_space<vmem>>
      %dma_wait3A_120 = arith.constant 0 : i32
      %dma_wait3A_121 = arith.constant 0 : i32
      %dma_wait3A_122 = tpu.memref_slice %arg6[%arg0, %dma_wait3A_120, %dma_wait3A_121] : memref<2x10000x128xf32, #tpu.memory_space<hbm>> -> memref<1x10000x128xf32, #tpu.memory_space<hbm>>
      %dma_wait3A_123 = tpu.memref_squeeze %dma_wait3A_122 : memref<1x10000x128xf32, #tpu.memory_space<hbm>> -> memref<10000x128xf32, #tpu.memory_space<hbm>>
      %dma_wait3A_124 = arith.constant 0 : i32
      %dma_wait3A_125 = tpu.memref_slice %dma_wait3A_123[%multiple_of3A_87, %dma_wait3A_124] : memref<10000x128xf32, #tpu.memory_space<hbm>> -> memref<80x128xf32, #tpu.memory_space<hbm>>
      %dma_wait3A_126 = arith.constant 0 : i32
      %dma_wait3A_127 = arith.constant 0 : i32
      %dma_wait3A_128 = tpu.memref_slice %arg6[%arg0, %dma_wait3A_126, %dma_wait3A_127] : memref<2x10000x128xf32, #tpu.memory_space<hbm>> -> memref<1x10000x128xf32, #tpu.memory_space<hbm>>
      %dma_wait3A_129 = tpu.memref_squeeze %dma_wait3A_128 : memref<1x10000x128xf32, #tpu.memory_space<hbm>> -> memref<10000x128xf32, #tpu.memory_space<hbm>>
      %dma_wait3A_130 = arith.constant 0 : i32
      %dma_wait3A_131 = tpu.memref_slice %dma_wait3A_129[%multiple_of3A_87, %dma_wait3A_130] : memref<10000x128xf32, #tpu.memory_space<hbm>> -> memref<80x128xf32, #tpu.memory_space<hbm>>
      %dma_wait3A_132 = arith.constant 0 : i32
      %dma_wait3A_133 = arith.constant 0 : i32
      %dma_wait3A_134 = tpu.memref_slice %arg12[%dma_wait3A_132, %dma_wait3A_133] : memref<80x128xf32, #tpu.memory_space<vmem>> -> memref<80x128xf32, #tpu.memory_space<vmem>>
      tpu.wait_dma2 semaphore(%run_scoped3A : memref<!tpu.dma_semaphore, #tpu.memory_space<semaphore_mem>>) src(%dma_wait3A_134 : memref<80x128xf32, #tpu.memory_space<vmem>>) dst(%dma_wait3A_131 : memref<80x128xf32, #tpu.memory_space<hbm>>)
      tpu.yield
    }) : () -> ()
    %add3A_88 = arith.constant 480 : i32
    %add3A_89 = arith.addi %mul3A_69, %add3A_88 : i32
    %multiple_of3A_90 = tpu.assume_multiple %add3A_89, 8 : i32
    "tpu.region"() ({
      %run_scoped3A = tpu.sem_alloc : memref<!tpu.dma_semaphore, #tpu.memory_space<semaphore_mem>>
      %dma_start3A_99 = arith.constant 0 : i32
      %dma_start3A_100 = arith.constant 0 : i32
      %dma_start3A_101 = tpu.memref_slice %arg12[%dma_start3A_99, %dma_start3A_100] : memref<80x128xf32, #tpu.memory_space<vmem>> -> memref<80x128xf32, #tpu.memory_space<vmem>>
      %dma_start3A_102 = arith.constant 0 : i32
      %dma_start3A_103 = tpu.memref_slice %arg7[%multiple_of3A_90, %dma_start3A_102] : memref<10000x128xf32, #tpu.memory_space<vmem_shared>> -> memref<80x128xf32, #tpu.memory_space<vmem_shared>>
      %dma_start3A_104 = arith.constant 0 : i32
      %dma_start3A_105 = arith.constant 0 : i32
      %dma_start3A_106 = tpu.memref_slice %arg12[%dma_start3A_104, %dma_start3A_105] : memref<80x128xf32, #tpu.memory_space<vmem>> -> memref<80x128xf32, #tpu.memory_space<vmem>>
      %dma_start3A_107 = arith.constant 0 : i32
      %dma_start3A_108 = tpu.memref_slice %arg7[%multiple_of3A_90, %dma_start3A_107] : memref<10000x128xf32, #tpu.memory_space<vmem_shared>> -> memref<80x128xf32, #tpu.memory_space<vmem_shared>>
      tpu.enqueue_dma source(%dma_start3A_108 : memref<80x128xf32, #tpu.memory_space<vmem_shared>>) target(%dma_start3A_106 : memref<80x128xf32, #tpu.memory_space<vmem>>) target_semaphore(%run_scoped3A : memref<!tpu.dma_semaphore, #tpu.memory_space<semaphore_mem>>)
      %dma_wait3A_109 = arith.constant 0 : i32
      %dma_wait3A_110 = arith.constant 0 : i32
      %dma_wait3A_111 = tpu.memref_slice %arg12[%dma_wait3A_109, %dma_wait3A_110] : memref<80x128xf32, #tpu.memory_space<vmem>> -> memref<80x128xf32, #tpu.memory_space<vmem>>
      %dma_wait3A_112 = arith.constant 0 : i32
      %dma_wait3A_113 = tpu.memref_slice %arg7[%multiple_of3A_90, %dma_wait3A_112] : memref<10000x128xf32, #tpu.memory_space<vmem_shared>> -> memref<80x128xf32, #tpu.memory_space<vmem_shared>>
      %dma_wait3A_114 = arith.constant 0 : i32
      %dma_wait3A_115 = arith.constant 0 : i32
      %dma_wait3A_116 = tpu.memref_slice %arg12[%dma_wait3A_114, %dma_wait3A_115] : memref<80x128xf32, #tpu.memory_space<vmem>> -> memref<80x128xf32, #tpu.memory_space<vmem>>
      %dma_wait3A_117 = arith.constant 0 : i32
      %dma_wait3A_118 = tpu.memref_slice %arg7[%multiple_of3A_90, %dma_wait3A_117] : memref<10000x128xf32, #tpu.memory_space<vmem_shared>> -> memref<80x128xf32, #tpu.memory_space<vmem_shared>>
      tpu.wait_dma2 semaphore(%run_scoped3A : memref<!tpu.dma_semaphore, #tpu.memory_space<semaphore_mem>>) src(%dma_wait3A_118 : memref<80x128xf32, #tpu.memory_space<vmem_shared>>) dst(%dma_wait3A_116 : memref<80x128xf32, #tpu.memory_space<vmem>>)
      tpu.yield
    }) : () -> ()
    "tpu.region"() ({
      %run_scoped3A = tpu.sem_alloc : memref<!tpu.dma_semaphore, #tpu.memory_space<semaphore_mem>>
      %dma_start3A_99 = arith.constant 0 : i32
      %dma_start3A_100 = arith.constant 0 : i32
      %dma_start3A_101 = tpu.memref_slice %arg12[%dma_start3A_99, %dma_start3A_100] : memref<80x128xf32, #tpu.memory_space<vmem>> -> memref<80x128xf32, #tpu.memory_space<vmem>>
      %dma_start3A_102 = arith.constant 0 : i32
      %dma_start3A_103 = arith.constant 0 : i32
      %dma_start3A_104 = tpu.memref_slice %arg6[%arg0, %dma_start3A_102, %dma_start3A_103] : memref<2x10000x128xf32, #tpu.memory_space<hbm>> -> memref<1x10000x128xf32, #tpu.memory_space<hbm>>
      %dma_start3A_105 = tpu.memref_squeeze %dma_start3A_104 : memref<1x10000x128xf32, #tpu.memory_space<hbm>> -> memref<10000x128xf32, #tpu.memory_space<hbm>>
      %dma_start3A_106 = arith.constant 0 : i32
      %dma_start3A_107 = tpu.memref_slice %dma_start3A_105[%multiple_of3A_90, %dma_start3A_106] : memref<10000x128xf32, #tpu.memory_space<hbm>> -> memref<80x128xf32, #tpu.memory_space<hbm>>
      %dma_start3A_108 = arith.constant 0 : i32
      %dma_start3A_109 = arith.constant 0 : i32
      %dma_start3A_110 = tpu.memref_slice %arg6[%arg0, %dma_start3A_108, %dma_start3A_109] : memref<2x10000x128xf32, #tpu.memory_space<hbm>> -> memref<1x10000x128xf32, #tpu.memory_space<hbm>>
      %dma_start3A_111 = tpu.memref_squeeze %dma_start3A_110 : memref<1x10000x128xf32, #tpu.memory_space<hbm>> -> memref<10000x128xf32, #tpu.memory_space<hbm>>
      %dma_start3A_112 = arith.constant 0 : i32
      %dma_start3A_113 = tpu.memref_slice %dma_start3A_111[%multiple_of3A_90, %dma_start3A_112] : memref<10000x128xf32, #tpu.memory_space<hbm>> -> memref<80x128xf32, #tpu.memory_space<hbm>>
      %dma_start3A_114 = arith.constant 0 : i32
      %dma_start3A_115 = arith.constant 0 : i32
      %dma_start3A_116 = tpu.memref_slice %arg12[%dma_start3A_114, %dma_start3A_115] : memref<80x128xf32, #tpu.memory_space<vmem>> -> memref<80x128xf32, #tpu.memory_space<vmem>>
      tpu.enqueue_dma source(%dma_start3A_116 : memref<80x128xf32, #tpu.memory_space<vmem>>) target(%dma_start3A_113 : memref<80x128xf32, #tpu.memory_space<hbm>>) target_semaphore(%run_scoped3A : memref<!tpu.dma_semaphore, #tpu.memory_space<semaphore_mem>>)
      %dma_wait3A_117 = arith.constant 0 : i32
      %dma_wait3A_118 = arith.constant 0 : i32
      %dma_wait3A_119 = tpu.memref_slice %arg12[%dma_wait3A_117, %dma_wait3A_118] : memref<80x128xf32, #tpu.memory_space<vmem>> -> memref<80x128xf32, #tpu.memory_space<vmem>>
      %dma_wait3A_120 = arith.constant 0 : i32
      %dma_wait3A_121 = arith.constant 0 : i32
      %dma_wait3A_122 = tpu.memref_slice %arg6[%arg0, %dma_wait3A_120, %dma_wait3A_121] : memref<2x10000x128xf32, #tpu.memory_space<hbm>> -> memref<1x10000x128xf32, #tpu.memory_space<hbm>>
      %dma_wait3A_123 = tpu.memref_squeeze %dma_wait3A_122 : memref<1x10000x128xf32, #tpu.memory_space<hbm>> -> memref<10000x128xf32, #tpu.memory_space<hbm>>
      %dma_wait3A_124 = arith.constant 0 : i32
      %dma_wait3A_125 = tpu.memref_slice %dma_wait3A_123[%multiple_of3A_90, %dma_wait3A_124] : memref<10000x128xf32, #tpu.memory_space<hbm>> -> memref<80x128xf32, #tpu.memory_space<hbm>>
      %dma_wait3A_126 = arith.constant 0 : i32
      %dma_wait3A_127 = arith.constant 0 : i32
      %dma_wait3A_128 = tpu.memref_slice %arg6[%arg0, %dma_wait3A_126, %dma_wait3A_127] : memref<2x10000x128xf32, #tpu.memory_space<hbm>> -> memref<1x10000x128xf32, #tpu.memory_space<hbm>>
      %dma_wait3A_129 = tpu.memref_squeeze %dma_wait3A_128 : memref<1x10000x128xf32, #tpu.memory_space<hbm>> -> memref<10000x128xf32, #tpu.memory_space<hbm>>
      %dma_wait3A_130 = arith.constant 0 : i32
      %dma_wait3A_131 = tpu.memref_slice %dma_wait3A_129[%multiple_of3A_90, %dma_wait3A_130] : memref<10000x128xf32, #tpu.memory_space<hbm>> -> memref<80x128xf32, #tpu.memory_space<hbm>>
      %dma_wait3A_132 = arith.constant 0 : i32
      %dma_wait3A_133 = arith.constant 0 : i32
      %dma_wait3A_134 = tpu.memref_slice %arg12[%dma_wait3A_132, %dma_wait3A_133] : memref<80x128xf32, #tpu.memory_space<vmem>> -> memref<80x128xf32, #tpu.memory_space<vmem>>
      tpu.wait_dma2 semaphore(%run_scoped3A : memref<!tpu.dma_semaphore, #tpu.memory_space<semaphore_mem>>) src(%dma_wait3A_134 : memref<80x128xf32, #tpu.memory_space<vmem>>) dst(%dma_wait3A_131 : memref<80x128xf32, #tpu.memory_space<hbm>>)
      tpu.yield
    }) : () -> ()
    %add3A_91 = arith.constant 560 : i32
    %add3A_92 = arith.addi %mul3A_69, %add3A_91 : i32
    %multiple_of3A_93 = tpu.assume_multiple %add3A_92, 8 : i32
    "tpu.region"() ({
      %run_scoped3A = tpu.sem_alloc : memref<!tpu.dma_semaphore, #tpu.memory_space<semaphore_mem>>
      %dma_start3A_99 = arith.constant 0 : i32
      %dma_start3A_100 = arith.constant 0 : i32
      %dma_start3A_101 = tpu.memref_slice %arg12[%dma_start3A_99, %dma_start3A_100] : memref<80x128xf32, #tpu.memory_space<vmem>> -> memref<64x128xf32, #tpu.memory_space<vmem>>
      %dma_start3A_102 = arith.constant 0 : i32
      %dma_start3A_103 = tpu.memref_slice %arg7[%multiple_of3A_93, %dma_start3A_102] : memref<10000x128xf32, #tpu.memory_space<vmem_shared>> -> memref<64x128xf32, #tpu.memory_space<vmem_shared>>
      %dma_start3A_104 = arith.constant 0 : i32
      %dma_start3A_105 = arith.constant 0 : i32
      %dma_start3A_106 = tpu.memref_slice %arg12[%dma_start3A_104, %dma_start3A_105] : memref<80x128xf32, #tpu.memory_space<vmem>> -> memref<64x128xf32, #tpu.memory_space<vmem>>
      %dma_start3A_107 = arith.constant 0 : i32
      %dma_start3A_108 = tpu.memref_slice %arg7[%multiple_of3A_93, %dma_start3A_107] : memref<10000x128xf32, #tpu.memory_space<vmem_shared>> -> memref<64x128xf32, #tpu.memory_space<vmem_shared>>
      tpu.enqueue_dma source(%dma_start3A_108 : memref<64x128xf32, #tpu.memory_space<vmem_shared>>) target(%dma_start3A_106 : memref<64x128xf32, #tpu.memory_space<vmem>>) target_semaphore(%run_scoped3A : memref<!tpu.dma_semaphore, #tpu.memory_space<semaphore_mem>>)
      %dma_wait3A_109 = arith.constant 0 : i32
      %dma_wait3A_110 = arith.constant 0 : i32
      %dma_wait3A_111 = tpu.memref_slice %arg12[%dma_wait3A_109, %dma_wait3A_110] : memref<80x128xf32, #tpu.memory_space<vmem>> -> memref<64x128xf32, #tpu.memory_space<vmem>>
      %dma_wait3A_112 = arith.constant 0 : i32
      %dma_wait3A_113 = tpu.memref_slice %arg7[%multiple_of3A_93, %dma_wait3A_112] : memref<10000x128xf32, #tpu.memory_space<vmem_shared>> -> memref<64x128xf32, #tpu.memory_space<vmem_shared>>
      %dma_wait3A_114 = arith.constant 0 : i32
      %dma_wait3A_115 = arith.constant 0 : i32
      %dma_wait3A_116 = tpu.memref_slice %arg12[%dma_wait3A_114, %dma_wait3A_115] : memref<80x128xf32, #tpu.memory_space<vmem>> -> memref<64x128xf32, #tpu.memory_space<vmem>>
      %dma_wait3A_117 = arith.constant 0 : i32
      %dma_wait3A_118 = tpu.memref_slice %arg7[%multiple_of3A_93, %dma_wait3A_117] : memref<10000x128xf32, #tpu.memory_space<vmem_shared>> -> memref<64x128xf32, #tpu.memory_space<vmem_shared>>
      tpu.wait_dma2 semaphore(%run_scoped3A : memref<!tpu.dma_semaphore, #tpu.memory_space<semaphore_mem>>) src(%dma_wait3A_118 : memref<64x128xf32, #tpu.memory_space<vmem_shared>>) dst(%dma_wait3A_116 : memref<64x128xf32, #tpu.memory_space<vmem>>)
      tpu.yield
    }) : () -> ()
    "tpu.region"() ({
      %run_scoped3A = tpu.sem_alloc : memref<!tpu.dma_semaphore, #tpu.memory_space<semaphore_mem>>
      %dma_start3A_99 = arith.constant 0 : i32
      %dma_start3A_100 = arith.constant 0 : i32
      %dma_start3A_101 = tpu.memref_slice %arg12[%dma_start3A_99, %dma_start3A_100] : memref<80x128xf32, #tpu.memory_space<vmem>> -> memref<64x128xf32, #tpu.memory_space<vmem>>
      %dma_start3A_102 = arith.constant 0 : i32
      %dma_start3A_103 = arith.constant 0 : i32
      %dma_start3A_104 = tpu.memref_slice %arg6[%arg0, %dma_start3A_102, %dma_start3A_103] : memref<2x10000x128xf32, #tpu.memory_space<hbm>> -> memref<1x10000x128xf32, #tpu.memory_space<hbm>>
      %dma_start3A_105 = tpu.memref_squeeze %dma_start3A_104 : memref<1x10000x128xf32, #tpu.memory_space<hbm>> -> memref<10000x128xf32, #tpu.memory_space<hbm>>
      %dma_start3A_106 = arith.constant 0 : i32
      %dma_start3A_107 = tpu.memref_slice %dma_start3A_105[%multiple_of3A_93, %dma_start3A_106] : memref<10000x128xf32, #tpu.memory_space<hbm>> -> memref<64x128xf32, #tpu.memory_space<hbm>>
      %dma_start3A_108 = arith.constant 0 : i32
      %dma_start3A_109 = arith.constant 0 : i32
      %dma_start3A_110 = tpu.memref_slice %arg6[%arg0, %dma_start3A_108, %dma_start3A_109] : memref<2x10000x128xf32, #tpu.memory_space<hbm>> -> memref<1x10000x128xf32, #tpu.memory_space<hbm>>
      %dma_start3A_111 = tpu.memref_squeeze %dma_start3A_110 : memref<1x10000x128xf32, #tpu.memory_space<hbm>> -> memref<10000x128xf32, #tpu.memory_space<hbm>>
      %dma_start3A_112 = arith.constant 0 : i32
      %dma_start3A_113 = tpu.memref_slice %dma_start3A_111[%multiple_of3A_93, %dma_start3A_112] : memref<10000x128xf32, #tpu.memory_space<hbm>> -> memref<64x128xf32, #tpu.memory_space<hbm>>
      %dma_start3A_114 = arith.constant 0 : i32
      %dma_start3A_115 = arith.constant 0 : i32
      %dma_start3A_116 = tpu.memref_slice %arg12[%dma_start3A_114, %dma_start3A_115] : memref<80x128xf32, #tpu.memory_space<vmem>> -> memref<64x128xf32, #tpu.memory_space<vmem>>
      tpu.enqueue_dma source(%dma_start3A_116 : memref<64x128xf32, #tpu.memory_space<vmem>>) target(%dma_start3A_113 : memref<64x128xf32, #tpu.memory_space<hbm>>) target_semaphore(%run_scoped3A : memref<!tpu.dma_semaphore, #tpu.memory_space<semaphore_mem>>)
      %dma_wait3A_117 = arith.constant 0 : i32
      %dma_wait3A_118 = arith.constant 0 : i32
      %dma_wait3A_119 = tpu.memref_slice %arg12[%dma_wait3A_117, %dma_wait3A_118] : memref<80x128xf32, #tpu.memory_space<vmem>> -> memref<64x128xf32, #tpu.memory_space<vmem>>
      %dma_wait3A_120 = arith.constant 0 : i32
      %dma_wait3A_121 = arith.constant 0 : i32
      %dma_wait3A_122 = tpu.memref_slice %arg6[%arg0, %dma_wait3A_120, %dma_wait3A_121] : memref<2x10000x128xf32, #tpu.memory_space<hbm>> -> memref<1x10000x128xf32, #tpu.memory_space<hbm>>
      %dma_wait3A_123 = tpu.memref_squeeze %dma_wait3A_122 : memref<1x10000x128xf32, #tpu.memory_space<hbm>> -> memref<10000x128xf32, #tpu.memory_space<hbm>>
      %dma_wait3A_124 = arith.constant 0 : i32
      %dma_wait3A_125 = tpu.memref_slice %dma_wait3A_123[%multiple_of3A_93, %dma_wait3A_124] : memref<10000x128xf32, #tpu.memory_space<hbm>> -> memref<64x128xf32, #tpu.memory_space<hbm>>
      %dma_wait3A_126 = arith.constant 0 : i32
      %dma_wait3A_127 = arith.constant 0 : i32
      %dma_wait3A_128 = tpu.memref_slice %arg6[%arg0, %dma_wait3A_126, %dma_wait3A_127] : memref<2x10000x128xf32, #tpu.memory_space<hbm>> -> memref<1x10000x128xf32, #tpu.memory_space<hbm>>
      %dma_wait3A_129 = tpu.memref_squeeze %dma_wait3A_128 : memref<1x10000x128xf32, #tpu.memory_space<hbm>> -> memref<10000x128xf32, #tpu.memory_space<hbm>>
      %dma_wait3A_130 = arith.constant 0 : i32
      %dma_wait3A_131 = tpu.memref_slice %dma_wait3A_129[%multiple_of3A_93, %dma_wait3A_130] : memref<10000x128xf32, #tpu.memory_space<hbm>> -> memref<64x128xf32, #tpu.memory_space<hbm>>
      %dma_wait3A_132 = arith.constant 0 : i32
      %dma_wait3A_133 = arith.constant 0 : i32
      %dma_wait3A_134 = tpu.memref_slice %arg12[%dma_wait3A_132, %dma_wait3A_133] : memref<80x128xf32, #tpu.memory_space<vmem>> -> memref<64x128xf32, #tpu.memory_space<vmem>>
      tpu.wait_dma2 semaphore(%run_scoped3A : memref<!tpu.dma_semaphore, #tpu.memory_space<semaphore_mem>>) src(%dma_wait3A_134 : memref<64x128xf32, #tpu.memory_space<vmem>>) dst(%dma_wait3A_131 : memref<64x128xf32, #tpu.memory_space<hbm>>)
      tpu.yield
    }) : () -> ()
    %eq3A_94 = arith.constant 15 : i32
    %eq3A_95 = arith.cmpi eq, %arg1, %eq3A_94 : i32
    %convert_element_type3A_96 = arith.extui %eq3A_95 : i1 to i32
    %cond3A_97 = arith.constant 0 : i32
    %cond3A_98 = arith.cmpi ne, %convert_element_type3A_96, %cond3A_97 : i32
    scf.if %cond3A_98 {
      %multiple_of3A_99 = arith.constant 9984 : i32
      %multiple_of3A_100 = tpu.assume_multiple %multiple_of3A_99, 8 : i32
      "tpu.region"() ({
        %run_scoped3A = tpu.sem_alloc : memref<!tpu.dma_semaphore, #tpu.memory_space<semaphore_mem>>
        %dma_start3A_101 = arith.constant 0 : i32
        %dma_start3A_102 = arith.constant 0 : i32
        %dma_start3A_103 = tpu.memref_slice %arg12[%dma_start3A_101, %dma_start3A_102] : memref<80x128xf32, #tpu.memory_space<vmem>> -> memref<16x128xf32, #tpu.memory_space<vmem>>
        %dma_start3A_104 = arith.constant 0 : i32
        %dma_start3A_105 = tpu.memref_slice %arg7[%multiple_of3A_100, %dma_start3A_104] : memref<10000x128xf32, #tpu.memory_space<vmem_shared>> -> memref<16x128xf32, #tpu.memory_space<vmem_shared>>
        %dma_start3A_106 = arith.constant 0 : i32
        %dma_start3A_107 = arith.constant 0 : i32
        %dma_start3A_108 = tpu.memref_slice %arg12[%dma_start3A_106, %dma_start3A_107] : memref<80x128xf32, #tpu.memory_space<vmem>> -> memref<16x128xf32, #tpu.memory_space<vmem>>
        %dma_start3A_109 = arith.constant 0 : i32
        %dma_start3A_110 = tpu.memref_slice %arg7[%multiple_of3A_100, %dma_start3A_109] : memref<10000x128xf32, #tpu.memory_space<vmem_shared>> -> memref<16x128xf32, #tpu.memory_space<vmem_shared>>
        tpu.enqueue_dma source(%dma_start3A_110 : memref<16x128xf32, #tpu.memory_space<vmem_shared>>) target(%dma_start3A_108 : memref<16x128xf32, #tpu.memory_space<vmem>>) target_semaphore(%run_scoped3A : memref<!tpu.dma_semaphore, #tpu.memory_space<semaphore_mem>>)
        %dma_wait3A_111 = arith.constant 0 : i32
        %dma_wait3A_112 = arith.constant 0 : i32
        %dma_wait3A_113 = tpu.memref_slice %arg12[%dma_wait3A_111, %dma_wait3A_112] : memref<80x128xf32, #tpu.memory_space<vmem>> -> memref<16x128xf32, #tpu.memory_space<vmem>>
        %dma_wait3A_114 = arith.constant 0 : i32
        %dma_wait3A_115 = tpu.memref_slice %arg7[%multiple_of3A_100, %dma_wait3A_114] : memref<10000x128xf32, #tpu.memory_space<vmem_shared>> -> memref<16x128xf32, #tpu.memory_space<vmem_shared>>
        %dma_wait3A_116 = arith.constant 0 : i32
        %dma_wait3A_117 = arith.constant 0 : i32
        %dma_wait3A_118 = tpu.memref_slice %arg12[%dma_wait3A_116, %dma_wait3A_117] : memref<80x128xf32, #tpu.memory_space<vmem>> -> memref<16x128xf32, #tpu.memory_space<vmem>>
        %dma_wait3A_119 = arith.constant 0 : i32
        %dma_wait3A_120 = tpu.memref_slice %arg7[%multiple_of3A_100, %dma_wait3A_119] : memref<10000x128xf32, #tpu.memory_space<vmem_shared>> -> memref<16x128xf32, #tpu.memory_space<vmem_shared>>
        tpu.wait_dma2 semaphore(%run_scoped3A : memref<!tpu.dma_semaphore, #tpu.memory_space<semaphore_mem>>) src(%dma_wait3A_120 : memref<16x128xf32, #tpu.memory_space<vmem_shared>>) dst(%dma_wait3A_118 : memref<16x128xf32, #tpu.memory_space<vmem>>)
        tpu.yield
      }) : () -> ()
      "tpu.region"() ({
        %run_scoped3A = tpu.sem_alloc : memref<!tpu.dma_semaphore, #tpu.memory_space<semaphore_mem>>
        %dma_start3A_101 = arith.constant 0 : i32
        %dma_start3A_102 = arith.constant 0 : i32
        %dma_start3A_103 = tpu.memref_slice %arg12[%dma_start3A_101, %dma_start3A_102] : memref<80x128xf32, #tpu.memory_space<vmem>> -> memref<16x128xf32, #tpu.memory_space<vmem>>
        %dma_start3A_104 = arith.constant 0 : i32
        %dma_start3A_105 = arith.constant 0 : i32
        %dma_start3A_106 = tpu.memref_slice %arg6[%arg0, %dma_start3A_104, %dma_start3A_105] : memref<2x10000x128xf32, #tpu.memory_space<hbm>> -> memref<1x10000x128xf32, #tpu.memory_space<hbm>>
        %dma_start3A_107 = tpu.memref_squeeze %dma_start3A_106 : memref<1x10000x128xf32, #tpu.memory_space<hbm>> -> memref<10000x128xf32, #tpu.memory_space<hbm>>
        %dma_start3A_108 = arith.constant 0 : i32
        %dma_start3A_109 = tpu.memref_slice %dma_start3A_107[%multiple_of3A_100, %dma_start3A_108] : memref<10000x128xf32, #tpu.memory_space<hbm>> -> memref<16x128xf32, #tpu.memory_space<hbm>>
        %dma_start3A_110 = arith.constant 0 : i32
        %dma_start3A_111 = arith.constant 0 : i32
        %dma_start3A_112 = tpu.memref_slice %arg6[%arg0, %dma_start3A_110, %dma_start3A_111] : memref<2x10000x128xf32, #tpu.memory_space<hbm>> -> memref<1x10000x128xf32, #tpu.memory_space<hbm>>
        %dma_start3A_113 = tpu.memref_squeeze %dma_start3A_112 : memref<1x10000x128xf32, #tpu.memory_space<hbm>> -> memref<10000x128xf32, #tpu.memory_space<hbm>>
        %dma_start3A_114 = arith.constant 0 : i32
        %dma_start3A_115 = tpu.memref_slice %dma_start3A_113[%multiple_of3A_100, %dma_start3A_114] : memref<10000x128xf32, #tpu.memory_space<hbm>> -> memref<16x128xf32, #tpu.memory_space<hbm>>
        %dma_start3A_116 = arith.constant 0 : i32
        %dma_start3A_117 = arith.constant 0 : i32
        %dma_start3A_118 = tpu.memref_slice %arg12[%dma_start3A_116, %dma_start3A_117] : memref<80x128xf32, #tpu.memory_space<vmem>> -> memref<16x128xf32, #tpu.memory_space<vmem>>
        tpu.enqueue_dma source(%dma_start3A_118 : memref<16x128xf32, #tpu.memory_space<vmem>>) target(%dma_start3A_115 : memref<16x128xf32, #tpu.memory_space<hbm>>) target_semaphore(%run_scoped3A : memref<!tpu.dma_semaphore, #tpu.memory_space<semaphore_mem>>)
        %dma_wait3A_119 = arith.constant 0 : i32
        %dma_wait3A_120 = arith.constant 0 : i32
        %dma_wait3A_121 = tpu.memref_slice %arg12[%dma_wait3A_119, %dma_wait3A_120] : memref<80x128xf32, #tpu.memory_space<vmem>> -> memref<16x128xf32, #tpu.memory_space<vmem>>
        %dma_wait3A_122 = arith.constant 0 : i32
        %dma_wait3A_123 = arith.constant 0 : i32
        %dma_wait3A_124 = tpu.memref_slice %arg6[%arg0, %dma_wait3A_122, %dma_wait3A_123] : memref<2x10000x128xf32, #tpu.memory_space<hbm>> -> memref<1x10000x128xf32, #tpu.memory_space<hbm>>
        %dma_wait3A_125 = tpu.memref_squeeze %dma_wait3A_124 : memref<1x10000x128xf32, #tpu.memory_space<hbm>> -> memref<10000x128xf32, #tpu.memory_space<hbm>>
        %dma_wait3A_126 = arith.constant 0 : i32
        %dma_wait3A_127 = tpu.memref_slice %dma_wait3A_125[%multiple_of3A_100, %dma_wait3A_126] : memref<10000x128xf32, #tpu.memory_space<hbm>> -> memref<16x128xf32, #tpu.memory_space<hbm>>
        %dma_wait3A_128 = arith.constant 0 : i32
        %dma_wait3A_129 = arith.constant 0 : i32
        %dma_wait3A_130 = tpu.memref_slice %arg6[%arg0, %dma_wait3A_128, %dma_wait3A_129] : memref<2x10000x128xf32, #tpu.memory_space<hbm>> -> memref<1x10000x128xf32, #tpu.memory_space<hbm>>
        %dma_wait3A_131 = tpu.memref_squeeze %dma_wait3A_130 : memref<1x10000x128xf32, #tpu.memory_space<hbm>> -> memref<10000x128xf32, #tpu.memory_space<hbm>>
        %dma_wait3A_132 = arith.constant 0 : i32
        %dma_wait3A_133 = tpu.memref_slice %dma_wait3A_131[%multiple_of3A_100, %dma_wait3A_132] : memref<10000x128xf32, #tpu.memory_space<hbm>> -> memref<16x128xf32, #tpu.memory_space<hbm>>
        %dma_wait3A_134 = arith.constant 0 : i32
        %dma_wait3A_135 = arith.constant 0 : i32
        %dma_wait3A_136 = tpu.memref_slice %arg12[%dma_wait3A_134, %dma_wait3A_135] : memref<80x128xf32, #tpu.memory_space<vmem>> -> memref<16x128xf32, #tpu.memory_space<vmem>>
        tpu.wait_dma2 semaphore(%run_scoped3A : memref<!tpu.dma_semaphore, #tpu.memory_space<semaphore_mem>>) src(%dma_wait3A_136 : memref<16x128xf32, #tpu.memory_space<vmem>>) dst(%dma_wait3A_133 : memref<16x128xf32, #tpu.memory_space<hbm>>)
        tpu.yield
      }) : () -> ()
    } else {
    }
    return
  }
}

#map = affine_map<(d0, d1) -> (0)>
#map1 = affine_map<(d0, d1) -> (0, 0)>
#map2 = affine_map<(d0, d1) -> (0, 0, 0)>
module attributes {stable_mosaic.version = 14 : i64} {
  func.func @_sc_deg(%arg0: i32, %arg1: i32, %arg2: memref<320000xi32, #tpu.memory_space<hbm>>, %arg3: memref<128x128xf32, #tpu.memory_space<hbm>>, %arg4: memref<80x128xf32, #tpu.memory_space<hbm>>, %arg5: memref<2x640x128xf32, #tpu.memory_space<hbm>>, %arg6: memref<640x128xf32, #tpu.memory_space<vmem_shared>>, %arg7: memref<80xi32, #tpu.memory_space<vmem>>, %arg8: memref<80xi32, #tpu.memory_space<vmem>>, %arg9: memref<80xi32, #tpu.memory_space<vmem>>, %arg10: memref<80xi32, #tpu.memory_space<vmem>>, %arg11: memref<80xi32, #tpu.memory_space<vmem>>, %arg12: memref<80xi32, #tpu.memory_space<vmem>>, %arg13: memref<80x128xf32, #tpu.memory_space<vmem>>, %arg14: memref<80x128xf32, #tpu.memory_space<vmem>>, %arg15: memref<!tpu.dma_semaphore, #tpu.memory_space<semaphore_mem>>, %arg16: memref<!tpu.dma_semaphore, #tpu.memory_space<semaphore_mem>>, %arg17: memref<!tpu.dma_semaphore, #tpu.memory_space<semaphore_mem>>, %arg18: memref<!tpu.dma_semaphore, #tpu.memory_space<semaphore_mem>>, %arg19: memref<!tpu.dma_semaphore, #tpu.memory_space<semaphore_mem>>, %arg20: memref<!tpu.dma_semaphore, #tpu.memory_space<semaphore_mem>>) attributes {dimension_semantics = [#tpu.dimension_semantics<core_parallel>, #tpu.dimension_semantics<subcore_parallel>], iteration_bounds = array<i64: 2, 16>, scalar_prefetch = 0 : i64, scratch_operands = 15 : i64, tpu.core_type = #tpu.core_type<sc_vector_subcore>, window_params = [{transform_indices = #map}, {transform_indices = #map1}, {transform_indices = #map1}, {transform_indices = #map2}]} {
    %mul3A = arith.constant 40 : i32
    %mul3A_0 = arith.muli %arg1, %mul3A : i32
    "tpu.region"() ({
      %run_scoped3A = tpu.sem_alloc : memref<!tpu.dma_semaphore, #tpu.memory_space<semaphore_mem>>
      tpu.enqueue_dma source(%arg4 : memref<80x128xf32, #tpu.memory_space<hbm>>) target(%arg13 : memref<80x128xf32, #tpu.memory_space<vmem>>) target_semaphore(%run_scoped3A : memref<!tpu.dma_semaphore, #tpu.memory_space<semaphore_mem>>)
      tpu.wait_dma2 semaphore(%run_scoped3A : memref<!tpu.dma_semaphore, #tpu.memory_space<semaphore_mem>>) src(%arg4 : memref<80x128xf32, #tpu.memory_space<hbm>>) dst(%arg13 : memref<80x128xf32, #tpu.memory_space<vmem>>)
      tpu.yield
    }) : () -> ()
    %add3A = arith.constant 0 : i32
    %add3A_1 = arith.addi %mul3A_0, %add3A : i32
    %multiple_of3A = tpu.assume_multiple %add3A_1, 8 : i32
    "tpu.region"() ({
      %run_scoped3A = tpu.sem_alloc : memref<!tpu.dma_semaphore, #tpu.memory_space<semaphore_mem>>
      %dma_start3A_132 = arith.constant 0 : i32
      %dma_start3A_133 = arith.constant 0 : i32
      %dma_start3A_134 = tpu.memref_slice %arg13[%dma_start3A_132, %dma_start3A_133] : memref<80x128xf32, #tpu.memory_space<vmem>> -> memref<40x128xf32, #tpu.memory_space<vmem>>
      %dma_start3A_135 = arith.constant 0 : i32
      %dma_start3A_136 = tpu.memref_slice %arg6[%multiple_of3A, %dma_start3A_135] : memref<640x128xf32, #tpu.memory_space<vmem_shared>> -> memref<40x128xf32, #tpu.memory_space<vmem_shared>>
      %dma_start3A_137 = arith.constant 0 : i32
      %dma_start3A_138 = tpu.memref_slice %arg6[%multiple_of3A, %dma_start3A_137] : memref<640x128xf32, #tpu.memory_space<vmem_shared>> -> memref<40x128xf32, #tpu.memory_space<vmem_shared>>
      %dma_start3A_139 = arith.constant 0 : i32
      %dma_start3A_140 = arith.constant 0 : i32
      %dma_start3A_141 = tpu.memref_slice %arg13[%dma_start3A_139, %dma_start3A_140] : memref<80x128xf32, #tpu.memory_space<vmem>> -> memref<40x128xf32, #tpu.memory_space<vmem>>
      tpu.enqueue_dma source(%dma_start3A_141 : memref<40x128xf32, #tpu.memory_space<vmem>>) target(%dma_start3A_138 : memref<40x128xf32, #tpu.memory_space<vmem_shared>>) target_semaphore(%run_scoped3A : memref<!tpu.dma_semaphore, #tpu.memory_space<semaphore_mem>>)
      %dma_wait3A_142 = arith.constant 0 : i32
      %dma_wait3A_143 = arith.constant 0 : i32
      %dma_wait3A_144 = tpu.memref_slice %arg13[%dma_wait3A_142, %dma_wait3A_143] : memref<80x128xf32, #tpu.memory_space<vmem>> -> memref<40x128xf32, #tpu.memory_space<vmem>>
      %dma_wait3A_145 = arith.constant 0 : i32
      %dma_wait3A_146 = tpu.memref_slice %arg6[%multiple_of3A, %dma_wait3A_145] : memref<640x128xf32, #tpu.memory_space<vmem_shared>> -> memref<40x128xf32, #tpu.memory_space<vmem_shared>>
      %dma_wait3A_147 = arith.constant 0 : i32
      %dma_wait3A_148 = tpu.memref_slice %arg6[%multiple_of3A, %dma_wait3A_147] : memref<640x128xf32, #tpu.memory_space<vmem_shared>> -> memref<40x128xf32, #tpu.memory_space<vmem_shared>>
      %dma_wait3A_149 = arith.constant 0 : i32
      %dma_wait3A_150 = arith.constant 0 : i32
      %dma_wait3A_151 = tpu.memref_slice %arg13[%dma_wait3A_149, %dma_wait3A_150] : memref<80x128xf32, #tpu.memory_space<vmem>> -> memref<40x128xf32, #tpu.memory_space<vmem>>
      tpu.wait_dma2 semaphore(%run_scoped3A : memref<!tpu.dma_semaphore, #tpu.memory_space<semaphore_mem>>) src(%dma_wait3A_151 : memref<40x128xf32, #tpu.memory_space<vmem>>) dst(%dma_wait3A_148 : memref<40x128xf32, #tpu.memory_space<vmem_shared>>)
      tpu.yield
    }) : () -> ()
    %barrier3A = arith.constant 0 : index
    tpu.barrier barrier_id(%barrier3A)
    %mul3A_2 = arith.constant 16 : i32
    %mul3A_3 = arith.muli %arg0, %mul3A_2 : i32
    %add3A_4 = arith.addi %mul3A_3, %arg1 : i32
    %mul3A_5 = arith.constant 10000 : i32
    %mul3A_6 = arith.muli %add3A_4, %mul3A_5 : i32
    %iota3A = tpu.iota {dimensions = array<i32: 0>} : vector<16xi32>
    %and3A = arith.constant 7 : i32
    %and3A_7 = vector.broadcast %and3A : i32 to vector<16xi32>
    %and3A_8 = arith.andi %iota3A, %and3A_7 : vector<16xi32>
    %shift_left3A = arith.constant 4 : i32
    %shift_left3A_9 = vector.broadcast %shift_left3A : i32 to vector<16xi32>
    %shift_left3A_10 = arith.shli %and3A_8, %shift_left3A_9 : vector<16xi32>
    %add3A_11 = arith.constant 0 : i32
    %add3A_12 = arith.addi %mul3A_6, %add3A_11 : i32
    %multiple_of3A_13 = tpu.assume_multiple %add3A_12, 8 : i32
    %dma_start3A = tpu.memref_slice %arg2[%multiple_of3A_13] : memref<320000xi32, #tpu.memory_space<hbm>> -> memref<80xi32, #tpu.memory_space<hbm>>
    %dma_start3A_14 = tpu.memref_slice %arg2[%multiple_of3A_13] : memref<320000xi32, #tpu.memory_space<hbm>> -> memref<80xi32, #tpu.memory_space<hbm>>
    tpu.enqueue_dma source(%dma_start3A_14 : memref<80xi32, #tpu.memory_space<hbm>>) target(%arg7 : memref<80xi32, #tpu.memory_space<vmem>>) target_semaphore(%arg19 : memref<!tpu.dma_semaphore, #tpu.memory_space<semaphore_mem>>)
    %dma_wait3A = arith.constant 0 : i32
    %dma_wait3A_15 = tpu.memref_slice %arg2[%dma_wait3A] : memref<320000xi32, #tpu.memory_space<hbm>> -> memref<80xi32, #tpu.memory_space<hbm>>
    %dma_wait3A_16 = arith.constant 0 : i32
    %dma_wait3A_17 = tpu.memref_slice %arg2[%dma_wait3A_16] : memref<320000xi32, #tpu.memory_space<hbm>> -> memref<80xi32, #tpu.memory_space<hbm>>
    tpu.wait_dma2 semaphore(%arg19 : memref<!tpu.dma_semaphore, #tpu.memory_space<semaphore_mem>>) src(%dma_wait3A_17 : memref<80xi32, #tpu.memory_space<hbm>>) dst(%arg7 : memref<80xi32, #tpu.memory_space<vmem>>)
    %get3A = arith.constant 0 : index
    %get3A_18 = tpu.vector_load %arg7[%get3A] {strides = array<i32>} : memref<80xi32, #tpu.memory_space<vmem>>, vector<16xi32>,
    %get3A_19 = vector.shape_cast %get3A_18 : vector<16xi32> to vector<16xi32>
    %shift_right_logical3A = arith.constant 4 : i32
    %shift_right_logical3A_20 = vector.broadcast %shift_right_logical3A : i32 to vector<16xi32>
    %shift_right_logical3A_21 = arith.shrui %get3A_19, %shift_right_logical3A_20 : vector<16xi32>
    %swap3A = arith.constant 0 : index
    %swap3A_22 = tpu.vector_load %arg9[%swap3A] {strides = array<i32>} : memref<80xi32, #tpu.memory_space<vmem>>, vector<16xi32>,
    %swap3A_23 = vector.shape_cast %swap3A_22 : vector<16xi32> to vector<16xi32>
    %swap3A_24 = vector.shape_cast %shift_right_logical3A_21 : vector<16xi32> to vector<16xi32>
    tpu.vector_store %arg9[%swap3A], %swap3A_24 {strides = array<i32>} : memref<80xi32, #tpu.memory_space<vmem>>, vector<16xi32>,
    %and3A_25 = arith.constant 15 : i32
    %and3A_26 = vector.broadcast %and3A_25 : i32 to vector<16xi32>
    %and3A_27 = arith.andi %get3A_19, %and3A_26 : vector<16xi32>
    %or3A = arith.ori %and3A_27, %shift_left3A_10 : vector<16xi32>
    %swap3A_28 = arith.constant 0 : index
    %swap3A_29 = tpu.vector_load %arg11[%swap3A_28] {strides = array<i32>} : memref<80xi32, #tpu.memory_space<vmem>>, vector<16xi32>,
    %swap3A_30 = vector.shape_cast %swap3A_29 : vector<16xi32> to vector<16xi32>
    %swap3A_31 = vector.shape_cast %or3A : vector<16xi32> to vector<16xi32>
    tpu.vector_store %arg11[%swap3A_28], %swap3A_31 {strides = array<i32>} : memref<80xi32, #tpu.memory_space<vmem>>, vector<16xi32>,
    %get3A_32 = arith.constant 16 : index
    %get3A_33 = tpu.vector_load %arg7[%get3A_32] {strides = array<i32>} : memref<80xi32, #tpu.memory_space<vmem>>, vector<16xi32>,
    %get3A_34 = vector.shape_cast %get3A_33 : vector<16xi32> to vector<16xi32>
    %shift_right_logical3A_35 = arith.constant 4 : i32
    %shift_right_logical3A_36 = vector.broadcast %shift_right_logical3A_35 : i32 to vector<16xi32>
    %shift_right_logical3A_37 = arith.shrui %get3A_34, %shift_right_logical3A_36 : vector<16xi32>
    %swap3A_38 = arith.constant 16 : index
    %swap3A_39 = tpu.vector_load %arg9[%swap3A_38] {strides = array<i32>} : memref<80xi32, #tpu.memory_space<vmem>>, vector<16xi32>,
    %swap3A_40 = vector.shape_cast %swap3A_39 : vector<16xi32> to vector<16xi32>
    %swap3A_41 = vector.shape_cast %shift_right_logical3A_37 : vector<16xi32> to vector<16xi32>
    tpu.vector_store %arg9[%swap3A_38], %swap3A_41 {strides = array<i32>} : memref<80xi32, #tpu.memory_space<vmem>>, vector<16xi32>,
    %and3A_42 = arith.constant 15 : i32
    %and3A_43 = vector.broadcast %and3A_42 : i32 to vector<16xi32>
    %and3A_44 = arith.andi %get3A_34, %and3A_43 : vector<16xi32>
    %or3A_45 = arith.ori %and3A_44, %shift_left3A_10 : vector<16xi32>
    %swap3A_46 = arith.constant 16 : index
    %swap3A_47 = tpu.vector_load %arg11[%swap3A_46] {strides = array<i32>} : memref<80xi32, #tpu.memory_space<vmem>>, vector<16xi32>,
    %swap3A_48 = vector.shape_cast %swap3A_47 : vector<16xi32> to vector<16xi32>
    %swap3A_49 = vector.shape_cast %or3A_45 : vector<16xi32> to vector<16xi32>
    tpu.vector_store %arg11[%swap3A_46], %swap3A_49 {strides = array<i32>} : memref<80xi32, #tpu.memory_space<vmem>>, vector<16xi32>,
    %get3A_50 = arith.constant 32 : index
    %get3A_51 = tpu.vector_load %arg7[%get3A_50] {strides = array<i32>} : memref<80xi32, #tpu.memory_space<vmem>>, vector<16xi32>,
    %get3A_52 = vector.shape_cast %get3A_51 : vector<16xi32> to vector<16xi32>
    %shift_right_logical3A_53 = arith.constant 4 : i32
    %shift_right_logical3A_54 = vector.broadcast %shift_right_logical3A_53 : i32 to vector<16xi32>
    %shift_right_logical3A_55 = arith.shrui %get3A_52, %shift_right_logical3A_54 : vector<16xi32>
    %swap3A_56 = arith.constant 32 : index
    %swap3A_57 = tpu.vector_load %arg9[%swap3A_56] {strides = array<i32>} : memref<80xi32, #tpu.memory_space<vmem>>, vector<16xi32>,
    %swap3A_58 = vector.shape_cast %swap3A_57 : vector<16xi32> to vector<16xi32>
    %swap3A_59 = vector.shape_cast %shift_right_logical3A_55 : vector<16xi32> to vector<16xi32>
    tpu.vector_store %arg9[%swap3A_56], %swap3A_59 {strides = array<i32>} : memref<80xi32, #tpu.memory_space<vmem>>, vector<16xi32>,
    %and3A_60 = arith.constant 15 : i32
    %and3A_61 = vector.broadcast %and3A_60 : i32 to vector<16xi32>
    %and3A_62 = arith.andi %get3A_52, %and3A_61 : vector<16xi32>
    %or3A_63 = arith.ori %and3A_62, %shift_left3A_10 : vector<16xi32>
    %swap3A_64 = arith.constant 32 : index
    %swap3A_65 = tpu.vector_load %arg11[%swap3A_64] {strides = array<i32>} : memref<80xi32, #tpu.memory_space<vmem>>, vector<16xi32>,
    %swap3A_66 = vector.shape_cast %swap3A_65 : vector<16xi32> to vector<16xi32>
    %swap3A_67 = vector.shape_cast %or3A_63 : vector<16xi32> to vector<16xi32>
    tpu.vector_store %arg11[%swap3A_64], %swap3A_67 {strides = array<i32>} : memref<80xi32, #tpu.memory_space<vmem>>, vector<16xi32>,
    %get3A_68 = arith.constant 48 : index
    %get3A_69 = tpu.vector_load %arg7[%get3A_68] {strides = array<i32>} : memref<80xi32, #tpu.memory_space<vmem>>, vector<16xi32>,
    %get3A_70 = vector.shape_cast %get3A_69 : vector<16xi32> to vector<16xi32>
    %shift_right_logical3A_71 = arith.constant 4 : i32
    %shift_right_logical3A_72 = vector.broadcast %shift_right_logical3A_71 : i32 to vector<16xi32>
    %shift_right_logical3A_73 = arith.shrui %get3A_70, %shift_right_logical3A_72 : vector<16xi32>
    %swap3A_74 = arith.constant 48 : index
    %swap3A_75 = tpu.vector_load %arg9[%swap3A_74] {strides = array<i32>} : memref<80xi32, #tpu.memory_space<vmem>>, vector<16xi32>,
    %swap3A_76 = vector.shape_cast %swap3A_75 : vector<16xi32> to vector<16xi32>
    %swap3A_77 = vector.shape_cast %shift_right_logical3A_73 : vector<16xi32> to vector<16xi32>
    tpu.vector_store %arg9[%swap3A_74], %swap3A_77 {strides = array<i32>} : memref<80xi32, #tpu.memory_space<vmem>>, vector<16xi32>,
    %and3A_78 = arith.constant 15 : i32
    %and3A_79 = vector.broadcast %and3A_78 : i32 to vector<16xi32>
    %and3A_80 = arith.andi %get3A_70, %and3A_79 : vector<16xi32>
    %or3A_81 = arith.ori %and3A_80, %shift_left3A_10 : vector<16xi32>
    %swap3A_82 = arith.constant 48 : index
    %swap3A_83 = tpu.vector_load %arg11[%swap3A_82] {strides = array<i32>} : memref<80xi32, #tpu.memory_space<vmem>>, vector<16xi32>,
    %swap3A_84 = vector.shape_cast %swap3A_83 : vector<16xi32> to vector<16xi32>
    %swap3A_85 = vector.shape_cast %or3A_81 : vector<16xi32> to vector<16xi32>
    tpu.vector_store %arg11[%swap3A_82], %swap3A_85 {strides = array<i32>} : memref<80xi32, #tpu.memory_space<vmem>>, vector<16xi32>,
    %get3A_86 = arith.constant 64 : index
    %get3A_87 = tpu.vector_load %arg7[%get3A_86] {strides = array<i32>} : memref<80xi32, #tpu.memory_space<vmem>>, vector<16xi32>,
    %get3A_88 = vector.shape_cast %get3A_87 : vector<16xi32> to vector<16xi32>
    %shift_right_logical3A_89 = arith.constant 4 : i32
    %shift_right_logical3A_90 = vector.broadcast %shift_right_logical3A_89 : i32 to vector<16xi32>
    %shift_right_logical3A_91 = arith.shrui %get3A_88, %shift_right_logical3A_90 : vector<16xi32>
    %swap3A_92 = arith.constant 64 : index
    %swap3A_93 = tpu.vector_load %arg9[%swap3A_92] {strides = array<i32>} : memref<80xi32, #tpu.memory_space<vmem>>, vector<16xi32>,
    %swap3A_94 = vector.shape_cast %swap3A_93 : vector<16xi32> to vector<16xi32>
    %swap3A_95 = vector.shape_cast %shift_right_logical3A_91 : vector<16xi32> to vector<16xi32>
    tpu.vector_store %arg9[%swap3A_92], %swap3A_95 {strides = array<i32>} : memref<80xi32, #tpu.memory_space<vmem>>, vector<16xi32>,
    %and3A_96 = arith.constant 15 : i32
    %and3A_97 = vector.broadcast %and3A_96 : i32 to vector<16xi32>
    %and3A_98 = arith.andi %get3A_88, %and3A_97 : vector<16xi32>
    %or3A_99 = arith.ori %and3A_98, %shift_left3A_10 : vector<16xi32>
    %swap3A_100 = arith.constant 64 : index
    %swap3A_101 = tpu.vector_load %arg11[%swap3A_100] {strides = array<i32>} : memref<80xi32, #tpu.memory_space<vmem>>, vector<16xi32>,
    %swap3A_102 = vector.shape_cast %swap3A_101 : vector<16xi32> to vector<16xi32>
    %swap3A_103 = vector.shape_cast %or3A_99 : vector<16xi32> to vector<16xi32>
    tpu.vector_store %arg11[%swap3A_100], %swap3A_103 {strides = array<i32>} : memref<80xi32, #tpu.memory_space<vmem>>, vector<16xi32>,
    %dma_start3A_104 = arith.constant 0 : i32
    %dma_start3A_105 = arith.constant 0 : i32
    %dma_start3A_106 = tpu.memref_slice %arg3[%dma_start3A_104, %dma_start3A_105] : memref<128x128xf32, #tpu.memory_space<hbm>> -> memref<128x128xf32, #tpu.memory_space<hbm>>
    tpu.enqueue_indirect_dma source(%dma_start3A_106 : memref<128x128xf32, #tpu.memory_space<hbm>>) target(%arg13 : memref<80x128xf32, #tpu.memory_space<vmem>>) offsets(%arg11 : memref<80xi32, #tpu.memory_space<vmem>>) semaphore(%arg15 : memref<!tpu.dma_semaphore, #tpu.memory_space<semaphore_mem>>)
    %add3A_107 = arith.constant 80 : i32
    %add3A_108 = arith.addi %mul3A_6, %add3A_107 : i32
    %multiple_of3A_109 = tpu.assume_multiple %add3A_108, 8 : i32
    %dma_start3A_110 = tpu.memref_slice %arg2[%multiple_of3A_109] : memref<320000xi32, #tpu.memory_space<hbm>> -> memref<80xi32, #tpu.memory_space<hbm>>
    %dma_start3A_111 = tpu.memref_slice %arg2[%multiple_of3A_109] : memref<320000xi32, #tpu.memory_space<hbm>> -> memref<80xi32, #tpu.memory_space<hbm>>
    tpu.enqueue_dma source(%dma_start3A_111 : memref<80xi32, #tpu.memory_space<hbm>>) target(%arg8 : memref<80xi32, #tpu.memory_space<vmem>>) target_semaphore(%arg20 : memref<!tpu.dma_semaphore, #tpu.memory_space<semaphore_mem>>)
    %scan3A = arith.constant 0 : i32
    %scan3A_112 = arith.constant 0 : i32
    %scan3A_113 = arith.constant 62 : i32
    %scan3A_114 = arith.addi %scan3A_112, %scan3A_113 : i32
    %scan3A_115 = arith.constant 1 : i32
    scf.for %scan3A_132 = %scan3A_112 to %scan3A_114 step %scan3A_115  : i32 {
      %dma_wait3A_133 = arith.constant 0 : i32
      %dma_wait3A_134 = tpu.memref_slice %arg2[%dma_wait3A_133] : memref<320000xi32, #tpu.memory_space<hbm>> -> memref<80xi32, #tpu.memory_space<hbm>>
      %dma_wait3A_135 = arith.constant 0 : i32
      %dma_wait3A_136 = tpu.memref_slice %arg2[%dma_wait3A_135] : memref<320000xi32, #tpu.memory_space<hbm>> -> memref<80xi32, #tpu.memory_space<hbm>>
      tpu.wait_dma2 semaphore(%arg20 : memref<!tpu.dma_semaphore, #tpu.memory_space<semaphore_mem>>) src(%dma_wait3A_136 : memref<80xi32, #tpu.memory_space<hbm>>) dst(%arg8 : memref<80xi32, #tpu.memory_space<vmem>>)
      %get3A_137 = arith.constant 0 : index
      %get3A_138 = tpu.vector_load %arg8[%get3A_137] {strides = array<i32>} : memref<80xi32, #tpu.memory_space<vmem>>, vector<16xi32>,
      %get3A_139 = vector.shape_cast %get3A_138 : vector<16xi32> to vector<16xi32>
      %shift_right_logical3A_140 = arith.constant 4 : i32
      %shift_right_logical3A_141 = vector.broadcast %shift_right_logical3A_140 : i32 to vector<16xi32>
      %shift_right_logical3A_142 = arith.shrui %get3A_139, %shift_right_logical3A_141 : vector<16xi32>
      %swap3A_143 = arith.constant 0 : index
      %swap3A_144 = tpu.vector_load %arg10[%swap3A_143] {strides = array<i32>} : memref<80xi32, #tpu.memory_space<vmem>>, vector<16xi32>,
      %swap3A_145 = vector.shape_cast %swap3A_144 : vector<16xi32> to vector<16xi32>
      %swap3A_146 = vector.shape_cast %shift_right_logical3A_142 : vector<16xi32> to vector<16xi32>
      tpu.vector_store %arg10[%swap3A_143], %swap3A_146 {strides = array<i32>} : memref<80xi32, #tpu.memory_space<vmem>>, vector<16xi32>,
      %and3A_147 = arith.constant 15 : i32
      %and3A_148 = vector.broadcast %and3A_147 : i32 to vector<16xi32>
      %and3A_149 = arith.andi %get3A_139, %and3A_148 : vector<16xi32>
      %or3A_150 = arith.ori %and3A_149, %shift_left3A_10 : vector<16xi32>
      %swap3A_151 = arith.constant 0 : index
      %swap3A_152 = tpu.vector_load %arg12[%swap3A_151] {strides = array<i32>} : memref<80xi32, #tpu.memory_space<vmem>>, vector<16xi32>,
      %swap3A_153 = vector.shape_cast %swap3A_152 : vector<16xi32> to vector<16xi32>
      %swap3A_154 = vector.shape_cast %or3A_150 : vector<16xi32> to vector<16xi32>
      tpu.vector_store %arg12[%swap3A_151], %swap3A_154 {strides = array<i32>} : memref<80xi32, #tpu.memory_space<vmem>>, vector<16xi32>,
      %get3A_155 = arith.constant 16 : index
      %get3A_156 = tpu.vector_load %arg8[%get3A_155] {strides = array<i32>} : memref<80xi32, #tpu.memory_space<vmem>>, vector<16xi32>,
      %get3A_157 = vector.shape_cast %get3A_156 : vector<16xi32> to vector<16xi32>
      %shift_right_logical3A_158 = arith.constant 4 : i32
      %shift_right_logical3A_159 = vector.broadcast %shift_right_logical3A_158 : i32 to vector<16xi32>
      %shift_right_logical3A_160 = arith.shrui %get3A_157, %shift_right_logical3A_159 : vector<16xi32>
      %swap3A_161 = arith.constant 16 : index
      %swap3A_162 = tpu.vector_load %arg10[%swap3A_161] {strides = array<i32>} : memref<80xi32, #tpu.memory_space<vmem>>, vector<16xi32>,
      %swap3A_163 = vector.shape_cast %swap3A_162 : vector<16xi32> to vector<16xi32>
      %swap3A_164 = vector.shape_cast %shift_right_logical3A_160 : vector<16xi32> to vector<16xi32>
      tpu.vector_store %arg10[%swap3A_161], %swap3A_164 {strides = array<i32>} : memref<80xi32, #tpu.memory_space<vmem>>, vector<16xi32>,
      %and3A_165 = arith.constant 15 : i32
      %and3A_166 = vector.broadcast %and3A_165 : i32 to vector<16xi32>
      %and3A_167 = arith.andi %get3A_157, %and3A_166 : vector<16xi32>
      %or3A_168 = arith.ori %and3A_167, %shift_left3A_10 : vector<16xi32>
      %swap3A_169 = arith.constant 16 : index
      %swap3A_170 = tpu.vector_load %arg12[%swap3A_169] {strides = array<i32>} : memref<80xi32, #tpu.memory_space<vmem>>, vector<16xi32>,
      %swap3A_171 = vector.shape_cast %swap3A_170 : vector<16xi32> to vector<16xi32>
      %swap3A_172 = vector.shape_cast %or3A_168 : vector<16xi32> to vector<16xi32>
      tpu.vector_store %arg12[%swap3A_169], %swap3A_172 {strides = array<i32>} : memref<80xi32, #tpu.memory_space<vmem>>, vector<16xi32>,
      %get3A_173 = arith.constant 32 : index
      %get3A_174 = tpu.vector_load %arg8[%get3A_173] {strides = array<i32>} : memref<80xi32, #tpu.memory_space<vmem>>, vector<16xi32>,
      %get3A_175 = vector.shape_cast %get3A_174 : vector<16xi32> to vector<16xi32>
      %shift_right_logical3A_176 = arith.constant 4 : i32
      %shift_right_logical3A_177 = vector.broadcast %shift_right_logical3A_176 : i32 to vector<16xi32>
      %shift_right_logical3A_178 = arith.shrui %get3A_175, %shift_right_logical3A_177 : vector<16xi32>
      %swap3A_179 = arith.constant 32 : index
      %swap3A_180 = tpu.vector_load %arg10[%swap3A_179] {strides = array<i32>} : memref<80xi32, #tpu.memory_space<vmem>>, vector<16xi32>,
      %swap3A_181 = vector.shape_cast %swap3A_180 : vector<16xi32> to vector<16xi32>
      %swap3A_182 = vector.shape_cast %shift_right_logical3A_178 : vector<16xi32> to vector<16xi32>
      tpu.vector_store %arg10[%swap3A_179], %swap3A_182 {strides = array<i32>} : memref<80xi32, #tpu.memory_space<vmem>>, vector<16xi32>,
      %and3A_183 = arith.constant 15 : i32
      %and3A_184 = vector.broadcast %and3A_183 : i32 to vector<16xi32>
      %and3A_185 = arith.andi %get3A_175, %and3A_184 : vector<16xi32>
      %or3A_186 = arith.ori %and3A_185, %shift_left3A_10 : vector<16xi32>
      %swap3A_187 = arith.constant 32 : index
      %swap3A_188 = tpu.vector_load %arg12[%swap3A_187] {strides = array<i32>} : memref<80xi32, #tpu.memory_space<vmem>>, vector<16xi32>,
      %swap3A_189 = vector.shape_cast %swap3A_188 : vector<16xi32> to vector<16xi32>
      %swap3A_190 = vector.shape_cast %or3A_186 : vector<16xi32> to vector<16xi32>
      tpu.vector_store %arg12[%swap3A_187], %swap3A_190 {strides = array<i32>} : memref<80xi32, #tpu.memory_space<vmem>>, vector<16xi32>,
      %get3A_191 = arith.constant 48 : index
      %get3A_192 = tpu.vector_load %arg8[%get3A_191] {strides = array<i32>} : memref<80xi32, #tpu.memory_space<vmem>>, vector<16xi32>,
      %get3A_193 = vector.shape_cast %get3A_192 : vector<16xi32> to vector<16xi32>
      %shift_right_logical3A_194 = arith.constant 4 : i32
      %shift_right_logical3A_195 = vector.broadcast %shift_right_logical3A_194 : i32 to vector<16xi32>
      %shift_right_logical3A_196 = arith.shrui %get3A_193, %shift_right_logical3A_195 : vector<16xi32>
      %swap3A_197 = arith.constant 48 : index
      %swap3A_198 = tpu.vector_load %arg10[%swap3A_197] {strides = array<i32>} : memref<80xi32, #tpu.memory_space<vmem>>, vector<16xi32>,
      %swap3A_199 = vector.shape_cast %swap3A_198 : vector<16xi32> to vector<16xi32>
      %swap3A_200 = vector.shape_cast %shift_right_logical3A_196 : vector<16xi32> to vector<16xi32>
      tpu.vector_store %arg10[%swap3A_197], %swap3A_200 {strides = array<i32>} : memref<80xi32, #tpu.memory_space<vmem>>, vector<16xi32>,
      %and3A_201 = arith.constant 15 : i32
      %and3A_202 = vector.broadcast %and3A_201 : i32 to vector<16xi32>
      %and3A_203 = arith.andi %get3A_193, %and3A_202 : vector<16xi32>
      %or3A_204 = arith.ori %and3A_203, %shift_left3A_10 : vector<16xi32>
      %swap3A_205 = arith.constant 48 : index
      %swap3A_206 = tpu.vector_load %arg12[%swap3A_205] {strides = array<i32>} : memref<80xi32, #tpu.memory_space<vmem>>, vector<16xi32>,
      %swap3A_207 = vector.shape_cast %swap3A_206 : vector<16xi32> to vector<16xi32>
      %swap3A_208 = vector.shape_cast %or3A_204 : vector<16xi32> to vector<16xi32>
      tpu.vector_store %arg12[%swap3A_205], %swap3A_208 {strides = array<i32>} : memref<80xi32, #tpu.memory_space<vmem>>, vector<16xi32>,
      %get3A_209 = arith.constant 64 : index
      %get3A_210 = tpu.vector_load %arg8[%get3A_209] {strides = array<i32>} : memref<80xi32, #tpu.memory_space<vmem>>, vector<16xi32>,
      %get3A_211 = vector.shape_cast %get3A_210 : vector<16xi32> to vector<16xi32>
      %shift_right_logical3A_212 = arith.constant 4 : i32
      %shift_right_logical3A_213 = vector.broadcast %shift_right_logical3A_212 : i32 to vector<16xi32>
      %shift_right_logical3A_214 = arith.shrui %get3A_211, %shift_right_logical3A_213 : vector<16xi32>
      %swap3A_215 = arith.constant 64 : index
      %swap3A_216 = tpu.vector_load %arg10[%swap3A_215] {strides = array<i32>} : memref<80xi32, #tpu.memory_space<vmem>>, vector<16xi32>,
      %swap3A_217 = vector.shape_cast %swap3A_216 : vector<16xi32> to vector<16xi32>
      %swap3A_218 = vector.shape_cast %shift_right_logical3A_214 : vector<16xi32> to vector<16xi32>
      tpu.vector_store %arg10[%swap3A_215], %swap3A_218 {strides = array<i32>} : memref<80xi32, #tpu.memory_space<vmem>>, vector<16xi32>,
      %and3A_219 = arith.constant 15 : i32
      %and3A_220 = vector.broadcast %and3A_219 : i32 to vector<16xi32>
      %and3A_221 = arith.andi %get3A_211, %and3A_220 : vector<16xi32>
      %or3A_222 = arith.ori %and3A_221, %shift_left3A_10 : vector<16xi32>
      %swap3A_223 = arith.constant 64 : index
      %swap3A_224 = tpu.vector_load %arg12[%swap3A_223] {strides = array<i32>} : memref<80xi32, #tpu.memory_space<vmem>>, vector<16xi32>,
      %swap3A_225 = vector.shape_cast %swap3A_224 : vector<16xi32> to vector<16xi32>
      %swap3A_226 = vector.shape_cast %or3A_222 : vector<16xi32> to vector<16xi32>
      tpu.vector_store %arg12[%swap3A_223], %swap3A_226 {strides = array<i32>} : memref<80xi32, #tpu.memory_space<vmem>>, vector<16xi32>,
      %dma_start3A_227 = arith.constant 0 : i32
      %dma_start3A_228 = arith.constant 0 : i32
      %dma_start3A_229 = tpu.memref_slice %arg3[%dma_start3A_227, %dma_start3A_228] : memref<128x128xf32, #tpu.memory_space<hbm>> -> memref<128x128xf32, #tpu.memory_space<hbm>>
      tpu.enqueue_indirect_dma source(%dma_start3A_229 : memref<128x128xf32, #tpu.memory_space<hbm>>) target(%arg14 : memref<80x128xf32, #tpu.memory_space<vmem>>) offsets(%arg12 : memref<80xi32, #tpu.memory_space<vmem>>) semaphore(%arg16 : memref<!tpu.dma_semaphore, #tpu.memory_space<semaphore_mem>>)
      %dma_wait3A_230 = arith.constant 0 : i32
      %dma_wait3A_231 = arith.constant 0 : i32
      %dma_wait3A_232 = tpu.memref_slice %arg3[%dma_wait3A_230, %dma_wait3A_231] : memref<128x128xf32, #tpu.memory_space<hbm>> -> memref<128x128xf32, #tpu.memory_space<hbm>>
      tpu.wait_indirect_dma semaphore(%arg15 : memref<!tpu.dma_semaphore, #tpu.memory_space<semaphore_mem>>) src(%dma_wait3A_232 : memref<128x128xf32, #tpu.memory_space<hbm>>) dst(%arg13 : memref<80x128xf32, #tpu.memory_space<vmem>>)
      %dma_start3A_233 = arith.constant 0 : i32
      %dma_start3A_234 = arith.constant 0 : i32
      %dma_start3A_235 = tpu.memref_slice %arg6[%dma_start3A_233, %dma_start3A_234] : memref<640x128xf32, #tpu.memory_space<vmem_shared>> -> memref<640x128xf32, #tpu.memory_space<vmem_shared>>
      tpu.enqueue_indirect_dma source(%arg13 : memref<80x128xf32, #tpu.memory_space<vmem>>) target(%dma_start3A_235 : memref<640x128xf32, #tpu.memory_space<vmem_shared>>) offsets(%arg9 : memref<80xi32, #tpu.memory_space<vmem>>) semaphore(%arg17 : memref<!tpu.dma_semaphore, #tpu.memory_space<semaphore_mem>>) {add = true}
      %dma_wait3A_236 = arith.constant 0 : i32
      %dma_wait3A_237 = arith.constant 0 : i32
      %dma_wait3A_238 = tpu.memref_slice %arg6[%dma_wait3A_236, %dma_wait3A_237] : memref<640x128xf32, #tpu.memory_space<vmem_shared>> -> memref<640x128xf32, #tpu.memory_space<vmem_shared>>
      tpu.wait_indirect_dma semaphore(%arg17 : memref<!tpu.dma_semaphore, #tpu.memory_space<semaphore_mem>>) src(%arg13 : memref<80x128xf32, #tpu.memory_space<vmem>>) dst(%dma_wait3A_238 : memref<640x128xf32, #tpu.memory_space<vmem_shared>>)
      %mul3A_239 = arith.constant 2 : i32
      %mul3A_240 = arith.muli %mul3A_239, %scan3A_132 : i32
      %add3A_241 = arith.constant 2 : i32
      %add3A_242 = arith.addi %mul3A_240, %add3A_241 : i32
      %lt3A = arith.constant 125 : i32
      %lt3A_243 = arith.cmpi slt, %add3A_242, %lt3A : i32
      %convert_element_type3A = arith.extui %lt3A_243 : i1 to i32
      %cond3A = arith.constant 0 : i32
      %cond3A_244 = arith.cmpi ne, %convert_element_type3A, %cond3A : i32
      scf.if %cond3A_244 {
        %mul3A_272 = arith.constant 2 : i32
        %mul3A_273 = arith.muli %mul3A_272, %scan3A_132 : i32
        %add3A_274 = arith.constant 2 : i32
        %add3A_275 = arith.addi %mul3A_273, %add3A_274 : i32
        %mul3A_276 = arith.constant 80 : i32
        %mul3A_277 = arith.muli %add3A_275, %mul3A_276 : i32
        %add3A_278 = arith.addi %mul3A_6, %mul3A_277 : i32
        %multiple_of3A_279 = tpu.assume_multiple %add3A_278, 8 : i32
        %dma_start3A_280 = tpu.memref_slice %arg2[%multiple_of3A_279] : memref<320000xi32, #tpu.memory_space<hbm>> -> memref<80xi32, #tpu.memory_space<hbm>>
        %dma_start3A_281 = tpu.memref_slice %arg2[%multiple_of3A_279] : memref<320000xi32, #tpu.memory_space<hbm>> -> memref<80xi32, #tpu.memory_space<hbm>>
        tpu.enqueue_dma source(%dma_start3A_281 : memref<80xi32, #tpu.memory_space<hbm>>) target(%arg7 : memref<80xi32, #tpu.memory_space<vmem>>) target_semaphore(%arg19 : memref<!tpu.dma_semaphore, #tpu.memory_space<semaphore_mem>>)
      } else {
      }
      %dma_wait3A_245 = arith.constant 0 : i32
      %dma_wait3A_246 = arith.constant 0 : i32
      %dma_wait3A_247 = tpu.memref_slice %arg3[%dma_wait3A_245, %dma_wait3A_246] : memref<128x128xf32, #tpu.memory_space<hbm>> -> memref<128x128xf32, #tpu.memory_space<hbm>>
      tpu.wait_indirect_dma semaphore(%arg16 : memref<!tpu.dma_semaphore, #tpu.memory_space<semaphore_mem>>) src(%dma_wait3A_247 : memref<128x128xf32, #tpu.memory_space<hbm>>) dst(%arg14 : memref<80x128xf32, #tpu.memory_space<vmem>>)
      %dma_start3A_248 = arith.constant 0 : i32
      %dma_start3A_249 = arith.constant 0 : i32
      %dma_start3A_250 = tpu.memref_slice %arg6[%dma_start3A_248, %dma_start3A_249] : memref<640x128xf32, #tpu.memory_space<vmem_shared>> -> memref<640x128xf32, #tpu.memory_space<vmem_shared>>
      tpu.enqueue_indirect_dma source(%arg14 : memref<80x128xf32, #tpu.memory_space<vmem>>) target(%dma_start3A_250 : memref<640x128xf32, #tpu.memory_space<vmem_shared>>) offsets(%arg10 : memref<80xi32, #tpu.memory_space<vmem>>) semaphore(%arg18 : memref<!tpu.dma_semaphore, #tpu.memory_space<semaphore_mem>>) {add = true}
      %mul3A_251 = arith.constant 2 : i32
      %mul3A_252 = arith.muli %mul3A_251, %scan3A_132 : i32
      %add3A_253 = arith.constant 2 : i32
      %add3A_254 = arith.addi %mul3A_252, %add3A_253 : i32
      %lt3A_255 = arith.constant 125 : i32
      %lt3A_256 = arith.cmpi slt, %add3A_254, %lt3A_255 : i32
      %convert_element_type3A_257 = arith.extui %lt3A_256 : i1 to i32
      %cond3A_258 = arith.constant 0 : i32
      %cond3A_259 = arith.cmpi ne, %convert_element_type3A_257, %cond3A_258 : i32
      scf.if %cond3A_259 {
        %dma_wait3A_272 = arith.constant 0 : i32
        %dma_wait3A_273 = tpu.memref_slice %arg2[%dma_wait3A_272] : memref<320000xi32, #tpu.memory_space<hbm>> -> memref<80xi32, #tpu.memory_space<hbm>>
        %dma_wait3A_274 = arith.constant 0 : i32
        %dma_wait3A_275 = tpu.memref_slice %arg2[%dma_wait3A_274] : memref<320000xi32, #tpu.memory_space<hbm>> -> memref<80xi32, #tpu.memory_space<hbm>>
        tpu.wait_dma2 semaphore(%arg19 : memref<!tpu.dma_semaphore, #tpu.memory_space<semaphore_mem>>) src(%dma_wait3A_275 : memref<80xi32, #tpu.memory_space<hbm>>) dst(%arg7 : memref<80xi32, #tpu.memory_space<vmem>>)
        %get3A_276 = arith.constant 0 : index
        %get3A_277 = tpu.vector_load %arg7[%get3A_276] {strides = array<i32>} : memref<80xi32, #tpu.memory_space<vmem>>, vector<16xi32>,
        %get3A_278 = vector.shape_cast %get3A_277 : vector<16xi32> to vector<16xi32>
        %shift_right_logical3A_279 = arith.constant 4 : i32
        %shift_right_logical3A_280 = vector.broadcast %shift_right_logical3A_279 : i32 to vector<16xi32>
        %shift_right_logical3A_281 = arith.shrui %get3A_278, %shift_right_logical3A_280 : vector<16xi32>
        %swap3A_282 = arith.constant 0 : index
        %swap3A_283 = tpu.vector_load %arg9[%swap3A_282] {strides = array<i32>} : memref<80xi32, #tpu.memory_space<vmem>>, vector<16xi32>,
        %swap3A_284 = vector.shape_cast %swap3A_283 : vector<16xi32> to vector<16xi32>
        %swap3A_285 = vector.shape_cast %shift_right_logical3A_281 : vector<16xi32> to vector<16xi32>
        tpu.vector_store %arg9[%swap3A_282], %swap3A_285 {strides = array<i32>} : memref<80xi32, #tpu.memory_space<vmem>>, vector<16xi32>,
        %and3A_286 = arith.constant 15 : i32
        %and3A_287 = vector.broadcast %and3A_286 : i32 to vector<16xi32>
        %and3A_288 = arith.andi %get3A_278, %and3A_287 : vector<16xi32>
        %or3A_289 = arith.ori %and3A_288, %shift_left3A_10 : vector<16xi32>
        %swap3A_290 = arith.constant 0 : index
        %swap3A_291 = tpu.vector_load %arg11[%swap3A_290] {strides = array<i32>} : memref<80xi32, #tpu.memory_space<vmem>>, vector<16xi32>,
        %swap3A_292 = vector.shape_cast %swap3A_291 : vector<16xi32> to vector<16xi32>
        %swap3A_293 = vector.shape_cast %or3A_289 : vector<16xi32> to vector<16xi32>
        tpu.vector_store %arg11[%swap3A_290], %swap3A_293 {strides = array<i32>} : memref<80xi32, #tpu.memory_space<vmem>>, vector<16xi32>,
        %get3A_294 = arith.constant 16 : index
        %get3A_295 = tpu.vector_load %arg7[%get3A_294] {strides = array<i32>} : memref<80xi32, #tpu.memory_space<vmem>>, vector<16xi32>,
        %get3A_296 = vector.shape_cast %get3A_295 : vector<16xi32> to vector<16xi32>
        %shift_right_logical3A_297 = arith.constant 4 : i32
        %shift_right_logical3A_298 = vector.broadcast %shift_right_logical3A_297 : i32 to vector<16xi32>
        %shift_right_logical3A_299 = arith.shrui %get3A_296, %shift_right_logical3A_298 : vector<16xi32>
        %swap3A_300 = arith.constant 16 : index
        %swap3A_301 = tpu.vector_load %arg9[%swap3A_300] {strides = array<i32>} : memref<80xi32, #tpu.memory_space<vmem>>, vector<16xi32>,
        %swap3A_302 = vector.shape_cast %swap3A_301 : vector<16xi32> to vector<16xi32>
        %swap3A_303 = vector.shape_cast %shift_right_logical3A_299 : vector<16xi32> to vector<16xi32>
        tpu.vector_store %arg9[%swap3A_300], %swap3A_303 {strides = array<i32>} : memref<80xi32, #tpu.memory_space<vmem>>, vector<16xi32>,
        %and3A_304 = arith.constant 15 : i32
        %and3A_305 = vector.broadcast %and3A_304 : i32 to vector<16xi32>
        %and3A_306 = arith.andi %get3A_296, %and3A_305 : vector<16xi32>
        %or3A_307 = arith.ori %and3A_306, %shift_left3A_10 : vector<16xi32>
        %swap3A_308 = arith.constant 16 : index
        %swap3A_309 = tpu.vector_load %arg11[%swap3A_308] {strides = array<i32>} : memref<80xi32, #tpu.memory_space<vmem>>, vector<16xi32>,
        %swap3A_310 = vector.shape_cast %swap3A_309 : vector<16xi32> to vector<16xi32>
        %swap3A_311 = vector.shape_cast %or3A_307 : vector<16xi32> to vector<16xi32>
        tpu.vector_store %arg11[%swap3A_308], %swap3A_311 {strides = array<i32>} : memref<80xi32, #tpu.memory_space<vmem>>, vector<16xi32>,
        %get3A_312 = arith.constant 32 : index
        %get3A_313 = tpu.vector_load %arg7[%get3A_312] {strides = array<i32>} : memref<80xi32, #tpu.memory_space<vmem>>, vector<16xi32>,
        %get3A_314 = vector.shape_cast %get3A_313 : vector<16xi32> to vector<16xi32>
        %shift_right_logical3A_315 = arith.constant 4 : i32
        %shift_right_logical3A_316 = vector.broadcast %shift_right_logical3A_315 : i32 to vector<16xi32>
        %shift_right_logical3A_317 = arith.shrui %get3A_314, %shift_right_logical3A_316 : vector<16xi32>
        %swap3A_318 = arith.constant 32 : index
        %swap3A_319 = tpu.vector_load %arg9[%swap3A_318] {strides = array<i32>} : memref<80xi32, #tpu.memory_space<vmem>>, vector<16xi32>,
        %swap3A_320 = vector.shape_cast %swap3A_319 : vector<16xi32> to vector<16xi32>
        %swap3A_321 = vector.shape_cast %shift_right_logical3A_317 : vector<16xi32> to vector<16xi32>
        tpu.vector_store %arg9[%swap3A_318], %swap3A_321 {strides = array<i32>} : memref<80xi32, #tpu.memory_space<vmem>>, vector<16xi32>,
        %and3A_322 = arith.constant 15 : i32
        %and3A_323 = vector.broadcast %and3A_322 : i32 to vector<16xi32>
        %and3A_324 = arith.andi %get3A_314, %and3A_323 : vector<16xi32>
        %or3A_325 = arith.ori %and3A_324, %shift_left3A_10 : vector<16xi32>
        %swap3A_326 = arith.constant 32 : index
        %swap3A_327 = tpu.vector_load %arg11[%swap3A_326] {strides = array<i32>} : memref<80xi32, #tpu.memory_space<vmem>>, vector<16xi32>,
        %swap3A_328 = vector.shape_cast %swap3A_327 : vector<16xi32> to vector<16xi32>
        %swap3A_329 = vector.shape_cast %or3A_325 : vector<16xi32> to vector<16xi32>
        tpu.vector_store %arg11[%swap3A_326], %swap3A_329 {strides = array<i32>} : memref<80xi32, #tpu.memory_space<vmem>>, vector<16xi32>,
        %get3A_330 = arith.constant 48 : index
        %get3A_331 = tpu.vector_load %arg7[%get3A_330] {strides = array<i32>} : memref<80xi32, #tpu.memory_space<vmem>>, vector<16xi32>,
        %get3A_332 = vector.shape_cast %get3A_331 : vector<16xi32> to vector<16xi32>
        %shift_right_logical3A_333 = arith.constant 4 : i32
        %shift_right_logical3A_334 = vector.broadcast %shift_right_logical3A_333 : i32 to vector<16xi32>
        %shift_right_logical3A_335 = arith.shrui %get3A_332, %shift_right_logical3A_334 : vector<16xi32>
        %swap3A_336 = arith.constant 48 : index
        %swap3A_337 = tpu.vector_load %arg9[%swap3A_336] {strides = array<i32>} : memref<80xi32, #tpu.memory_space<vmem>>, vector<16xi32>,
        %swap3A_338 = vector.shape_cast %swap3A_337 : vector<16xi32> to vector<16xi32>
        %swap3A_339 = vector.shape_cast %shift_right_logical3A_335 : vector<16xi32> to vector<16xi32>
        tpu.vector_store %arg9[%swap3A_336], %swap3A_339 {strides = array<i32>} : memref<80xi32, #tpu.memory_space<vmem>>, vector<16xi32>,
        %and3A_340 = arith.constant 15 : i32
        %and3A_341 = vector.broadcast %and3A_340 : i32 to vector<16xi32>
        %and3A_342 = arith.andi %get3A_332, %and3A_341 : vector<16xi32>
        %or3A_343 = arith.ori %and3A_342, %shift_left3A_10 : vector<16xi32>
        %swap3A_344 = arith.constant 48 : index
        %swap3A_345 = tpu.vector_load %arg11[%swap3A_344] {strides = array<i32>} : memref<80xi32, #tpu.memory_space<vmem>>, vector<16xi32>,
        %swap3A_346 = vector.shape_cast %swap3A_345 : vector<16xi32> to vector<16xi32>
        %swap3A_347 = vector.shape_cast %or3A_343 : vector<16xi32> to vector<16xi32>
        tpu.vector_store %arg11[%swap3A_344], %swap3A_347 {strides = array<i32>} : memref<80xi32, #tpu.memory_space<vmem>>, vector<16xi32>,
        %get3A_348 = arith.constant 64 : index
        %get3A_349 = tpu.vector_load %arg7[%get3A_348] {strides = array<i32>} : memref<80xi32, #tpu.memory_space<vmem>>, vector<16xi32>,
        %get3A_350 = vector.shape_cast %get3A_349 : vector<16xi32> to vector<16xi32>
        %shift_right_logical3A_351 = arith.constant 4 : i32
        %shift_right_logical3A_352 = vector.broadcast %shift_right_logical3A_351 : i32 to vector<16xi32>
        %shift_right_logical3A_353 = arith.shrui %get3A_350, %shift_right_logical3A_352 : vector<16xi32>
        %swap3A_354 = arith.constant 64 : index
        %swap3A_355 = tpu.vector_load %arg9[%swap3A_354] {strides = array<i32>} : memref<80xi32, #tpu.memory_space<vmem>>, vector<16xi32>,
        %swap3A_356 = vector.shape_cast %swap3A_355 : vector<16xi32> to vector<16xi32>
        %swap3A_357 = vector.shape_cast %shift_right_logical3A_353 : vector<16xi32> to vector<16xi32>
        tpu.vector_store %arg9[%swap3A_354], %swap3A_357 {strides = array<i32>} : memref<80xi32, #tpu.memory_space<vmem>>, vector<16xi32>,
        %and3A_358 = arith.constant 15 : i32
        %and3A_359 = vector.broadcast %and3A_358 : i32 to vector<16xi32>
        %and3A_360 = arith.andi %get3A_350, %and3A_359 : vector<16xi32>
        %or3A_361 = arith.ori %and3A_360, %shift_left3A_10 : vector<16xi32>
        %swap3A_362 = arith.constant 64 : index
        %swap3A_363 = tpu.vector_load %arg11[%swap3A_362] {strides = array<i32>} : memref<80xi32, #tpu.memory_space<vmem>>, vector<16xi32>,
        %swap3A_364 = vector.shape_cast %swap3A_363 : vector<16xi32> to vector<16xi32>
        %swap3A_365 = vector.shape_cast %or3A_361 : vector<16xi32> to vector<16xi32>
        tpu.vector_store %arg11[%swap3A_362], %swap3A_365 {strides = array<i32>} : memref<80xi32, #tpu.memory_space<vmem>>, vector<16xi32>,
        %dma_start3A_366 = arith.constant 0 : i32
        %dma_start3A_367 = arith.constant 0 : i32
        %dma_start3A_368 = tpu.memref_slice %arg3[%dma_start3A_366, %dma_start3A_367] : memref<128x128xf32, #tpu.memory_space<hbm>> -> memref<128x128xf32, #tpu.memory_space<hbm>>
        tpu.enqueue_indirect_dma source(%dma_start3A_368 : memref<128x128xf32, #tpu.memory_space<hbm>>) target(%arg13 : memref<80x128xf32, #tpu.memory_space<vmem>>) offsets(%arg11 : memref<80xi32, #tpu.memory_space<vmem>>) semaphore(%arg15 : memref<!tpu.dma_semaphore, #tpu.memory_space<semaphore_mem>>)
      } else {
      }
      %dma_wait3A_260 = arith.constant 0 : i32
      %dma_wait3A_261 = arith.constant 0 : i32
      %dma_wait3A_262 = tpu.memref_slice %arg6[%dma_wait3A_260, %dma_wait3A_261] : memref<640x128xf32, #tpu.memory_space<vmem_shared>> -> memref<640x128xf32, #tpu.memory_space<vmem_shared>>
      tpu.wait_indirect_dma semaphore(%arg18 : memref<!tpu.dma_semaphore, #tpu.memory_space<semaphore_mem>>) src(%arg14 : memref<80x128xf32, #tpu.memory_space<vmem>>) dst(%dma_wait3A_262 : memref<640x128xf32, #tpu.memory_space<vmem_shared>>)
      %mul3A_263 = arith.constant 2 : i32
      %mul3A_264 = arith.muli %mul3A_263, %scan3A_132 : i32
      %add3A_265 = arith.constant 3 : i32
      %add3A_266 = arith.addi %mul3A_264, %add3A_265 : i32
      %lt3A_267 = arith.constant 125 : i32
      %lt3A_268 = arith.cmpi slt, %add3A_266, %lt3A_267 : i32
      %convert_element_type3A_269 = arith.extui %lt3A_268 : i1 to i32
      %cond3A_270 = arith.constant 0 : i32
      %cond3A_271 = arith.cmpi ne, %convert_element_type3A_269, %cond3A_270 : i32
      scf.if %cond3A_271 {
        %mul3A_272 = arith.constant 2 : i32
        %mul3A_273 = arith.muli %mul3A_272, %scan3A_132 : i32
        %add3A_274 = arith.constant 3 : i32
        %add3A_275 = arith.addi %mul3A_273, %add3A_274 : i32
        %mul3A_276 = arith.constant 80 : i32
        %mul3A_277 = arith.muli %add3A_275, %mul3A_276 : i32
        %add3A_278 = arith.addi %mul3A_6, %mul3A_277 : i32
        %multiple_of3A_279 = tpu.assume_multiple %add3A_278, 8 : i32
        %dma_start3A_280 = tpu.memref_slice %arg2[%multiple_of3A_279] : memref<320000xi32, #tpu.memory_space<hbm>> -> memref<80xi32, #tpu.memory_space<hbm>>
        %dma_start3A_281 = tpu.memref_slice %arg2[%multiple_of3A_279] : memref<320000xi32, #tpu.memory_space<hbm>> -> memref<80xi32, #tpu.memory_space<hbm>>
        tpu.enqueue_dma source(%dma_start3A_281 : memref<80xi32, #tpu.memory_space<hbm>>) target(%arg8 : memref<80xi32, #tpu.memory_space<vmem>>) target_semaphore(%arg20 : memref<!tpu.dma_semaphore, #tpu.memory_space<semaphore_mem>>)
      } else {
      }
    }
    %scan3A_116 = arith.constant 62 : i32
    %dma_wait3A_117 = arith.constant 0 : i32
    %dma_wait3A_118 = arith.constant 0 : i32
    %dma_wait3A_119 = tpu.memref_slice %arg3[%dma_wait3A_117, %dma_wait3A_118] : memref<128x128xf32, #tpu.memory_space<hbm>> -> memref<128x128xf32, #tpu.memory_space<hbm>>
    tpu.wait_indirect_dma semaphore(%arg15 : memref<!tpu.dma_semaphore, #tpu.memory_space<semaphore_mem>>) src(%dma_wait3A_119 : memref<128x128xf32, #tpu.memory_space<hbm>>) dst(%arg13 : memref<80x128xf32, #tpu.memory_space<vmem>>)
    %dma_start3A_120 = arith.constant 0 : i32
    %dma_start3A_121 = arith.constant 0 : i32
    %dma_start3A_122 = tpu.memref_slice %arg6[%dma_start3A_120, %dma_start3A_121] : memref<640x128xf32, #tpu.memory_space<vmem_shared>> -> memref<640x128xf32, #tpu.memory_space<vmem_shared>>
    tpu.enqueue_indirect_dma source(%arg13 : memref<80x128xf32, #tpu.memory_space<vmem>>) target(%dma_start3A_122 : memref<640x128xf32, #tpu.memory_space<vmem_shared>>) offsets(%arg9 : memref<80xi32, #tpu.memory_space<vmem>>) semaphore(%arg17 : memref<!tpu.dma_semaphore, #tpu.memory_space<semaphore_mem>>) {add = true}
    %dma_wait3A_123 = arith.constant 0 : i32
    %dma_wait3A_124 = arith.constant 0 : i32
    %dma_wait3A_125 = tpu.memref_slice %arg6[%dma_wait3A_123, %dma_wait3A_124] : memref<640x128xf32, #tpu.memory_space<vmem_shared>> -> memref<640x128xf32, #tpu.memory_space<vmem_shared>>
    tpu.wait_indirect_dma semaphore(%arg17 : memref<!tpu.dma_semaphore, #tpu.memory_space<semaphore_mem>>) src(%arg13 : memref<80x128xf32, #tpu.memory_space<vmem>>) dst(%dma_wait3A_125 : memref<640x128xf32, #tpu.memory_space<vmem_shared>>)
    %barrier3A_126 = arith.constant 0 : index
    tpu.barrier barrier_id(%barrier3A_126)
    %mul3A_127 = arith.constant 40 : i32
    %mul3A_128 = arith.muli %arg1, %mul3A_127 : i32
    %add3A_129 = arith.constant 0 : i32
    %add3A_130 = arith.addi %mul3A_128, %add3A_129 : i32
    %multiple_of3A_131 = tpu.assume_multiple %add3A_130, 8 : i32
    "tpu.region"() ({
      %run_scoped3A = tpu.sem_alloc : memref<!tpu.dma_semaphore, #tpu.memory_space<semaphore_mem>>
      %dma_start3A_132 = arith.constant 0 : i32
      %dma_start3A_133 = arith.constant 0 : i32
      %dma_start3A_134 = tpu.memref_slice %arg13[%dma_start3A_132, %dma_start3A_133] : memref<80x128xf32, #tpu.memory_space<vmem>> -> memref<40x128xf32, #tpu.memory_space<vmem>>
      %dma_start3A_135 = arith.constant 0 : i32
      %dma_start3A_136 = tpu.memref_slice %arg6[%multiple_of3A_131, %dma_start3A_135] : memref<640x128xf32, #tpu.memory_space<vmem_shared>> -> memref<40x128xf32, #tpu.memory_space<vmem_shared>>
      %dma_start3A_137 = arith.constant 0 : i32
      %dma_start3A_138 = arith.constant 0 : i32
      %dma_start3A_139 = tpu.memref_slice %arg13[%dma_start3A_137, %dma_start3A_138] : memref<80x128xf32, #tpu.memory_space<vmem>> -> memref<40x128xf32, #tpu.memory_space<vmem>>
      %dma_start3A_140 = arith.constant 0 : i32
      %dma_start3A_141 = tpu.memref_slice %arg6[%multiple_of3A_131, %dma_start3A_140] : memref<640x128xf32, #tpu.memory_space<vmem_shared>> -> memref<40x128xf32, #tpu.memory_space<vmem_shared>>
      tpu.enqueue_dma source(%dma_start3A_141 : memref<40x128xf32, #tpu.memory_space<vmem_shared>>) target(%dma_start3A_139 : memref<40x128xf32, #tpu.memory_space<vmem>>) target_semaphore(%run_scoped3A : memref<!tpu.dma_semaphore, #tpu.memory_space<semaphore_mem>>)
      %dma_wait3A_142 = arith.constant 0 : i32
      %dma_wait3A_143 = arith.constant 0 : i32
      %dma_wait3A_144 = tpu.memref_slice %arg13[%dma_wait3A_142, %dma_wait3A_143] : memref<80x128xf32, #tpu.memory_space<vmem>> -> memref<40x128xf32, #tpu.memory_space<vmem>>
      %dma_wait3A_145 = arith.constant 0 : i32
      %dma_wait3A_146 = tpu.memref_slice %arg6[%multiple_of3A_131, %dma_wait3A_145] : memref<640x128xf32, #tpu.memory_space<vmem_shared>> -> memref<40x128xf32, #tpu.memory_space<vmem_shared>>
      %dma_wait3A_147 = arith.constant 0 : i32
      %dma_wait3A_148 = arith.constant 0 : i32
      %dma_wait3A_149 = tpu.memref_slice %arg13[%dma_wait3A_147, %dma_wait3A_148] : memref<80x128xf32, #tpu.memory_space<vmem>> -> memref<40x128xf32, #tpu.memory_space<vmem>>
      %dma_wait3A_150 = arith.constant 0 : i32
      %dma_wait3A_151 = tpu.memref_slice %arg6[%multiple_of3A_131, %dma_wait3A_150] : memref<640x128xf32, #tpu.memory_space<vmem_shared>> -> memref<40x128xf32, #tpu.memory_space<vmem_shared>>
      tpu.wait_dma2 semaphore(%run_scoped3A : memref<!tpu.dma_semaphore, #tpu.memory_space<semaphore_mem>>) src(%dma_wait3A_151 : memref<40x128xf32, #tpu.memory_space<vmem_shared>>) dst(%dma_wait3A_149 : memref<40x128xf32, #tpu.memory_space<vmem>>)
      tpu.yield
    }) : () -> ()
    "tpu.region"() ({
      %run_scoped3A = tpu.sem_alloc : memref<!tpu.dma_semaphore, #tpu.memory_space<semaphore_mem>>
      %dma_start3A_132 = arith.constant 0 : i32
      %dma_start3A_133 = arith.constant 0 : i32
      %dma_start3A_134 = tpu.memref_slice %arg13[%dma_start3A_132, %dma_start3A_133] : memref<80x128xf32, #tpu.memory_space<vmem>> -> memref<40x128xf32, #tpu.memory_space<vmem>>
      %dma_start3A_135 = arith.constant 0 : i32
      %dma_start3A_136 = arith.constant 0 : i32
      %dma_start3A_137 = tpu.memref_slice %arg5[%arg0, %dma_start3A_135, %dma_start3A_136] : memref<2x640x128xf32, #tpu.memory_space<hbm>> -> memref<1x640x128xf32, #tpu.memory_space<hbm>>
      %dma_start3A_138 = tpu.memref_squeeze %dma_start3A_137 : memref<1x640x128xf32, #tpu.memory_space<hbm>> -> memref<640x128xf32, #tpu.memory_space<hbm>>
      %dma_start3A_139 = arith.constant 0 : i32
      %dma_start3A_140 = tpu.memref_slice %dma_start3A_138[%multiple_of3A_131, %dma_start3A_139] : memref<640x128xf32, #tpu.memory_space<hbm>> -> memref<40x128xf32, #tpu.memory_space<hbm>>
      %dma_start3A_141 = arith.constant 0 : i32
      %dma_start3A_142 = arith.constant 0 : i32
      %dma_start3A_143 = tpu.memref_slice %arg5[%arg0, %dma_start3A_141, %dma_start3A_142] : memref<2x640x128xf32, #tpu.memory_space<hbm>> -> memref<1x640x128xf32, #tpu.memory_space<hbm>>
      %dma_start3A_144 = tpu.memref_squeeze %dma_start3A_143 : memref<1x640x128xf32, #tpu.memory_space<hbm>> -> memref<640x128xf32, #tpu.memory_space<hbm>>
      %dma_start3A_145 = arith.constant 0 : i32
      %dma_start3A_146 = tpu.memref_slice %dma_start3A_144[%multiple_of3A_131, %dma_start3A_145] : memref<640x128xf32, #tpu.memory_space<hbm>> -> memref<40x128xf32, #tpu.memory_space<hbm>>
      %dma_start3A_147 = arith.constant 0 : i32
      %dma_start3A_148 = arith.constant 0 : i32
      %dma_start3A_149 = tpu.memref_slice %arg13[%dma_start3A_147, %dma_start3A_148] : memref<80x128xf32, #tpu.memory_space<vmem>> -> memref<40x128xf32, #tpu.memory_space<vmem>>
      tpu.enqueue_dma source(%dma_start3A_149 : memref<40x128xf32, #tpu.memory_space<vmem>>) target(%dma_start3A_146 : memref<40x128xf32, #tpu.memory_space<hbm>>) target_semaphore(%run_scoped3A : memref<!tpu.dma_semaphore, #tpu.memory_space<semaphore_mem>>)
      %dma_wait3A_150 = arith.constant 0 : i32
      %dma_wait3A_151 = arith.constant 0 : i32
      %dma_wait3A_152 = tpu.memref_slice %arg13[%dma_wait3A_150, %dma_wait3A_151] : memref<80x128xf32, #tpu.memory_space<vmem>> -> memref<40x128xf32, #tpu.memory_space<vmem>>
      %dma_wait3A_153 = arith.constant 0 : i32
      %dma_wait3A_154 = arith.constant 0 : i32
      %dma_wait3A_155 = tpu.memref_slice %arg5[%arg0, %dma_wait3A_153, %dma_wait3A_154] : memref<2x640x128xf32, #tpu.memory_space<hbm>> -> memref<1x640x128xf32, #tpu.memory_space<hbm>>
      %dma_wait3A_156 = tpu.memref_squeeze %dma_wait3A_155 : memref<1x640x128xf32, #tpu.memory_space<hbm>> -> memref<640x128xf32, #tpu.memory_space<hbm>>
      %dma_wait3A_157 = arith.constant 0 : i32
      %dma_wait3A_158 = tpu.memref_slice %dma_wait3A_156[%multiple_of3A_131, %dma_wait3A_157] : memref<640x128xf32, #tpu.memory_space<hbm>> -> memref<40x128xf32, #tpu.memory_space<hbm>>
      %dma_wait3A_159 = arith.constant 0 : i32
      %dma_wait3A_160 = arith.constant 0 : i32
      %dma_wait3A_161 = tpu.memref_slice %arg5[%arg0, %dma_wait3A_159, %dma_wait3A_160] : memref<2x640x128xf32, #tpu.memory_space<hbm>> -> memref<1x640x128xf32, #tpu.memory_space<hbm>>
      %dma_wait3A_162 = tpu.memref_squeeze %dma_wait3A_161 : memref<1x640x128xf32, #tpu.memory_space<hbm>> -> memref<640x128xf32, #tpu.memory_space<hbm>>
      %dma_wait3A_163 = arith.constant 0 : i32
      %dma_wait3A_164 = tpu.memref_slice %dma_wait3A_162[%multiple_of3A_131, %dma_wait3A_163] : memref<640x128xf32, #tpu.memory_space<hbm>> -> memref<40x128xf32, #tpu.memory_space<hbm>>
      %dma_wait3A_165 = arith.constant 0 : i32
      %dma_wait3A_166 = arith.constant 0 : i32
      %dma_wait3A_167 = tpu.memref_slice %arg13[%dma_wait3A_165, %dma_wait3A_166] : memref<80x128xf32, #tpu.memory_space<vmem>> -> memref<40x128xf32, #tpu.memory_space<vmem>>
      tpu.wait_dma2 semaphore(%run_scoped3A : memref<!tpu.dma_semaphore, #tpu.memory_space<semaphore_mem>>) src(%dma_wait3A_167 : memref<40x128xf32, #tpu.memory_space<vmem>>) dst(%dma_wait3A_164 : memref<40x128xf32, #tpu.memory_space<hbm>>)
      tpu.yield
    }) : () -> ()
    return
  }
}

module attributes {stable_mosaic.version = 14 : i64} {
  func.func @_tc_body(%arg0: i32, %arg1: memref<1000x128xf32, #tpu.memory_space<vmem>>, %arg2: memref<2x1000x128xf32, #tpu.memory_space<vmem>>, %arg3: memref<2x1000x1xf32, #tpu.memory_space<vmem>>, %arg4: memref<11x256x128xf32, #tpu.memory_space<vmem>>, %arg5: memref<16x128xf32, #tpu.memory_space<vmem>>, %arg6: memref<128x128xf32, #tpu.memory_space<vmem>>, %arg7: memref<1000x1xi32, #tpu.memory_space<vmem>>, %arg8: memref<64x128xf32, #tpu.memory_space<vmem>>, %arg9: memref<1000x128xf32, #tpu.memory_space<vmem>>, %arg10: memref<64x128xf32, #tpu.memory_space<vmem>>) attributes {dimension_semantics = [#tpu.dimension_semantics<arbitrary>], iteration_bounds = array<i64: 10>, scalar_prefetch = 0 : i64, scratch_operands = 0 : i64, tpu.core_type = #tpu.core_type<tc>, window_params = [{transform_indices = @transform_0, window_bounds = array<i64: 1000, 128>}, {transform_indices = @transform_1, window_bounds = array<i64: 2, 1000, 128>}, {transform_indices = @transform_2, window_bounds = array<i64: 2, 1000, 1>}, {pipeline_mode = #tpu.pipeline_mode<synchronous>, transform_indices = @transform_3, window_bounds = array<i64: 11, 256, 128>}, {pipeline_mode = #tpu.pipeline_mode<synchronous>, transform_indices = @transform_4, window_bounds = array<i64: 16, 128>}, {pipeline_mode = #tpu.pipeline_mode<synchronous>, transform_indices = @transform_5, window_bounds = array<i64: 128, 128>}, {transform_indices = @transform_6, window_bounds = array<i64: 1000, 1>}, {pipeline_mode = #tpu.pipeline_mode<synchronous>, transform_indices = @transform_7, window_bounds = array<i64: 64, 128>}, {transform_indices = @transform_8, window_bounds = array<i64: 1000, 128>}, {pipeline_mode = #tpu.pipeline_mode<synchronous>, transform_indices = @transform_9, window_bounds = array<i64: 64, 128>}]} {
    %get3A = arith.constant 0 : index
    %get3A_0 = arith.constant 0 : index
    %get3A_1 = vector.load %arg1[%get3A, %get3A_0] : memref<1000x128xf32, #tpu.memory_space<vmem>>, vector<1000x128xf32>
    %get3A_2 = arith.constant 0 : index
    %get3A_3 = arith.constant 0 : index
    %get3A_4 = arith.constant 0 : index
    %get3A_5 = vector.load %arg2[%get3A_2, %get3A_3, %get3A_4] : memref<2x1000x128xf32, #tpu.memory_space<vmem>>, vector<1x1000x128xf32>
    %get3A_6 = vector.shape_cast %get3A_5 : vector<1x1000x128xf32> to vector<1000x128xf32>
    %get3A_7 = arith.constant 1 : index
    %get3A_8 = arith.constant 0 : index
    %get3A_9 = arith.constant 0 : index
    %get3A_10 = vector.load %arg2[%get3A_7, %get3A_8, %get3A_9] : memref<2x1000x128xf32, #tpu.memory_space<vmem>>, vector<1x1000x128xf32>
    %get3A_11 = vector.shape_cast %get3A_10 : vector<1x1000x128xf32> to vector<1000x128xf32>
    %add3A = arith.addf %get3A_6, %get3A_11 : vector<1000x128xf32>
    %get3A_12 = arith.constant 0 : index
    %get3A_13 = arith.constant 0 : index
    %get3A_14 = arith.constant 0 : index
    %get3A_15 = vector.load %arg3[%get3A_12, %get3A_13, %get3A_14] : memref<2x1000x1xf32, #tpu.memory_space<vmem>>, vector<1x1000x1xf32>
    %get3A_16 = vector.shape_cast %get3A_15 : vector<1x1000x1xf32> to vector<1000x1xf32>
    %get3A_17 = arith.constant 1 : index
    %get3A_18 = arith.constant 0 : index
    %get3A_19 = arith.constant 0 : index
    %get3A_20 = vector.load %arg3[%get3A_17, %get3A_18, %get3A_19] : memref<2x1000x1xf32, #tpu.memory_space<vmem>>, vector<1x1000x1xf32>
    %get3A_21 = vector.shape_cast %get3A_20 : vector<1x1000x1xf32> to vector<1000x1xf32>
    %add3A_22 = arith.addf %get3A_16, %get3A_21 : vector<1000x1xf32>
    %min3A = arith.constant 1.000000e+01 : f32
    %min3A_23 = vector.broadcast %min3A : f32 to vector<1000x1xf32>
    %min3A_24 = arith.minimumf %add3A_22, %min3A_23 : vector<1000x1xf32>
    %concatenate3A = tpu.concatenate %add3A, %get3A_1 in 1 : vector<1000x128xf32>, vector<1000x128xf32> -> vector<1000x256xf32>
    %broadcast_in_dim3A = arith.constant 0.000000e+00 : f32
    %broadcast_in_dim3A_25 = vector.broadcast %broadcast_in_dim3A : f32 to vector<1000x128xf32>
    %get3A_26 = arith.constant 0 : index
    %get3A_27 = arith.constant 0 : index
    %get3A_28 = arith.constant 0 : index
    %get3A_29 = vector.load %arg4[%get3A_26, %get3A_27, %get3A_28] : memref<11x256x128xf32, #tpu.memory_space<vmem>>, vector<1x256x128xf32>
    %get3A_30 = vector.shape_cast %get3A_29 : vector<1x256x128xf32> to vector<256x128xf32>
    %dot_general3A = arith.constant dense<0.000000e+00> : vector<1000x128xf32>
    %dot_general3A_31 = tpu.matmul %concatenate3A, %get3A_30, %dot_general3A {dimension_numbers = #tpu.dot_dimension_numbers<[1], [0], [0], [1], [0, 0, 1, 1], [], []>, transpose_lhs_hint = false} : vector<1000x256xf32>, vector<256x128xf32>, vector<1000x128xf32> -> vector<1000x128xf32>
    %get3A_32 = arith.constant 0 : index
    %get3A_33 = arith.constant 0 : index
    %get3A_34 = vector.load %arg5[%get3A_32, %get3A_33] : memref<16x128xf32, #tpu.memory_space<vmem>>, vector<1x128xf32>
    %get3A_35 = vector.shape_cast %get3A_34 : vector<1x128xf32> to vector<128xf32>
    %broadcast_in_dim3A_36 = vector.shape_cast %get3A_35 : vector<128xf32> to vector<1x128xf32>
    %add3A_37 = vector.broadcast %broadcast_in_dim3A_36 : vector<1x128xf32> to vector<1000x128xf32>
    %add3A_38 = arith.addf %dot_general3A_31, %add3A_37 : vector<1000x128xf32>
    %eq3A = arith.constant 0.000000e+00 : f32
    %eq3A_39 = vector.broadcast %eq3A : f32 to vector<1000x1xf32>
    %eq3A_40 = arith.cmpf oeq, %min3A_24, %eq3A_39 : vector<1000x1xf32>
    %broadcast_in_dim3A_41 = vector.shape_cast %eq3A_40 : vector<1000x1xi1> to vector<1000x1xi1>
    %broadcast_in_dim3A_42 = vector.broadcast %broadcast_in_dim3A_41 : vector<1000x1xi1> to vector<1000x128xi1>
    %select_n3A = arith.select %broadcast_in_dim3A_42, %add3A_38, %broadcast_in_dim3A_25 : vector<1000x128xi1>, vector<1000x128xf32>
    %get3A_43 = arith.constant 1 : index
    %get3A_44 = arith.constant 0 : index
    %get3A_45 = arith.constant 0 : index
    %get3A_46 = vector.load %arg4[%get3A_43, %get3A_44, %get3A_45] : memref<11x256x128xf32, #tpu.memory_space<vmem>>, vector<1x256x128xf32>
    %get3A_47 = vector.shape_cast %get3A_46 : vector<1x256x128xf32> to vector<256x128xf32>
    %dot_general3A_48 = arith.constant dense<0.000000e+00> : vector<1000x128xf32>
    %dot_general3A_49 = tpu.matmul %concatenate3A, %get3A_47, %dot_general3A_48 {dimension_numbers = #tpu.dot_dimension_numbers<[1], [0], [0], [1], [0, 0, 1, 1], [], []>, transpose_lhs_hint = false} : vector<1000x256xf32>, vector<256x128xf32>, vector<1000x128xf32> -> vector<1000x128xf32>
    %get3A_50 = arith.constant 1 : index
    %get3A_51 = arith.constant 0 : index
    %get3A_52 = vector.load %arg5[%get3A_50, %get3A_51] : memref<16x128xf32, #tpu.memory_space<vmem>>, vector<1x128xf32>
    %get3A_53 = vector.shape_cast %get3A_52 : vector<1x128xf32> to vector<128xf32>
    %broadcast_in_dim3A_54 = vector.shape_cast %get3A_53 : vector<128xf32> to vector<1x128xf32>
    %add3A_55 = vector.broadcast %broadcast_in_dim3A_54 : vector<1x128xf32> to vector<1000x128xf32>
    %add3A_56 = arith.addf %dot_general3A_49, %add3A_55 : vector<1000x128xf32>
    %eq3A_57 = arith.constant 1.000000e+00 : f32
    %eq3A_58 = vector.broadcast %eq3A_57 : f32 to vector<1000x1xf32>
    %eq3A_59 = arith.cmpf oeq, %min3A_24, %eq3A_58 : vector<1000x1xf32>
    %broadcast_in_dim3A_60 = vector.shape_cast %eq3A_59 : vector<1000x1xi1> to vector<1000x1xi1>
    %broadcast_in_dim3A_61 = vector.broadcast %broadcast_in_dim3A_60 : vector<1000x1xi1> to vector<1000x128xi1>
    %select_n3A_62 = arith.select %broadcast_in_dim3A_61, %add3A_56, %select_n3A : vector<1000x128xi1>, vector<1000x128xf32>
    %get3A_63 = arith.constant 2 : index
    %get3A_64 = arith.constant 0 : index
    %get3A_65 = arith.constant 0 : index
    %get3A_66 = vector.load %arg4[%get3A_63, %get3A_64, %get3A_65] : memref<11x256x128xf32, #tpu.memory_space<vmem>>, vector<1x256x128xf32>
    %get3A_67 = vector.shape_cast %get3A_66 : vector<1x256x128xf32> to vector<256x128xf32>
    %dot_general3A_68 = arith.constant dense<0.000000e+00> : vector<1000x128xf32>
    %dot_general3A_69 = tpu.matmul %concatenate3A, %get3A_67, %dot_general3A_68 {dimension_numbers = #tpu.dot_dimension_numbers<[1], [0], [0], [1], [0, 0, 1, 1], [], []>, transpose_lhs_hint = false} : vector<1000x256xf32>, vector<256x128xf32>, vector<1000x128xf32> -> vector<1000x128xf32>
    %get3A_70 = arith.constant 2 : index
    %get3A_71 = arith.constant 0 : index
    %get3A_72 = vector.load %arg5[%get3A_70, %get3A_71] : memref<16x128xf32, #tpu.memory_space<vmem>>, vector<1x128xf32>
    %get3A_73 = vector.shape_cast %get3A_72 : vector<1x128xf32> to vector<128xf32>
    %broadcast_in_dim3A_74 = vector.shape_cast %get3A_73 : vector<128xf32> to vector<1x128xf32>
    %add3A_75 = vector.broadcast %broadcast_in_dim3A_74 : vector<1x128xf32> to vector<1000x128xf32>
    %add3A_76 = arith.addf %dot_general3A_69, %add3A_75 : vector<1000x128xf32>
    %eq3A_77 = arith.constant 2.000000e+00 : f32
    %eq3A_78 = vector.broadcast %eq3A_77 : f32 to vector<1000x1xf32>
    %eq3A_79 = arith.cmpf oeq, %min3A_24, %eq3A_78 : vector<1000x1xf32>
    %broadcast_in_dim3A_80 = vector.shape_cast %eq3A_79 : vector<1000x1xi1> to vector<1000x1xi1>
    %broadcast_in_dim3A_81 = vector.broadcast %broadcast_in_dim3A_80 : vector<1000x1xi1> to vector<1000x128xi1>
    %select_n3A_82 = arith.select %broadcast_in_dim3A_81, %add3A_76, %select_n3A_62 : vector<1000x128xi1>, vector<1000x128xf32>
    %get3A_83 = arith.constant 3 : index
    %get3A_84 = arith.constant 0 : index
    %get3A_85 = arith.constant 0 : index
    %get3A_86 = vector.load %arg4[%get3A_83, %get3A_84, %get3A_85] : memref<11x256x128xf32, #tpu.memory_space<vmem>>, vector<1x256x128xf32>
    %get3A_87 = vector.shape_cast %get3A_86 : vector<1x256x128xf32> to vector<256x128xf32>
    %dot_general3A_88 = arith.constant dense<0.000000e+00> : vector<1000x128xf32>
    %dot_general3A_89 = tpu.matmul %concatenate3A, %get3A_87, %dot_general3A_88 {dimension_numbers = #tpu.dot_dimension_numbers<[1], [0], [0], [1], [0, 0, 1, 1], [], []>, transpose_lhs_hint = false} : vector<1000x256xf32>, vector<256x128xf32>, vector<1000x128xf32> -> vector<1000x128xf32>
    %get3A_90 = arith.constant 3 : index
    %get3A_91 = arith.constant 0 : index
    %get3A_92 = vector.load %arg5[%get3A_90, %get3A_91] : memref<16x128xf32, #tpu.memory_space<vmem>>, vector<1x128xf32>
    %get3A_93 = vector.shape_cast %get3A_92 : vector<1x128xf32> to vector<128xf32>
    %broadcast_in_dim3A_94 = vector.shape_cast %get3A_93 : vector<128xf32> to vector<1x128xf32>
    %add3A_95 = vector.broadcast %broadcast_in_dim3A_94 : vector<1x128xf32> to vector<1000x128xf32>
    %add3A_96 = arith.addf %dot_general3A_89, %add3A_95 : vector<1000x128xf32>
    %eq3A_97 = arith.constant 3.000000e+00 : f32
    %eq3A_98 = vector.broadcast %eq3A_97 : f32 to vector<1000x1xf32>
    %eq3A_99 = arith.cmpf oeq, %min3A_24, %eq3A_98 : vector<1000x1xf32>
    %broadcast_in_dim3A_100 = vector.shape_cast %eq3A_99 : vector<1000x1xi1> to vector<1000x1xi1>
    %broadcast_in_dim3A_101 = vector.broadcast %broadcast_in_dim3A_100 : vector<1000x1xi1> to vector<1000x128xi1>
    %select_n3A_102 = arith.select %broadcast_in_dim3A_101, %add3A_96, %select_n3A_82 : vector<1000x128xi1>, vector<1000x128xf32>
    %get3A_103 = arith.constant 4 : index
    %get3A_104 = arith.constant 0 : index
    %get3A_105 = arith.constant 0 : index
    %get3A_106 = vector.load %arg4[%get3A_103, %get3A_104, %get3A_105] : memref<11x256x128xf32, #tpu.memory_space<vmem>>, vector<1x256x128xf32>
    %get3A_107 = vector.shape_cast %get3A_106 : vector<1x256x128xf32> to vector<256x128xf32>
    %dot_general3A_108 = arith.constant dense<0.000000e+00> : vector<1000x128xf32>
    %dot_general3A_109 = tpu.matmul %concatenate3A, %get3A_107, %dot_general3A_108 {dimension_numbers = #tpu.dot_dimension_numbers<[1], [0], [0], [1], [0, 0, 1, 1], [], []>, transpose_lhs_hint = false} : vector<1000x256xf32>, vector<256x128xf32>, vector<1000x128xf32> -> vector<1000x128xf32>
    %get3A_110 = arith.constant 4 : index
    %get3A_111 = arith.constant 0 : index
    %get3A_112 = vector.load %arg5[%get3A_110, %get3A_111] : memref<16x128xf32, #tpu.memory_space<vmem>>, vector<1x128xf32>
    %get3A_113 = vector.shape_cast %get3A_112 : vector<1x128xf32> to vector<128xf32>
    %broadcast_in_dim3A_114 = vector.shape_cast %get3A_113 : vector<128xf32> to vector<1x128xf32>
    %add3A_115 = vector.broadcast %broadcast_in_dim3A_114 : vector<1x128xf32> to vector<1000x128xf32>
    %add3A_116 = arith.addf %dot_general3A_109, %add3A_115 : vector<1000x128xf32>
    %eq3A_117 = arith.constant 4.000000e+00 : f32
    %eq3A_118 = vector.broadcast %eq3A_117 : f32 to vector<1000x1xf32>
    %eq3A_119 = arith.cmpf oeq, %min3A_24, %eq3A_118 : vector<1000x1xf32>
    %broadcast_in_dim3A_120 = vector.shape_cast %eq3A_119 : vector<1000x1xi1> to vector<1000x1xi1>
    %broadcast_in_dim3A_121 = vector.broadcast %broadcast_in_dim3A_120 : vector<1000x1xi1> to vector<1000x128xi1>
    %select_n3A_122 = arith.select %broadcast_in_dim3A_121, %add3A_116, %select_n3A_102 : vector<1000x128xi1>, vector<1000x128xf32>
    %get3A_123 = arith.constant 5 : index
    %get3A_124 = arith.constant 0 : index
    %get3A_125 = arith.constant 0 : index
    %get3A_126 = vector.load %arg4[%get3A_123, %get3A_124, %get3A_125] : memref<11x256x128xf32, #tpu.memory_space<vmem>>, vector<1x256x128xf32>
    %get3A_127 = vector.shape_cast %get3A_126 : vector<1x256x128xf32> to vector<256x128xf32>
    %dot_general3A_128 = arith.constant dense<0.000000e+00> : vector<1000x128xf32>
    %dot_general3A_129 = tpu.matmul %concatenate3A, %get3A_127, %dot_general3A_128 {dimension_numbers = #tpu.dot_dimension_numbers<[1], [0], [0], [1], [0, 0, 1, 1], [], []>, transpose_lhs_hint = false} : vector<1000x256xf32>, vector<256x128xf32>, vector<1000x128xf32> -> vector<1000x128xf32>
    %get3A_130 = arith.constant 5 : index
    %get3A_131 = arith.constant 0 : index
    %get3A_132 = vector.load %arg5[%get3A_130, %get3A_131] : memref<16x128xf32, #tpu.memory_space<vmem>>, vector<1x128xf32>
    %get3A_133 = vector.shape_cast %get3A_132 : vector<1x128xf32> to vector<128xf32>
    %broadcast_in_dim3A_134 = vector.shape_cast %get3A_133 : vector<128xf32> to vector<1x128xf32>
    %add3A_135 = vector.broadcast %broadcast_in_dim3A_134 : vector<1x128xf32> to vector<1000x128xf32>
    %add3A_136 = arith.addf %dot_general3A_129, %add3A_135 : vector<1000x128xf32>
    %eq3A_137 = arith.constant 5.000000e+00 : f32
    %eq3A_138 = vector.broadcast %eq3A_137 : f32 to vector<1000x1xf32>
    %eq3A_139 = arith.cmpf oeq, %min3A_24, %eq3A_138 : vector<1000x1xf32>
    %broadcast_in_dim3A_140 = vector.shape_cast %eq3A_139 : vector<1000x1xi1> to vector<1000x1xi1>
    %broadcast_in_dim3A_141 = vector.broadcast %broadcast_in_dim3A_140 : vector<1000x1xi1> to vector<1000x128xi1>
    %select_n3A_142 = arith.select %broadcast_in_dim3A_141, %add3A_136, %select_n3A_122 : vector<1000x128xi1>, vector<1000x128xf32>
    %get3A_143 = arith.constant 6 : index
    %get3A_144 = arith.constant 0 : index
    %get3A_145 = arith.constant 0 : index
    %get3A_146 = vector.load %arg4[%get3A_143, %get3A_144, %get3A_145] : memref<11x256x128xf32, #tpu.memory_space<vmem>>, vector<1x256x128xf32>
    %get3A_147 = vector.shape_cast %get3A_146 : vector<1x256x128xf32> to vector<256x128xf32>
    %dot_general3A_148 = arith.constant dense<0.000000e+00> : vector<1000x128xf32>
    %dot_general3A_149 = tpu.matmul %concatenate3A, %get3A_147, %dot_general3A_148 {dimension_numbers = #tpu.dot_dimension_numbers<[1], [0], [0], [1], [0, 0, 1, 1], [], []>, transpose_lhs_hint = false} : vector<1000x256xf32>, vector<256x128xf32>, vector<1000x128xf32> -> vector<1000x128xf32>
    %get3A_150 = arith.constant 6 : index
    %get3A_151 = arith.constant 0 : index
    %get3A_152 = vector.load %arg5[%get3A_150, %get3A_151] : memref<16x128xf32, #tpu.memory_space<vmem>>, vector<1x128xf32>
    %get3A_153 = vector.shape_cast %get3A_152 : vector<1x128xf32> to vector<128xf32>
    %broadcast_in_dim3A_154 = vector.shape_cast %get3A_153 : vector<128xf32> to vector<1x128xf32>
    %add3A_155 = vector.broadcast %broadcast_in_dim3A_154 : vector<1x128xf32> to vector<1000x128xf32>
    %add3A_156 = arith.addf %dot_general3A_149, %add3A_155 : vector<1000x128xf32>
    %eq3A_157 = arith.constant 6.000000e+00 : f32
    %eq3A_158 = vector.broadcast %eq3A_157 : f32 to vector<1000x1xf32>
    %eq3A_159 = arith.cmpf oeq, %min3A_24, %eq3A_158 : vector<1000x1xf32>
    %broadcast_in_dim3A_160 = vector.shape_cast %eq3A_159 : vector<1000x1xi1> to vector<1000x1xi1>
    %broadcast_in_dim3A_161 = vector.broadcast %broadcast_in_dim3A_160 : vector<1000x1xi1> to vector<1000x128xi1>
    %select_n3A_162 = arith.select %broadcast_in_dim3A_161, %add3A_156, %select_n3A_142 : vector<1000x128xi1>, vector<1000x128xf32>
    %get3A_163 = arith.constant 7 : index
    %get3A_164 = arith.constant 0 : index
    %get3A_165 = arith.constant 0 : index
    %get3A_166 = vector.load %arg4[%get3A_163, %get3A_164, %get3A_165] : memref<11x256x128xf32, #tpu.memory_space<vmem>>, vector<1x256x128xf32>
    %get3A_167 = vector.shape_cast %get3A_166 : vector<1x256x128xf32> to vector<256x128xf32>
    %dot_general3A_168 = arith.constant dense<0.000000e+00> : vector<1000x128xf32>
    %dot_general3A_169 = tpu.matmul %concatenate3A, %get3A_167, %dot_general3A_168 {dimension_numbers = #tpu.dot_dimension_numbers<[1], [0], [0], [1], [0, 0, 1, 1], [], []>, transpose_lhs_hint = false} : vector<1000x256xf32>, vector<256x128xf32>, vector<1000x128xf32> -> vector<1000x128xf32>
    %get3A_170 = arith.constant 7 : index
    %get3A_171 = arith.constant 0 : index
    %get3A_172 = vector.load %arg5[%get3A_170, %get3A_171] : memref<16x128xf32, #tpu.memory_space<vmem>>, vector<1x128xf32>
    %get3A_173 = vector.shape_cast %get3A_172 : vector<1x128xf32> to vector<128xf32>
    %broadcast_in_dim3A_174 = vector.shape_cast %get3A_173 : vector<128xf32> to vector<1x128xf32>
    %add3A_175 = vector.broadcast %broadcast_in_dim3A_174 : vector<1x128xf32> to vector<1000x128xf32>
    %add3A_176 = arith.addf %dot_general3A_169, %add3A_175 : vector<1000x128xf32>
    %eq3A_177 = arith.constant 7.000000e+00 : f32
    %eq3A_178 = vector.broadcast %eq3A_177 : f32 to vector<1000x1xf32>
    %eq3A_179 = arith.cmpf oeq, %min3A_24, %eq3A_178 : vector<1000x1xf32>
    %broadcast_in_dim3A_180 = vector.shape_cast %eq3A_179 : vector<1000x1xi1> to vector<1000x1xi1>
    %broadcast_in_dim3A_181 = vector.broadcast %broadcast_in_dim3A_180 : vector<1000x1xi1> to vector<1000x128xi1>
    %select_n3A_182 = arith.select %broadcast_in_dim3A_181, %add3A_176, %select_n3A_162 : vector<1000x128xi1>, vector<1000x128xf32>
    %get3A_183 = arith.constant 8 : index
    %get3A_184 = arith.constant 0 : index
    %get3A_185 = arith.constant 0 : index
    %get3A_186 = vector.load %arg4[%get3A_183, %get3A_184, %get3A_185] : memref<11x256x128xf32, #tpu.memory_space<vmem>>, vector<1x256x128xf32>
    %get3A_187 = vector.shape_cast %get3A_186 : vector<1x256x128xf32> to vector<256x128xf32>
    %dot_general3A_188 = arith.constant dense<0.000000e+00> : vector<1000x128xf32>
    %dot_general3A_189 = tpu.matmul %concatenate3A, %get3A_187, %dot_general3A_188 {dimension_numbers = #tpu.dot_dimension_numbers<[1], [0], [0], [1], [0, 0, 1, 1], [], []>, transpose_lhs_hint = false} : vector<1000x256xf32>, vector<256x128xf32>, vector<1000x128xf32> -> vector<1000x128xf32>
    %get3A_190 = arith.constant 8 : index
    %get3A_191 = arith.constant 0 : index
    %get3A_192 = vector.load %arg5[%get3A_190, %get3A_191] : memref<16x128xf32, #tpu.memory_space<vmem>>, vector<1x128xf32>
    %get3A_193 = vector.shape_cast %get3A_192 : vector<1x128xf32> to vector<128xf32>
    %broadcast_in_dim3A_194 = vector.shape_cast %get3A_193 : vector<128xf32> to vector<1x128xf32>
    %add3A_195 = vector.broadcast %broadcast_in_dim3A_194 : vector<1x128xf32> to vector<1000x128xf32>
    %add3A_196 = arith.addf %dot_general3A_189, %add3A_195 : vector<1000x128xf32>
    %eq3A_197 = arith.constant 8.000000e+00 : f32
    %eq3A_198 = vector.broadcast %eq3A_197 : f32 to vector<1000x1xf32>
    %eq3A_199 = arith.cmpf oeq, %min3A_24, %eq3A_198 : vector<1000x1xf32>
    %broadcast_in_dim3A_200 = vector.shape_cast %eq3A_199 : vector<1000x1xi1> to vector<1000x1xi1>
    %broadcast_in_dim3A_201 = vector.broadcast %broadcast_in_dim3A_200 : vector<1000x1xi1> to vector<1000x128xi1>
    %select_n3A_202 = arith.select %broadcast_in_dim3A_201, %add3A_196, %select_n3A_182 : vector<1000x128xi1>, vector<1000x128xf32>
    %get3A_203 = arith.constant 9 : index
    %get3A_204 = arith.constant 0 : index
    %get3A_205 = arith.constant 0 : index
    %get3A_206 = vector.load %arg4[%get3A_203, %get3A_204, %get3A_205] : memref<11x256x128xf32, #tpu.memory_space<vmem>>, vector<1x256x128xf32>
    %get3A_207 = vector.shape_cast %get3A_206 : vector<1x256x128xf32> to vector<256x128xf32>
    %dot_general3A_208 = arith.constant dense<0.000000e+00> : vector<1000x128xf32>
    %dot_general3A_209 = tpu.matmul %concatenate3A, %get3A_207, %dot_general3A_208 {dimension_numbers = #tpu.dot_dimension_numbers<[1], [0], [0], [1], [0, 0, 1, 1], [], []>, transpose_lhs_hint = false} : vector<1000x256xf32>, vector<256x128xf32>, vector<1000x128xf32> -> vector<1000x128xf32>
    %get3A_210 = arith.constant 9 : index
    %get3A_211 = arith.constant 0 : index
    %get3A_212 = vector.load %arg5[%get3A_210, %get3A_211] : memref<16x128xf32, #tpu.memory_space<vmem>>, vector<1x128xf32>
    %get3A_213 = vector.shape_cast %get3A_212 : vector<1x128xf32> to vector<128xf32>
    %broadcast_in_dim3A_214 = vector.shape_cast %get3A_213 : vector<128xf32> to vector<1x128xf32>
    %add3A_215 = vector.broadcast %broadcast_in_dim3A_214 : vector<1x128xf32> to vector<1000x128xf32>
    %add3A_216 = arith.addf %dot_general3A_209, %add3A_215 : vector<1000x128xf32>
    %eq3A_217 = arith.constant 9.000000e+00 : f32
    %eq3A_218 = vector.broadcast %eq3A_217 : f32 to vector<1000x1xf32>
    %eq3A_219 = arith.cmpf oeq, %min3A_24, %eq3A_218 : vector<1000x1xf32>
    %broadcast_in_dim3A_220 = vector.shape_cast %eq3A_219 : vector<1000x1xi1> to vector<1000x1xi1>
    %broadcast_in_dim3A_221 = vector.broadcast %broadcast_in_dim3A_220 : vector<1000x1xi1> to vector<1000x128xi1>
    %select_n3A_222 = arith.select %broadcast_in_dim3A_221, %add3A_216, %select_n3A_202 : vector<1000x128xi1>, vector<1000x128xf32>
    %get3A_223 = arith.constant 10 : index
    %get3A_224 = arith.constant 0 : index
    %get3A_225 = arith.constant 0 : index
    %get3A_226 = vector.load %arg4[%get3A_223, %get3A_224, %get3A_225] : memref<11x256x128xf32, #tpu.memory_space<vmem>>, vector<1x256x128xf32>
    %get3A_227 = vector.shape_cast %get3A_226 : vector<1x256x128xf32> to vector<256x128xf32>
    %dot_general3A_228 = arith.constant dense<0.000000e+00> : vector<1000x128xf32>
    %dot_general3A_229 = tpu.matmul %concatenate3A, %get3A_227, %dot_general3A_228 {dimension_numbers = #tpu.dot_dimension_numbers<[1], [0], [0], [1], [0, 0, 1, 1], [], []>, transpose_lhs_hint = false} : vector<1000x256xf32>, vector<256x128xf32>, vector<1000x128xf32> -> vector<1000x128xf32>
    %get3A_230 = arith.constant 10 : index
    %get3A_231 = arith.constant 0 : index
    %get3A_232 = vector.load %arg5[%get3A_230, %get3A_231] : memref<16x128xf32, #tpu.memory_space<vmem>>, vector<1x128xf32>
    %get3A_233 = vector.shape_cast %get3A_232 : vector<1x128xf32> to vector<128xf32>
    %broadcast_in_dim3A_234 = vector.shape_cast %get3A_233 : vector<128xf32> to vector<1x128xf32>
    %add3A_235 = vector.broadcast %broadcast_in_dim3A_234 : vector<1x128xf32> to vector<1000x128xf32>
    %add3A_236 = arith.addf %dot_general3A_229, %add3A_235 : vector<1000x128xf32>
    %eq3A_237 = arith.constant 1.000000e+01 : f32
    %eq3A_238 = vector.broadcast %eq3A_237 : f32 to vector<1000x1xf32>
    %eq3A_239 = arith.cmpf oeq, %min3A_24, %eq3A_238 : vector<1000x1xf32>
    %broadcast_in_dim3A_240 = vector.shape_cast %eq3A_239 : vector<1000x1xi1> to vector<1000x1xi1>
    %broadcast_in_dim3A_241 = vector.broadcast %broadcast_in_dim3A_240 : vector<1000x1xi1> to vector<1000x128xi1>
    %select_n3A_242 = arith.select %broadcast_in_dim3A_241, %add3A_236, %select_n3A_222 : vector<1000x128xi1>, vector<1000x128xf32>
    %logistic3A = arith.negf %select_n3A_242 : vector<1000x128xf32>
    %logistic3A_243 = math.exp %logistic3A : vector<1000x128xf32>
    %logistic3A_244 = arith.constant 1.000000e+00 : f32
    %logistic3A_245 = vector.broadcast %logistic3A_244 : f32 to vector<1000x128xf32>
    %logistic3A_246 = arith.addf %logistic3A_245, %logistic3A_243 : vector<1000x128xf32>
    %logistic3A_247 = arith.divf %logistic3A_245, %logistic3A_246 : vector<1000x128xf32>
    %swap3A = arith.constant 0 : index
    %swap3A_248 = arith.constant 0 : index
    %swap3A_249 = vector.load %arg9[%swap3A, %swap3A_248] : memref<1000x128xf32, #tpu.memory_space<vmem>>, vector<1000x128xf32>
    tpu.vector_store %arg9[%swap3A, %swap3A_248], %logistic3A_247 {strides = array<i32>} : memref<1000x128xf32, #tpu.memory_space<vmem>>, vector<1000x128xf32>,
    %get3A_250 = arith.constant 0 : index
    %get3A_251 = arith.constant 0 : index
    %get3A_252 = vector.load %arg6[%get3A_250, %get3A_251] : memref<128x128xf32, #tpu.memory_space<vmem>>, vector<128x128xf32>
    %dot_general3A_253 = arith.constant dense<0.000000e+00> : vector<1000x128xf32>
    %dot_general3A_254 = tpu.matmul %logistic3A_247, %get3A_252, %dot_general3A_253 {dimension_numbers = #tpu.dot_dimension_numbers<[1], [0], [0], [1], [0, 0, 1, 1], [], []>, transpose_lhs_hint = false} : vector<1000x128xf32>, vector<128x128xf32>, vector<1000x128xf32> -> vector<1000x128xf32>
    %get3A_255 = arith.constant 0 : index
    %get3A_256 = arith.constant 0 : index
    %get3A_257 = vector.load %arg7[%get3A_255, %get3A_256] : memref<1000x1xi32, #tpu.memory_space<vmem>>, vector<1000x1xi32>
    %iota3A = tpu.iota {dimensions = array<i32: 1>} : vector<1x64xi32>
    %eq3A_258 = vector.broadcast %get3A_257 : vector<1000x1xi32> to vector<1000x64xi32>
    %eq3A_259 = vector.broadcast %iota3A : vector<1x64xi32> to vector<1000x64xi32>
    %eq3A_260 = arith.cmpi eq, %eq3A_258, %eq3A_259 : vector<1000x64xi32>
    %convert_element_type3A = arith.extui %eq3A_260 : vector<1000x64xi1> to vector<1000x64xi32>
    %convert_element_type3A_261 = arith.sitofp %convert_element_type3A : vector<1000x64xi32> to vector<1000x64xf32>
    %dot_general3A_262 = arith.constant dense<0.000000e+00> : vector<64x128xf32>
    %dot_general3A_263 = tpu.matmul %convert_element_type3A_261, %dot_general3A_254, %dot_general3A_262 {dimension_numbers = #tpu.dot_dimension_numbers<[0], [0], [1], [1], [0, 1, 1, 1], [], []>, transpose_lhs_hint = false} : vector<1000x64xf32>, vector<1000x128xf32>, vector<64x128xf32> -> vector<64x128xf32>
    %eq3A_264 = arith.constant 0 : i32
    %eq3A_265 = arith.cmpi eq, %arg0, %eq3A_264 : i32
    %convert_element_type3A_266 = arith.extui %eq3A_265 : i1 to i32
    %cond3A = arith.constant 0 : i32
    %cond3A_267 = arith.cmpi ne, %convert_element_type3A_266, %cond3A : i32
    scf.if %cond3A_267 {
      %get3A_275 = arith.constant 0 : index
      %get3A_276 = arith.constant 0 : index
      %get3A_277 = vector.load %arg8[%get3A_275, %get3A_276] : memref<64x128xf32, #tpu.memory_space<vmem>>, vector<64x128xf32>
      %swap3A_278 = arith.constant 0 : index
      %swap3A_279 = arith.constant 0 : index
      %swap3A_280 = vector.load %arg10[%swap3A_278, %swap3A_279] : memref<64x128xf32, #tpu.memory_space<vmem>>, vector<64x128xf32>
      tpu.vector_store %arg10[%swap3A_278, %swap3A_279], %get3A_277 {strides = array<i32>} : memref<64x128xf32, #tpu.memory_space<vmem>>, vector<64x128xf32>,
    } else {
    }
    %get3A_268 = arith.constant 0 : index
    %get3A_269 = arith.constant 0 : index
    %get3A_270 = vector.load %arg10[%get3A_268, %get3A_269] : memref<64x128xf32, #tpu.memory_space<vmem>>, vector<64x128xf32>
    %add3A_271 = arith.addf %get3A_270, %dot_general3A_263 : vector<64x128xf32>
    %swap3A_272 = arith.constant 0 : index
    %swap3A_273 = arith.constant 0 : index
    %swap3A_274 = vector.load %arg10[%swap3A_272, %swap3A_273] : memref<64x128xf32, #tpu.memory_space<vmem>>, vector<64x128xf32>
    tpu.vector_store %arg10[%swap3A_272, %swap3A_273], %add3A_271 {strides = array<i32>} : memref<64x128xf32, #tpu.memory_space<vmem>>, vector<64x128xf32>,
    return
  }
  func.func @transform_0(%arg0: i32) -> (i32, i32) {
    %c0_i32 = arith.constant 0 : i32
    %c0_i32_0 = arith.constant 0 : i32
    return %arg0, %c0_i32 : i32, i32
  }
  func.func @transform_1(%arg0: i32) -> (i32, i32, i32) {
    %c0_i32 = arith.constant 0 : i32
    %c0_i32_0 = arith.constant 0 : i32
    %c0_i32_1 = arith.constant 0 : i32
    return %c0_i32, %arg0, %c0_i32_0 : i32, i32, i32
  }
  func.func @transform_2(%arg0: i32) -> (i32, i32, i32) {
    %c0_i32 = arith.constant 0 : i32
    %c0_i32_0 = arith.constant 0 : i32
    %c0_i32_1 = arith.constant 0 : i32
    return %c0_i32, %arg0, %c0_i32_0 : i32, i32, i32
  }
  func.func @transform_3(%arg0: i32) -> (i32, i32, i32) {
    %c0_i32 = arith.constant 0 : i32
    %c0_i32_0 = arith.constant 0 : i32
    %c0_i32_1 = arith.constant 0 : i32
    %c0_i32_2 = arith.constant 0 : i32
    return %c0_i32, %c0_i32_0, %c0_i32_1 : i32, i32, i32
  }
  func.func @transform_4(%arg0: i32) -> (i32, i32) {
    %c0_i32 = arith.constant 0 : i32
    %c0_i32_0 = arith.constant 0 : i32
    %c0_i32_1 = arith.constant 0 : i32
    return %c0_i32, %c0_i32_0 : i32, i32
  }
  func.func @transform_5(%arg0: i32) -> (i32, i32) {
    %c0_i32 = arith.constant 0 : i32
    %c0_i32_0 = arith.constant 0 : i32
    %c0_i32_1 = arith.constant 0 : i32
    return %c0_i32, %c0_i32_0 : i32, i32
  }
  func.func @transform_6(%arg0: i32) -> (i32, i32) {
    %c0_i32 = arith.constant 0 : i32
    %c0_i32_0 = arith.constant 0 : i32
    return %arg0, %c0_i32 : i32, i32
  }
  func.func @transform_7(%arg0: i32) -> (i32, i32) {
    %c0_i32 = arith.constant 0 : i32
    %c0_i32_0 = arith.constant 0 : i32
    %c0_i32_1 = arith.constant 0 : i32
    return %c0_i32, %c0_i32_0 : i32, i32
  }
  func.func @transform_8(%arg0: i32) -> (i32, i32) {
    %c0_i32 = arith.constant 0 : i32
    %c0_i32_0 = arith.constant 0 : i32
    return %arg0, %c0_i32 : i32, i32
  }
  func.func @transform_9(%arg0: i32) -> (i32, i32) {
    %c0_i32 = arith.constant 0 : i32
    %c0_i32_0 = arith.constant 0 : i32
    %c0_i32_1 = arith.constant 0 : i32
    return %c0_i32, %c0_i32_0 : i32, i32
  }
}

module attributes {stable_mosaic.version = 14 : i64} {
  func.func @_mlp_body(%arg0: memref<64x128xf32, #tpu.memory_space<vmem>>, %arg1: memref<128x128xf32, #tpu.memory_space<vmem>>, %arg2: memref<1x128xf32, #tpu.memory_space<vmem>>, %arg3: memref<64x128xf32, #tpu.memory_space<vmem>>) attributes {dimension_semantics = [], scalar_prefetch = 0 : i64, scratch_operands = 0 : i64, tpu.core_type = #tpu.core_type<tc>} {
    %get3A = arith.constant 0 : index
    %get3A_0 = arith.constant 0 : index
    %get3A_1 = vector.load %arg0[%get3A, %get3A_0] : memref<64x128xf32, #tpu.memory_space<vmem>>, vector<64x128xf32>
    %get3A_2 = arith.constant 0 : index
    %get3A_3 = arith.constant 0 : index
    %get3A_4 = vector.load %arg1[%get3A_2, %get3A_3] : memref<128x128xf32, #tpu.memory_space<vmem>>, vector<128x128xf32>
    %dot_general3A = arith.constant dense<0.000000e+00> : vector<64x128xf32>
    %dot_general3A_5 = tpu.matmul %get3A_1, %get3A_4, %dot_general3A {dimension_numbers = #tpu.dot_dimension_numbers<[1], [0], [0], [1], [0, 0, 1, 1], [], []>, transpose_lhs_hint = false} : vector<64x128xf32>, vector<128x128xf32>, vector<64x128xf32> -> vector<64x128xf32>
    %get3A_6 = arith.constant 0 : index
    %get3A_7 = arith.constant 0 : index
    %get3A_8 = vector.load %arg2[%get3A_6, %get3A_7] : memref<1x128xf32, #tpu.memory_space<vmem>>, vector<1x128xf32>
    %add3A = vector.broadcast %get3A_8 : vector<1x128xf32> to vector<64x128xf32>
    %add3A_9 = arith.addf %dot_general3A_5, %add3A : vector<64x128xf32>
    %swap3A = arith.constant 0 : index
    %swap3A_10 = arith.constant 0 : index
    %swap3A_11 = vector.load %arg3[%swap3A, %swap3A_10] : memref<64x128xf32, #tpu.memory_space<vmem>>, vector<64x128xf32>
    tpu.vector_store %arg3[%swap3A, %swap3A_10], %add3A_9 {strides = array<i32>} : memref<64x128xf32, #tpu.memory_space<vmem>>, vector<64x128xf32>,
    return
  }
}

</mosaic_0001>

<sc_bundles>
// kernel: closed_call.13.cloned.1.call-start
scs
__scs_entry_jumppad:
0x0: {  	(pc) =	sbr.rel $0x88, $3  }
0x1: {  	(tag) =	ssettag $0x0;
	lr =	simm.s32 $0x1  }
0x2: {  	[smem:$0x3F98] =	sst lr;
	_ =	strace $0xD0000000  }
0x3: {  	_ = 	snop  }
0x4: {  	_ = 	snop  }
0x5: {  	_ = 	snop  }
0x6: {  	_ = 	snop  }
0x7: {  	_ = 	snop  }
__scs_overlays_trampoline_lowered:
0x8: {  	[smem:$0x3FA7] =	sst s0  }
0x9: {  	[smem:$0x3FA8] =	sst s1  }
0xa: {  	[smem:$0x3FA9] =	sst s2  }
0xb: {  	[smem:$0x3FAA] =	sst s3  }
0xc: {  	[smem:$0x3FAB] =	sst s4  }
0xd: {  	[smem:$0x3FAC] =	sst s5  }
0xe: {  	[smem:$0x3FAD] =	sst s6  }
0xf: {  	[smem:$0x3FAE] =	sst s7  }
0x10: {  	[smem:$0x3FAF] =	sst s8  }
0x11: {  	[smem:$0x3FB0] =	sst s9;
	s0 =	simm.s32 @!p0 $0x0  }
0x12: {  	s1 =	sld [smem:$0x3F96];
	s0 =	simm.s32 @p0 $0x1  }
0x13: {  	[smem:$0x3FB1] =	sst s0;
	s0 =	simm.s32 @!p1 $0x0  }
0x14: {  	s2 =	sld [smem:$0x3F95];
	s0 =	simm.s32 @p1 $0x1  }
0x15: {  	[smem:$0x3FB2] =	sst s0;
	s0 =	simm.s32 @!p2 $0x0  }
0x16: {  	s3 =	sld [smem:$0x3FDB];
	s0 =	simm.s32 @p2 $0x1  }
0x17: {  	s4 =	simm.s32 $0x1BF5;
	[smem:$0x3FB4] =	sst s0  }
0x18: {  	s0 =	sld [smem:$0x3F97];
	_ =	swait.ge [sflag:s4], $0x0  }
0x19: {  	s7 =	sld [smem:$0x3F98]  }
0x1a: {  	s8 =	sadd.s32 $0xFFFFE003, lr  }
0x1b: {  	s9 =	sadd.s32 $0xFFFFFEF7, lr;
	s5 =	simm.s32 $0xFFFFFFFF;
	p2 =	slt.u32 s8, $0xFFFFF086  }
0x1c: {  	p1 =	slt.u32 s9, $0xF7A;
	s5 =	simm.s32 @!p2 $0x0  }
0x1d: {  	s5 =	simm.s32 @p1 $0x1;
	p0 =	seq.s32 s7, s2  }
0x1e: {  	s7 =	smul.u32 @!p0 $0xF7A, s2;
	p2 =	seq.s32 @!p0 s5, $0x0  }
0x1f: {  	s9 =	smul.u32 $0xF7A, s1;
	s8 =	simm.s32 @!p0 $0x1BF5;
	p2 =	por !p2, p0  }
0x20: {  	[sflag:s8] =	ssyncset.s32 @!p0 $0xFFFFF086;
	s6 =	sadd.s32 @!p0 s3, s7;
	s7 =	simm.s32 @!p0 $0x108  }
0x21: {  	s3 =	sadd.s32 s3, s9;
	s6 =	sadd.s32 @!p0 $0x88, s6;
	s7 =	simm.s32 @p2 $0x1082  }
0x22: {  	[simem:s7], [sflag:s8] =	dma.local @!p0 [hbm:s6], $0xF7A  }
0x23: {  	s9 =	sor.u32 $0xD0000000, s2;
	s6 =	simm.s32 $0x108;
	_ =	swait.ge @!p0 [sflag:s8], $0x0  }
0x24: {  	s3 =	sadd.s32 $0x88, s3;
	s6 =	simm.s32 @!p1 $0x1082;
	[sflag:s4] =	ssyncset.s32 $0xFFFFF086  }
0x25: {  	[simem:s6], [sflag:s4] =	dma.local [hbm:s3], $0xF7A  }
0x26: {  	[smem:$0x3F98] =	sst s1;
	(tag) =	ssettag s2;
	_ =	strace s9  }
0x27: {  	s1 =	sld [smem:$0x3FA8]  }
0x28: {  	s2 =	sld [smem:$0x3FA9]  }
0x29: {  	s4 =	sld [smem:$0x3FAB]  }
0x2a: {  	p0 =	seq.s32 s5, $0x0;
	s5 =	sld [smem:$0x3FAC]  }
0x2b: {  	s6 =	sld [smem:$0x3FAD]  }
0x2c: {  	s7 =	sld [smem:$0x3FAE]  }
0x2d: {  	s3 =	simm.s32 $0x108;
	s8 =	sld [smem:$0x3FAF]  }
0x2e: {  	s3 =	simm.s32 @!p0 $0x1082;
	s9 =	sld [smem:$0x3FB0]  }
0x2f: {  	lr =	sadd.s32 s0, s3;
	s0 =	sld [smem:$0x3FA7]  }
0x30: {  	s3 =	sld [smem:$0x3FAA]  }
0x31: {  	[smem:$0x3FB3] =	sst s10  }
0x32: {  	s10 =	sld [smem:$0x3FB1];
	_ =	sdelay $0x3  }
0x33: {  	p0 =	seq.s32 s10, $0x1;
	s10 =	sld [smem:$0x3FB3];
	_ =	sdelay $0x3  }
0x34: {  	[smem:$0x3FB3] =	sst s10  }
0x35: {  	s10 =	sld [smem:$0x3FB2];
	_ =	sdelay $0x3  }
0x36: {  	p1 =	seq.s32 s10, $0x1;
	s10 =	sld [smem:$0x3FB3];
	_ =	sdelay $0x3  }
0x37: {  	[smem:$0x3FB3] =	sst s10  }
0x38: {  	s10 =	sld [smem:$0x3FB4]  }
0x39: {  	_ = 	snop;
	(pc) =	sbr.ind lr, $3  }
0x3a: {  	_ = 	snop  }
0x3b: {  	_ = 	snop  }
0x3c: {  	p2 =	seq.s32 s10, $0x1;
	s10 =	sld [smem:$0x3FB3]  }
0x3d: {  	_ =	shalt  }
0x3e: {  	_ =	shalt  }
0x3f: {  	_ =	shalt  }
0x40: {  	_ =	shalt  }
0x41: {  	_ =	shalt  }
0x42: {  	_ =	shalt  }
0x43: {  	_ =	shalt  }
0x44: {  	_ =	shalt  }
0x45: {  	_ =	shalt  }
0x46: {  	_ =	shalt  }
0x47: {  	_ =	shalt  }
0x48: {  	_ =	shalt  }
0x49: {  	_ =	shalt  }
0x4a: {  	_ =	shalt  }
0x4b: {  	_ =	shalt  }
0x4c: {  	_ =	shalt  }
0x4d: {  	_ =	shalt  }
0x4e: {  	_ =	shalt  }
0x4f: {  	_ =	shalt  }
0x50: {  	_ =	shalt  }
0x51: {  	_ =	shalt  }
0x52: {  	_ =	shalt  }
0x53: {  	_ =	shalt  }
0x54: {  	_ =	shalt  }
0x55: {  	_ =	shalt  }
0x56: {  	_ =	shalt  }
0x57: {  	_ =	shalt  }
0x58: {  	_ =	shalt  }
0x59: {  	_ =	shalt  }
0x5a: {  	_ =	shalt  }
0x5b: {  	_ =	shalt  }
0x5c: {  	_ =	shalt  }
0x5d: {  	_ =	shalt  }
0x5e: {  	_ =	shalt  }
0x5f: {  	_ =	shalt  }
0x60: {  	_ =	shalt  }
0x61: {  	_ =	shalt  }
0x62: {  	_ =	shalt  }
0x63: {  	_ =	shalt  }
0x64: {  	_ =	shalt  }
0x65: {  	_ =	shalt  }
0x66: {  	_ =	shalt  }
0x67: {  	_ =	shalt  }
0x68: {  	_ =	shalt  }
0x69: {  	_ =	shalt  }
0x6a: {  	_ =	shalt  }
0x6b: {  	_ =	shalt  }
0x6c: {  	_ =	shalt  }
0x6d: {  	_ =	shalt  }
0x6e: {  	_ =	shalt  }
0x6f: {  	_ =	shalt  }
0x70: {  	_ =	shalt  }
0x71: {  	_ =	shalt  }
0x72: {  	_ =	shalt  }
0x73: {  	_ =	shalt  }
0x74: {  	_ =	shalt  }
0x75: {  	_ =	shalt  }
0x76: {  	_ =	shalt  }
0x77: {  	_ =	shalt  }
0x78: {  	_ =	shalt  }
0x79: {  	_ =	shalt  }
0x7a: {  	_ =	shalt  }
0x7b: {  	_ =	shalt  }
0x7c: {  	_ =	shalt  }
0x7d: {  	_ =	shalt  }
0x7e: {  	_ =	shalt  }
0x7f: {  	_ =	shalt  }
0x80: {  	_ =	shalt  }
0x81: {  	_ =	shalt  }
0x82: {  	_ =	shalt  }
0x83: {  	_ =	shalt  }
0x84: {  	_ =	shalt  }
0x85: {  	_ =	shalt  }
0x86: {  	_ =	shalt  }
0x87: {  	_ =	shalt  }
.Lfunc_end0:
.L_simem_size_0:
called_computation_lowered:
.L_overlay_start_0:
0x88: {  	s2 =	sld [smem:$0x3FD9]  }
0x89: {  	s3 =	sld [smem:$0x3FFE];
	_ =	sdelay $0x1  }
0x8a: {  	s1 =	srdreg.scid  }
0x8b: {  	s0 =	sand.u32 $0x1, s1  }
0x8c: {  	s16 =	sshll.u32 s0, $0xA;
	s2 =	sadd.s32 s3, s2  }
0x8d: {  	s2 =	sadd.s32 s2, s16  }
0x8e: {  	[smem:$0x3FBF] =	sst s2  }
0x8f: {  	_ = 	snop  }
0x90: {  	(tm) =	ssettm $0x1  }
0x91: {  	s17 =	sld [smem:$0x3FFB];
	_ =	sdelay $0x3  }
0x92: {  	_ =	strace s17  }
0x93: {  	s2 =	sld [smem:$0x3FFC];
	_ =	sdelay $0x3  }
0x94: {  	_ =	strace s2  }
0x95: {  	s2 =	sld [smem:$0x3FFD];
	_ =	sdelay $0x3  }
0x96: {  	_ =	strace s2  }
0x97: {  	_ =	strace $0x8FFFFFFF  }
0x98: {  	s18 =	sld [smem:$0x3FDB];
	_ =	sdelay $0x1  }
0x99: {  	s19 =	simm.s32 $_scs_section_size  }
0x9a: {  	s4 =	simm.s32 $_size__tile_overlayer_lowered;
	s5 =	simm.s32 $_tile_overlayer_lowered  }
0x9b: {  	s22 =	simm.s32 $0x1BFF;
	s21 =	sshll.u32 s5, $0x1;
	s2 =	sadd.s32 s19, s18  }
0x9c: {  	s6 =	simm.s32 $0x0;
	s20 =	sshll.u32 s4, $0x1;
	s4 =	sadd.s32 s21, s2  }
0x9d: {  	[timem:s6], [sflag:s22] =	dma.local [hbm:s4], s20  }
0x9e: {  	_ =	swait.ge [sflag:s22], s20  }
0x9f: {  	s3 =	ssub.s32 $0x0, s20;
	[sflag:s22] =	ssyncset.done $0x0  }
0xa0: {  	[sflag:s22] =	ssyncadd.s32 s3;
	_ =	sdelay $0x1  }
0xa1: {  	s23 =	simm.s32 $0x1B8B  }
0xa2: {  	_ =	swait.ge [sflag:s23], $0x1  }
0xa3: {  	[sflag:s23] =	ssyncset.done $0x0  }
0xa4: {  	s25 =	simm.s32 $0x1B8E;
	s24 =	sld [smem:$0x3FFE];
	[sflag:s23] =	ssyncadd.s32 $0xFFFFFFFF  }
0xa5: {  	s26 =	simm.s32 $execute0_lowered;
	[smem:$0x3FD2] =	sst s25  }
0xa6: {  	s4 =	sshll.u32 s26, $0x1;
	_ =	strace $0x80000049;
	[dreg:$0x1] =	wrdreg $0xFFFFFFFF  }
0xa7: {  	s28 =	simm.s32 $_size_execute0_lowered;
	s2 =	sadd.s32 s2, s4;
	[dreg:$0x0] =	wrdreg $0x0  }
0xa8: {  	s4 =	sshll.u32 s28, $0x1;
	[dreg:$0x2] =	wrdreg s2  }
0xa9: {  	[dreg:$0x3] =	wrdreg s4  }
0xaa: {  	[dreg:$0x4] =	wrdreg $0xC0  }
0xab: {  	_ =	task [dreg:s6], $0x5FFFF  }
0xac: {  	[dreg:$0x1] =	wrdreg $0xFFFFFFFF  }
0xad: {  	[dreg:$0x0] =	wrdreg $0x60  }
0xae: {  	[dreg:$0x2] =	wrdreg s24  }
0xaf: {  	[dreg:$0x3] =	wrdreg $0x0  }
0xb0: {  	[dreg:$0x4] =	wrdreg $0x9  }
0xb1: {  	_ =	task.clear_ibuf [dreg:s6], $0x5FFFF;
	_ =	strace $0x90000049  }
0xb2: {  	s29 =	simm.s32 $0x9;
	_ =	strace $0x8000004B  }
0xb3: {  	_ =	swait.ge [sflag:s29], $0x1  }
0xb4: {  	[sflag:s29] =	ssyncadd.s32 $0xFFFFFFFF  }
0xb5: {  	_ =	strace $0x9000004B  }
0xb6: {  	_ =	sfence  }
0xb7: {  	s30 =	sld [smem:$0x0];
	_ =	sdelay $0x2  }
0xb8: {  	s31 =	sshll.u32 s1, $0xD;
	s1 =	sshrl.u32 s1, $0x2  }
0xb9: {  	s3 =	sand.u32 $0x4000, s31;
	s1 =	sadd.s32 s1, s30  }
0xba: {  	s0 =	sor.u32 s3, s0;
	s1 =	sshll.u32 s1, $0x11  }
0xbb: {  	s0 =	sor.u32 s1, s0  }
0xbc: {  	s0 =	sadd.s32 $0x8F2B, s0  }
0xbd: {  	[sflag:s0] =	ssyncadd.remote.s32 $0x1  }
0xbe: {  	_ =	sfence.sel $0xFFFF  }
0xbf: {  	[dreg:$0x0] =	wrdreg $0xFFFFFFFF;
	(pc) =	sbr.abs _section_cstart, $3  }
0xc0: {  	[dreg:$0x1] =	wrdreg $0xFFFFFFFF  }
0xc1: {  	_ =	task.clear_ibuf [dreg:s6], $0x2FFFF;
	_ =	strace $0x9FFFFFFF  }
0xc2: {  	(tm) =	ssettm $0x7FFFFFFF  }
0xc3: {  	_ =	shalt  }
tec
execute0_lowered:
.L_overlay_start_1:
0x0: {  	(tag) =	ssettag $0x1  }
0x1: {  	s0 =	rddreg [dreg:$0x0]  }
0x2: {  	s1 =	rddreg [dreg:$0x1];
	s2 =	simm.s32 $0x0;
	s3 =	srdreg.scid  }
0x3: {  	s12 =	stileid.u32;
	[smem:$0x7FF] =	sst s2  }
0x4: {  	s3 =	sand.u32 $0x1, s3;
	s4 =	sadd.s32 $0x6AA00, s0;
	s22 =	smul.u32 $0x270, s12  }
0x5: {  	s5 =	sadd.s32 $0x60C00, s0;
	s6 =	sadd.s32 $0x29600, s0;
	s10 =	smul.u32 $0x4E000, s12  }
0x6: {  	s11 =	sadd.s32 $0x33400, s0;
	s20 =	smul.u32 $0x2710, s12;
	_ =	strace $0x8000004A  }
0x7: {  	s7 =	smul.u32 $0x27100, s3;
	s9 =	ssub.s32 $0x2, s3;
	[dreg:$0x3] =	wrdreg s11  }
0x8: {  	s3 =	sshll.u32 s3, $0x4;
	s25 =	sshrl.u32 s9, $0x1;
	s10 =	sshrl.u32 s10, $0x2  }
0x9: {  	s11 =	sadd.s32 $0x50, s22;
	s16 =	sadd.s32 $0xA0, s22;
	s17 =	sadd.s32 $0xF0, s22  }
0xa: {  	s18 =	sadd.s32 $0x140, s22;
	s21 =	sadd.s32 $0x190, s22;
	s3 =	sor.u32 s12, s3  }
0xb: {  	s0 =	sadd.s32 s7, s0;
	s9 =	ssub.s32 s9, s25;
	s15 =	sadd.s32 s10, s1  }
0xc: {  	s26 =	sshll.u32 s11, $0x7;
	s13 =	sshll.u32 s17, $0x7;
	s14 =	sshll.u32 s18, $0x7  }
0xd: {  	s23 =	sshll.u32 s21, $0x7;
	s8 =	sadd.s32 s26, s1;
	[dreg:$0x7] =	wrdreg s15  }
0xe: {  	s3 =	smul.u32 $0x2710, s3;
	s9 =	smax.u32 s9, $0x1;
	[dreg:$0xa] =	wrdreg s8  }
0xf: {  	s7 =	sadd.s32 s20, s7;
	s19 =	sadd.s32 s13, s1;
	[dreg:$0x11] =	wrdreg s9  }
0x10: {  	s14 =	sadd.s32 s14, s1;
	s8 =	sshll.u32 s16, $0x7;
	[dreg:$0x4] =	wrdreg s19  }
0x11: {  	s3 =	sshrl.u32 s3, $0x3;
	[dreg:$0x6] =	wrdreg s14;
	s10 =	sadd.s32 s8, s1  }
0x12: {  	s8 =	sadd.s32 s23, s1;
	s23 =	sadd.s32 $0x230, s22;
	s25 =	sadd.s32 $0xA, s3  }
0x13: {  	[dreg:$0x5] =	wrdreg s10;
	s10 =	sadd.s32 $0x1E0, s22;
	s22 =	sshll.u32 s23, $0x7  }
0x14: {  	s20 =	sadd.s32 s6, s25;
	[dreg:$0x8] =	wrdreg s8;
	s13 =	sadd.s32 s22, s1  }
0x15: {  	[dreg:$0xd] =	wrdreg s20;
	s22 =	sadd.s32 $0x91C00, s0;
	s0 =	sshll.u32 s11, $0x4  }
0x16: {  	s11 =	sshll.u32 s16, $0x4;
	s16 =	sshll.u32 s17, $0x4;
	s17 =	sshll.u32 s18, $0x4  }
0x17: {  	s18 =	sshll.u32 s21, $0x4;
	s21 =	sshll.u32 s23, $0x4;
	s23 =	sadd.s32 s6, s3  }
0x18: {  	s28 =	simm.s32 $0x5;
	s29 =	simm.s32 $0x50;
	[dreg:$0x10] =	wrdreg s23  }
0x19: {  	s30 =	simm.s32 $0x13900;
	s24 =	sshll.u32 s10, $0x7;
	[dreg:$0xe] =	wrdreg s22  }
0x1a: {  	s26 =	sadd.s32 s24, s1;
	s24 =	sadd.s32 s5, s25;
	[dreg:$0xb] =	wrdreg s13  }
0x1b: {  	s31 =	simm.s32 $0x13A00;
	s25 =	sadd.s32 s5, s3;
	[dreg:$0xc] =	wrdreg s24  }
0x1c: {  	p0 =	sne.s32 s12, $0xF;
	s0 =	sadd.s32 s0, s22;
	[dreg:$0xf] =	wrdreg s25  }
0x1d: {  	s23 =	smul.u32 $0x2700, s12;
	s12 =	sadd.s32 s11, s22;
	[dreg:$0x16] =	wrdreg s0  }
0x1e: {  	s10 =	sshll.u32 s10, $0x4;
	s16 =	sadd.s32 s16, s22;
	[dreg:$0x17] =	wrdreg s12  }
0x1f: {  	s3 =	sadd.s32 $0x4D8, s3;
	s17 =	sadd.s32 s17, s22;
	[dreg:$0x18] =	wrdreg s16  }
0x20: {  	s18 =	sadd.s32 s18, s22;
	s20 =	sadd.s32 s10, s22;
	[dreg:$0x19] =	wrdreg s17  }
0x21: {  	s11 =	simm.s32 $0x0;
	s24 =	sadd.s32 $0xF0, s7;
	[dreg:$0x1a] =	wrdreg s18  }
0x22: {  	s25 =	sadd.s32 s5, s3;
	s3 =	sadd.s32 s6, s3;
	[dreg:$0x1b] =	wrdreg s20  }
0x23: {  	s7 =	sadd.s32 $0xA0, s7;
	s12 =	sadd.s32 $0x138000, s1;
	[dreg:$0x9] =	wrdreg s26  }
0x24: {  	s20 =	simm.s32 $0x13A80;
	s0 =	simm.s32 $0x6;
	[dreg:$0x12] =	wrdreg s25  }
0x25: {  	s16 =	simm.s32 $0x1;
	s17 =	simm.s32 $0x3;
	[dreg:$0x13] =	wrdreg s3  }
0x26: {  	s18 =	simm.s32 $0x2;
	s9 =	sshrl.u32 s24, $0x3;
	[dreg:$0x14] =	wrdreg s7  }
0x27: {  	s3 =	sadd.s32 s23, s22;
	s23 =	sadd.s32 s21, s22;
	s21 =	simm.s32 $0x7  }
0x28: {  	s22 =	simm.s32 $0x13880;
	s7 =	simm.s32 $0x4;
	[dreg:$0x1d] =	wrdreg s12  }
0x29: {  	s24 =	sadd.s32 s9, s6;
	s25 =	sadd.s32 s9, s5;
	[dreg:$0x15] =	wrdreg s3  }
0x2a: {  	[dreg:$0x1c] =	wrdreg s23;
	s23 =	simm.s32 $0x13980;
	s3 =	simm.s32 $0x16280  }
.LBB2_1:
0x2b: {  	[dreg:$0x1e] =	wrdreg s11  }
0x2c: {  	s11 =	rddreg [dreg:$0x3]  }
0x2d: {  	[tilespmem:s20], [sflag:$0x7] =	stream.linear.gather [hbm4b:s11+s2], $0x2800, $0x38;
	[tilespmem:$0x18A80] =	vst v63  }
0x2e: {  	_ =	swait.ge [sflag:s21], $0x2800  }
0x2f: {  	[sflag:s21] =	ssyncset.done $0x0  }
0x30: {  	[sflag:s21] =	ssyncadd.s32 $0xFFFFD800  }
0x31: {  	[spmem:s15] =	stream.linear.scatter [tilespmem:s20], [sflag:$0x7], $0x2800, $0x38;
	[tilespmem:$0x18A80] =	vst v63  }
0x32: {  	_ =	swait.ge [sflag:s21], $0x2800  }
0x33: {  	[sflag:s21] =	ssyncset.done $0x0  }
0x34: {  	s10 =	rddreg [dreg:$0xa];
	[sflag:s21] =	ssyncadd.s32 $0xFFFFD800  }
0x35: {  	[spmem:s10] =	stream.linear.scatter [tilespmem:s20], [sflag:$0x7], $0x2800, $0x38;
	[tilespmem:$0x18A80] =	vst v63  }
0x36: {  	s9 =	rddreg [dreg:$0x5];
	_ =	swait.ge [sflag:s21], $0x2800  }
0x37: {  	[sflag:s21] =	ssyncset.done $0x0  }
0x38: {  	[sflag:s21] =	ssyncadd.s32 $0xFFFFD800  }
0x39: {  	[spmem:s9] =	stream.linear.scatter [tilespmem:s20], [sflag:$0x7], $0x2800, $0x38;
	[tilespmem:$0x18A80] =	vst v63  }
0x3a: {  	_ =	swait.ge [sflag:s21], $0x2800  }
0x3b: {  	[sflag:s21] =	ssyncset.done $0x0  }
0x3c: {  	[sflag:s21] =	ssyncadd.s32 $0xFFFFD800  }
0x3d: {  	[spmem:s19] =	stream.linear.scatter [tilespmem:s20], [sflag:$0x7], $0x2800, $0x38;
	[tilespmem:$0x18A80] =	vst v63  }
0x3e: {  	_ =	swait.ge [sflag:s21], $0x2800  }
0x3f: {  	[sflag:s21] =	ssyncset.done $0x0  }
0x40: {  	[sflag:s21] =	ssyncadd.s32 $0xFFFFD800  }
0x41: {  	[spmem:s14] =	stream.linear.scatter [tilespmem:s20], [sflag:$0x7], $0x2800, $0x38;
	[tilespmem:$0x18A80] =	vst v63  }
0x42: {  	_ =	swait.ge [sflag:s21], $0x2800  }
0x43: {  	[sflag:s21] =	ssyncset.done $0x0  }
0x44: {  	[sflag:s21] =	ssyncadd.s32 $0xFFFFD800  }
0x45: {  	[spmem:s8] =	stream.linear.scatter [tilespmem:s20], [sflag:$0x7], $0x2800, $0x38;
	[tilespmem:$0x18A80] =	vst v63  }
0x46: {  	_ =	swait.ge [sflag:s21], $0x2800  }
0x47: {  	[sflag:s21] =	ssyncset.done $0x0  }
0x48: {  	[sflag:s21] =	ssyncadd.s32 $0xFFFFD800  }
0x49: {  	[spmem:s26] =	stream.linear.scatter [tilespmem:s20], [sflag:$0x7], $0x2800, $0x38;
	[tilespmem:$0x18A80] =	vst v63  }
0x4a: {  	_ =	swait.ge [sflag:s21], $0x2800  }
0x4b: {  	[sflag:s21] =	ssyncset.done $0x0  }
0x4c: {  	[sflag:s21] =	ssyncadd.s32 $0xFFFFD800  }
0x4d: {  	[spmem:s13] =	stream.linear.scatter [tilespmem:s20], [sflag:$0x7], $0x2000, $0x38;
	[tilespmem:$0x18A80] =	vst v63  }
0x4e: {  	_ =	swait.ge [sflag:s21], $0x2000  }
0x4f: {  	[sflag:s21] =	ssyncset.done $0x0  }
0x50: {  	s10 =	simm.s32 @!p0 $0x13A80;
	s9 =	simm.s32 @!p0 $0x0;
	[sflag:s21] =	ssyncadd.s32 $0xFFFFE000  }
0x51: {  	[tilespmem:s10], [sflag:$0x7] =	stream.linear.gather @!p0 [hbm4b:s11+s9], $0x2800, $0x38;
	[tilespmem:$0x18A80] =	vst v63  }
0x52: {  	s9 =	simm.s32 @!p0 $0x7  }
0x53: {  	_ =	swait.ge @!p0 [sflag:s9], $0x2800  }
0x54: {  	[sflag:s9] =	ssyncset.done @!p0 $0x0  }
0x55: {  	[sflag:s9] =	ssyncadd.s32 @!p0 $0xFFFFD800  }
0x56: {  	[spmem:s12] =	stream.linear.scatter @!p0 [tilespmem:s10], [sflag:$0x7], $0x800, $0x38;
	[tilespmem:$0x18A80] =	vst v63  }
0x57: {  	_ =	swait.ge @!p0 [sflag:s9], $0x800  }
0x58: {  	[sflag:s9] =	ssyncset.done @!p0 $0x0  }
0x59: {  	[sflag:s9] =	ssyncadd.s32 @!p0 $0xFFFFF800  }
0x5a: {  	[bflag:$0x0] =	sbarrier.arrive $0xFFFF  }
0x5b: {  	s10 =	rddreg [dreg:$0xf]  }
0x5c: {  	[tilespmem:s22], [sflag:$0x5] =	stream.linear.gather [hbm4b:s10+s2], $0x50, $0x38;
	[tilespmem:$0x18A80] =	vst v63  }
0x5d: {  	s11 =	rddreg [dreg:$0x10]  }
0x5e: {  	[tilespmem:s23], [sflag:$0x5] =	stream.linear.gather [hbm4b:s11+s2], $0x50, $0x38;
	[tilespmem:$0x18A80] =	vst v63  }
0x5f: {  	_ =	swait.ge [sflag:s28], $0x50  }
0x60: {  	[sflag:s28] =	ssyncset.done $0x0  }
0x61: {  	[sflag:s28] =	ssyncadd.s32 $0xFFFFFFB0  }
0x62: {  	_ =	swait.ge [sflag:s28], $0x50  }
0x63: {  	[sflag:s28] =	ssyncset.done $0x0  }
0x64: {  	[sflag:s28] =	ssyncadd.s32 $0xFFFFFFB0  }
0x65: {  	[tilespmem:s20], [sflag:$0x1] =	stream.indirect.gather [hbm4b:s4+s29], $0x80, s22, s29, $0xb8;
	[tilespmem:$0x18A80] =	vst v63  }
0x66: {  	s12 =	rddreg [dreg:$0xc]  }
0x67: {  	[tilespmem:s30], [sflag:$0x6] =	stream.linear.gather [hbm4b:s12+s2], $0x50, $0x38;
	[tilespmem:$0x18A80] =	vst v63  }
0x68: {  	s13 =	rddreg [dreg:$0xd]  }
0x69: {  	[tilespmem:s31], [sflag:$0x6] =	stream.linear.gather [hbm4b:s13+s2], $0x50, $0x38;
	[tilespmem:$0x18A80] =	vst v63  }
0x6a: {  	_ =	swait.ge [sflag:s0], $0x50  }
0x6b: {  	[sflag:s0] =	ssyncset.done $0x0  }
0x6c: {  	[sflag:s0] =	ssyncadd.s32 $0xFFFFFFB0  }
0x6d: {  	_ =	swait.ge [sflag:s0], $0x50  }
0x6e: {  	[sflag:s0] =	ssyncset.done $0x0  }
0x6f: {  	[sflag:s0] =	ssyncadd.s32 $0xFFFFFFB0  }
0x70: {  	[tilespmem:s3], [sflag:$0x2] =	stream.indirect.gather [hbm4b:s4+s29], $0x80, s30, s29, $0xb8;
	[tilespmem:$0x18A80] =	vst v63  }
0x71: {  	_ =	swait.ge [sflag:s16], $0x2800  }
0x72: {  	[sflag:s16] =	ssyncset.done $0x0  }
0x73: {  	[sflag:s16] =	ssyncadd.s32 $0xFFFFD800  }
0x74: {  	[spmem:s1] =	stream.indirect.scatter.add.f32 [tilespmem:s20], [sflag:$0x3], $0x80, s23, s29, $0xb8;
	[tilespmem:$0x18A80] =	vst v63  }
0x75: {  	_ =	swait.ge [sflag:s17], $0x2800  }
0x76: {  	s14 =	rddreg [dreg:$0x14]  }
0x77: {  	[sflag:s17] =	ssyncset.done $0x0;
	s15 =	sshrl.u32 s14, $0x3  }
0x78: {  	[sflag:s17] =	ssyncadd.s32 $0xFFFFD800;
	s19 =	sadd.s32 s5, s15  }
0x79: {  	[tilespmem:s22], [sflag:$0x5] =	stream.linear.gather [hbm4b:s19+s2], $0x50, $0x38;
	[tilespmem:$0x18A80] =	vst v63  }
0x7a: {  	s9 =	sadd.s32 s6, s15  }
0x7b: {  	[tilespmem:s23], [sflag:$0x5] =	stream.linear.gather [hbm4b:s9+s2], $0x50, $0x38;
	[tilespmem:$0x18A80] =	vst v63  }
0x7c: {  	_ =	swait.ge [sflag:s18], $0x2800  }
0x7d: {  	[sflag:s18] =	ssyncset.done $0x0  }
0x7e: {  	[sflag:s18] =	ssyncadd.s32 $0xFFFFD800  }
0x7f: {  	[spmem:s1] =	stream.indirect.scatter.add.f32 [tilespmem:s3], [sflag:$0x4], $0x80, s31, s29, $0xb8;
	[tilespmem:$0x18A80] =	vst v63  }
0x80: {  	_ =	swait.ge [sflag:s28], $0x50  }
0x81: {  	[sflag:s28] =	ssyncset.done $0x0  }
0x82: {  	[sflag:s28] =	ssyncadd.s32 $0xFFFFFFB0  }
0x83: {  	_ =	swait.ge [sflag:s28], $0x50  }
0x84: {  	[sflag:s28] =	ssyncset.done $0x0  }
0x85: {  	[sflag:s28] =	ssyncadd.s32 $0xFFFFFFB0  }
0x86: {  	[tilespmem:s20], [sflag:$0x1] =	stream.indirect.gather [hbm4b:s4+s29], $0x80, s22, s29, $0xb8;
	[tilespmem:$0x18A80] =	vst v63  }
0x87: {  	_ =	swait.ge [sflag:s7], $0x2800  }
0x88: {  	s26 =	sadd.s32 $0x0, s25;
	s11 =	sadd.s32 $0x0, s24;
	[sflag:s7] =	ssyncset.done $0x0  }
0x89: {  	s10 =	sadd.s32 $0xA0, s14;
	s9 =	simm.s32 $0x14;
	[sflag:s7] =	ssyncadd.s32 $0xFFFFD800  }
0x8a: {  	[tilespmem:s30], [sflag:$0x6] =	stream.linear.gather [hbm4b:s26+s2], $0x50, $0x38;
	[tilespmem:$0x18A80] =	vst v63  }
.LBB2_2:
0x8b: {  	[tilespmem:s31], [sflag:$0x6] =	stream.linear.gather [hbm4b:s11+s2], $0x50, $0x38;
	[tilespmem:$0x18A80] =	vst v63  }
0x8c: {  	s11 =	smov.u32 s9  }
0x8d: {  	p1 =	sne.s32 s9, $0x4B0;
	s9 =	sadd.s32 $0x14, s9;
	_ =	swait.ge [sflag:s0], $0x50  }
0x8e: {  	[sflag:s0] =	ssyncset.done $0x0  }
0x8f: {  	[sflag:s0] =	ssyncadd.s32 $0xFFFFFFB0  }
0x90: {  	_ =	swait.ge [sflag:s0], $0x50  }
0x91: {  	[sflag:s0] =	ssyncset.done $0x0  }
0x92: {  	[sflag:s0] =	ssyncadd.s32 $0xFFFFFFB0  }
0x93: {  	[tilespmem:s3], [sflag:$0x2] =	stream.indirect.gather [hbm4b:s4+s29], $0x80, s30, s29, $0xb8;
	[tilespmem:$0x18A80] =	vst v63  }
0x94: {  	_ =	swait.ge [sflag:s16], $0x2800  }
0x95: {  	[sflag:s16] =	ssyncset.done $0x0  }
0x96: {  	[sflag:s16] =	ssyncadd.s32 $0xFFFFD800  }
0x97: {  	[spmem:s1] =	stream.indirect.scatter.add.f32 [tilespmem:s20], [sflag:$0x3], $0x80, s23, s29, $0xb8;
	[tilespmem:$0x18A80] =	vst v63  }
0x98: {  	_ =	swait.ge [sflag:s17], $0x2800  }
0x99: {  	s12 =	sshrl.u32 s10, $0x3;
	[sflag:s17] =	ssyncset.done $0x0  }
0x9a: {  	s13 =	sadd.s32 s5, s12;
	[sflag:s17] =	ssyncadd.s32 $0xFFFFD800  }
0x9b: {  	[tilespmem:s22], [sflag:$0x5] =	stream.linear.gather [hbm4b:s13+s2], $0x50, $0x38;
	[tilespmem:$0x18A80] =	vst v63  }
0x9c: {  	s12 =	sadd.s32 s6, s12  }
0x9d: {  	[tilespmem:s23], [sflag:$0x5] =	stream.linear.gather [hbm4b:s12+s2], $0x50, $0x38;
	[tilespmem:$0x18A80] =	vst v63  }
0x9e: {  	_ =	swait.ge [sflag:s18], $0x2800  }
0x9f: {  	[sflag:s18] =	ssyncset.done $0x0  }
0xa0: {  	[sflag:s18] =	ssyncadd.s32 $0xFFFFD800  }
0xa1: {  	[spmem:s1] =	stream.indirect.scatter.add.f32 [tilespmem:s3], [sflag:$0x4], $0x80, s31, s29, $0xb8;
	[tilespmem:$0x18A80] =	vst v63  }
0xa2: {  	_ =	swait.ge [sflag:s28], $0x50  }
0xa3: {  	[sflag:s28] =	ssyncset.done $0x0  }
0xa4: {  	[sflag:s28] =	ssyncadd.s32 $0xFFFFFFB0  }
0xa5: {  	_ =	swait.ge [sflag:s28], $0x50  }
0xa6: {  	[sflag:s28] =	ssyncset.done $0x0  }
0xa7: {  	[sflag:s28] =	ssyncadd.s32 $0xFFFFFFB0  }
0xa8: {  	[tilespmem:s20], [sflag:$0x1] =	stream.indirect.gather [hbm4b:s4+s29], $0x80, s22, s29, $0xb8;
	[tilespmem:$0x18A80] =	vst v63  }
.Ltmp0:
0xa9: {  	_ =	swait.ge [sflag:s7], $0x2800;
	(pc) =	sbr.rel @p1 .LBB2_2-.Ltmp0, $4  }
0xaa: {  	[sflag:s7] =	ssyncset.done $0x0  }
0xab: {  	s12 =	sadd.s32 s11, s25;
	[sflag:s7] =	ssyncadd.s32 $0xFFFFD800  }
0xac: {  	[tilespmem:s30], [sflag:$0x6] =	stream.linear.gather [hbm4b:s12+s2], $0x50, $0x38;
	[tilespmem:$0x18A80] =	vst v63  }
0xad: {  	s10 =	sadd.s32 $0xA0, s10;
	s11 =	sadd.s32 s11, s24  }
0xae: {  	[tilespmem:s31], [sflag:$0x6] =	stream.linear.gather [hbm4b:s11+s2], $0x50, $0x38;
	[tilespmem:$0x18A80] =	vst v63  }
0xaf: {  	_ =	swait.ge [sflag:s0], $0x50  }
0xb0: {  	[sflag:s0] =	ssyncset.done $0x0  }
0xb1: {  	[sflag:s0] =	ssyncadd.s32 $0xFFFFFFB0  }
0xb2: {  	_ =	swait.ge [sflag:s0], $0x50  }
0xb3: {  	[sflag:s0] =	ssyncset.done $0x0  }
0xb4: {  	[sflag:s0] =	ssyncadd.s32 $0xFFFFFFB0  }
0xb5: {  	[tilespmem:s3], [sflag:$0x2] =	stream.indirect.gather [hbm4b:s4+s29], $0x80, s30, s29, $0xb8;
	[tilespmem:$0x18A80] =	vst v63  }
0xb6: {  	_ =	swait.ge [sflag:s16], $0x2800  }
0xb7: {  	[sflag:s16] =	ssyncset.done $0x0  }
0xb8: {  	[sflag:s16] =	ssyncadd.s32 $0xFFFFD800  }
0xb9: {  	[spmem:s1] =	stream.indirect.scatter.add.f32 [tilespmem:s20], [sflag:$0x3], $0x80, s23, s29, $0xb8;
	[tilespmem:$0x18A80] =	vst v63  }
0xba: {  	_ =	swait.ge [sflag:s17], $0x2800  }
0xbb: {  	[sflag:s17] =	ssyncset.done $0x0  }
0xbc: {  	s8 =	rddreg [dreg:$0x12];
	[sflag:s17] =	ssyncadd.s32 $0xFFFFD800  }
0xbd: {  	[tilespmem:s22], [sflag:$0x5] =	stream.linear.gather [hbm4b:s8+s2], $0x50, $0x38;
	[tilespmem:$0x18A80] =	vst v63  }
0xbe: {  	s13 =	rddreg [dreg:$0x13]  }
0xbf: {  	[tilespmem:s23], [sflag:$0x5] =	stream.linear.gather [hbm4b:s13+s2], $0x50, $0x38;
	[tilespmem:$0x18A80] =	vst v63  }
0xc0: {  	_ =	swait.ge [sflag:s18], $0x2800  }
0xc1: {  	[sflag:s18] =	ssyncset.done $0x0  }
0xc2: {  	[sflag:s18] =	ssyncadd.s32 $0xFFFFD800  }
0xc3: {  	[spmem:s1] =	stream.indirect.scatter.add.f32 [tilespmem:s3], [sflag:$0x4], $0x80, s31, s29, $0xb8;
	[tilespmem:$0x18A80] =	vst v63  }
0xc4: {  	_ =	swait.ge [sflag:s28], $0x50  }
0xc5: {  	[sflag:s28] =	ssyncset.done $0x0  }
0xc6: {  	[sflag:s28] =	ssyncadd.s32 $0xFFFFFFB0  }
0xc7: {  	_ =	swait.ge [sflag:s28], $0x50  }
0xc8: {  	[sflag:s28] =	ssyncset.done $0x0  }
0xc9: {  	[sflag:s28] =	ssyncadd.s32 $0xFFFFFFB0  }
0xca: {  	[tilespmem:s20], [sflag:$0x1] =	stream.indirect.gather [hbm4b:s4+s29], $0x80, s22, s29, $0xb8;
	[tilespmem:$0x18A80] =	vst v63  }
0xcb: {  	_ =	swait.ge [sflag:s7], $0x2800  }
0xcc: {  	[sflag:s7] =	ssyncset.done $0x0  }
0xcd: {  	[sflag:s7] =	ssyncadd.s32 $0xFFFFD800  }
0xce: {  	_ =	swait.ge [sflag:s16], $0x2800  }
0xcf: {  	[sflag:s16] =	ssyncset.done $0x0  }
0xd0: {  	[sflag:s16] =	ssyncadd.s32 $0xFFFFD800  }
0xd1: {  	[spmem:s1] =	stream.indirect.scatter.add.f32 [tilespmem:s20], [sflag:$0x3], $0x80, s23, s29, $0xb8;
	[tilespmem:$0x18A80] =	vst v63  }
0xd2: {  	_ =	swait.ge [sflag:s17], $0x2800  }
0xd3: {  	[sflag:s17] =	ssyncset.done $0x0  }
0xd4: {  	[sflag:s17] =	ssyncadd.s32 $0xFFFFD800  }
0xd5: {  	[bflag:$0x0] =	sbarrier.arrive $0xFFFF  }
0xd6: {  	s14 =	rddreg [dreg:$0x7]  }
0xd7: {  	[tilespmem:s20], [sflag:$0x7] =	stream.linear.gather [spmem:s14], $0x2800, $0x38;
	[tilespmem:$0x18A80] =	vst v63  }
0xd8: {  	_ =	swait.ge [sflag:s21], $0x2800  }
0xd9: {  	[sflag:s21] =	ssyncset.done $0x0  }
0xda: {  	s15 =	rddreg [dreg:$0x15];
	[sflag:s21] =	ssyncadd.s32 $0xFFFFD800  }
0xdb: {  	[hbm4b:s15+s2] =	stream.linear.scatter [tilespmem:s20], [sflag:$0x7], $0x2800, $0x38;
	[tilespmem:$0x18A80] =	vst v63  }
0xdc: {  	_ =	swait.ge [sflag:s21], $0x2800  }
0xdd: {  	[sflag:s21] =	ssyncset.done $0x0  }
0xde: {  	s19 =	rddreg [dreg:$0xa];
	[sflag:s21] =	ssyncadd.s32 $0xFFFFD800  }
0xdf: {  	[tilespmem:s20], [sflag:$0x7] =	stream.linear.gather [spmem:s19], $0x2800, $0x38;
	[tilespmem:$0x18A80] =	vst v63  }
0xe0: {  	_ =	swait.ge [sflag:s21], $0x2800  }
0xe1: {  	[sflag:s21] =	ssyncset.done $0x0  }
0xe2: {  	s26 =	rddreg [dreg:$0x16];
	[sflag:s21] =	ssyncadd.s32 $0xFFFFD800  }
0xe3: {  	[hbm4b:s26+s2] =	stream.linear.scatter [tilespmem:s20], [sflag:$0x7], $0x2800, $0x38;
	[tilespmem:$0x18A80] =	vst v63  }
0xe4: {  	_ =	swait.ge [sflag:s21], $0x2800  }
0xe5: {  	[sflag:s21] =	ssyncset.done $0x0  }
0xe6: {  	s9 =	rddreg [dreg:$0x5];
	[sflag:s21] =	ssyncadd.s32 $0xFFFFD800  }
0xe7: {  	[tilespmem:s20], [sflag:$0x7] =	stream.linear.gather [spmem:s9], $0x2800, $0x38;
	[tilespmem:$0x18A80] =	vst v63  }
0xe8: {  	_ =	swait.ge [sflag:s21], $0x2800  }
0xe9: {  	[sflag:s21] =	ssyncset.done $0x0  }
0xea: {  	s10 =	rddreg [dreg:$0x17];
	[sflag:s21] =	ssyncadd.s32 $0xFFFFD800  }
0xeb: {  	[hbm4b:s10+s2] =	stream.linear.scatter [tilespmem:s20], [sflag:$0x7], $0x2800, $0x38;
	[tilespmem:$0x18A80] =	vst v63  }
0xec: {  	_ =	swait.ge [sflag:s21], $0x2800  }
0xed: {  	[sflag:s21] =	ssyncset.done $0x0  }
0xee: {  	s19 =	rddreg [dreg:$0x4];
	[sflag:s21] =	ssyncadd.s32 $0xFFFFD800  }
0xef: {  	[tilespmem:s20], [sflag:$0x7] =	stream.linear.gather [spmem:s19], $0x2800, $0x38;
	[tilespmem:$0x18A80] =	vst v63  }
0xf0: {  	_ =	swait.ge [sflag:s21], $0x2800  }
0xf1: {  	[sflag:s21] =	ssyncset.done $0x0  }
0xf2: {  	s11 =	rddreg [dreg:$0x18];
	[sflag:s21] =	ssyncadd.s32 $0xFFFFD800  }
0xf3: {  	[hbm4b:s11+s2] =	stream.linear.scatter [tilespmem:s20], [sflag:$0x7], $0x2800, $0x38;
	[tilespmem:$0x18A80] =	vst v63  }
0xf4: {  	_ =	swait.ge [sflag:s21], $0x2800  }
0xf5: {  	[sflag:s21] =	ssyncset.done $0x0  }
0xf6: {  	s14 =	rddreg [dreg:$0x6];
	[sflag:s21] =	ssyncadd.s32 $0xFFFFD800  }
0xf7: {  	[tilespmem:s20], [sflag:$0x7] =	stream.linear.gather [spmem:s14], $0x2800, $0x38;
	[tilespmem:$0x18A80] =	vst v63  }
0xf8: {  	_ =	swait.ge [sflag:s21], $0x2800  }
0xf9: {  	[sflag:s21] =	ssyncset.done $0x0  }
0xfa: {  	s12 =	rddreg [dreg:$0x19];
	[sflag:s21] =	ssyncadd.s32 $0xFFFFD800  }
0xfb: {  	[hbm4b:s12+s2] =	stream.linear.scatter [tilespmem:s20], [sflag:$0x7], $0x2800, $0x38;
	[tilespmem:$0x18A80] =	vst v63  }
0xfc: {  	_ =	swait.ge [sflag:s21], $0x2800  }
0xfd: {  	[sflag:s21] =	ssyncset.done $0x0  }
0xfe: {  	s8 =	rddreg [dreg:$0x8];
	[sflag:s21] =	ssyncadd.s32 $0xFFFFD800  }
0xff: {  	[tilespmem:s20], [sflag:$0x7] =	stream.linear.gather [spmem:s8], $0x2800, $0x38;
	[tilespmem:$0x18A80] =	vst v63  }
0x100: {  	_ =	swait.ge [sflag:s21], $0x2800  }
0x101: {  	[sflag:s21] =	ssyncset.done $0x0  }
0x102: {  	s9 =	rddreg [dreg:$0x1a];
	[sflag:s21] =	ssyncadd.s32 $0xFFFFD800  }
0x103: {  	[hbm4b:s9+s2] =	stream.linear.scatter [tilespmem:s20], [sflag:$0x7], $0x2800, $0x38;
	[tilespmem:$0x18A80] =	vst v63  }
0x104: {  	_ =	swait.ge [sflag:s21], $0x2800  }
0x105: {  	[sflag:s21] =	ssyncset.done $0x0  }
0x106: {  	s26 =	rddreg [dreg:$0x9];
	[sflag:s21] =	ssyncadd.s32 $0xFFFFD800  }
0x107: {  	[tilespmem:s20], [sflag:$0x7] =	stream.linear.gather [spmem:s26], $0x2800, $0x38;
	[tilespmem:$0x18A80] =	vst v63  }
0x108: {  	_ =	swait.ge [sflag:s21], $0x2800  }
0x109: {  	[sflag:s21] =	ssyncset.done $0x0  }
0x10a: {  	s13 =	rddreg [dreg:$0x1b];
	[sflag:s21] =	ssyncadd.s32 $0xFFFFD800  }
0x10b: {  	[hbm4b:s13+s2] =	stream.linear.scatter [tilespmem:s20], [sflag:$0x7], $0x2800, $0x38;
	[tilespmem:$0x18A80] =	vst v63  }
0x10c: {  	_ =	swait.ge [sflag:s21], $0x2800  }
0x10d: {  	[sflag:s21] =	ssyncset.done $0x0  }
0x10e: {  	s13 =	rddreg [dreg:$0xb];
	[sflag:s21] =	ssyncadd.s32 $0xFFFFD800  }
0x10f: {  	[tilespmem:s20], [sflag:$0x7] =	stream.linear.gather [spmem:s13], $0x2000, $0x38;
	[tilespmem:$0x18A80] =	vst v63  }
0x110: {  	_ =	swait.ge [sflag:s21], $0x2000  }
0x111: {  	[sflag:s21] =	ssyncset.done $0x0  }
0x112: {  	s15 =	rddreg [dreg:$0x1c];
	[sflag:s21] =	ssyncadd.s32 $0xFFFFE000  }
0x113: {  	[hbm4b:s15+s2] =	stream.linear.scatter [tilespmem:s20], [sflag:$0x7], $0x2000, $0x38;
	[tilespmem:$0x18A80] =	vst v63  }
0x114: {  	_ =	swait.ge [sflag:s21], $0x2000  }
0x115: {  	s10 =	simm.s32 @!p0 $0x7;
	[sflag:s21] =	ssyncset.done $0x0  }
0x116: {  	s9 =	simm.s32 @!p0 $0x13A80;
	s15 =	rddreg [dreg:$0x1d];
	[sflag:s21] =	ssyncadd.s32 $0xFFFFE000  }
0x117: {  	[tilespmem:s9], [sflag:$0x7] =	stream.linear.gather @!p0 [spmem:s15], $0x800, $0x38;
	[tilespmem:$0x18A80] =	vst v63  }
0x118: {  	_ =	swait.ge @!p0 [sflag:s10], $0x800  }
0x119: {  	[sflag:s10] =	ssyncset.done @!p0 $0x0;
	s11 =	rddreg [dreg:$0xe]  }
0x11a: {  	s12 =	simm.s32 @!p0 $0x0;
	[sflag:s10] =	ssyncadd.s32 @!p0 $0xFFFFF800;
	s11 =	sadd.s32 @!p0 $0x27000, s11  }
0x11b: {  	[hbm4b:s11+s12] =	stream.linear.scatter @!p0 [tilespmem:s9], [sflag:$0x7], $0x800, $0x38;
	[tilespmem:$0x18A80] =	vst v63  }
0x11c: {  	s12 =	smov.u32 s15;
	s15 =	rddreg [dreg:$0x7];
	_ =	swait.ge @!p0 [sflag:s10], $0x800  }
0x11d: {  	s9 =	rddreg [dreg:$0x1e]  }
0x11e: {  	s11 =	sadd.s32 $0x1, s9;
	s9 =	rddreg [dreg:$0x11]  }
0x11f: {  	p1 =	sne.s32 s11, s9  }
.Ltmp1:
0x120: {  	_ = 	snop;
	(pc) =	sbr.rel @p1 .LBB2_1-.Ltmp1, $3  }
0x121: {  	_ =	sdelay $0x1  }
0x122: {  	[sflag:s10] =	ssyncset.done @!p0 $0x0  }
0x123: {  	[sflag:s10] =	ssyncadd.s32 @!p0 $0xFFFFF800  }
0x124: {  	_ =	sfence.sel $0x180000  }
0x125: {  	[bflag:$0x0] =	sbarrier.arrive $0xFFFF  }
0x126: {  	_ =	strace $0x9000004A  }
0x127: {  	s0 =	stileid.u32;
	[bflag:$0x2] =	sbarrier.arrive $0xFFFF  }
0x128: {  	p0 =	sne.s32 s0, $0x0;
	s0 =	rddreg [dreg:$0x2]  }
0x129: {  	s0 =	sadd.s32 @!p0 $0x100000, s0  }
0x12a: {  	[sflag:s0] =	ssyncadd.tile.s32 @!p0 $0x1;
	_ =	shalt  }
.Lfunc_end2:
_tile_overlayer_lowered:
.L_overlay_start_2:
0x12b: {  	(tag) =	ssettag $0x2  }
0x12c: {  	s0 =	rddreg [dreg:$0x0];
	s2 =	stileid.u32  }
0x12d: {  	s1 =	rddreg [dreg:$0x1];
	p0 =	sne.s32 s2, $0x0  }
0x12e: {  	s3 =	rddreg [dreg:$0x2];
	[bflag:$0x3] =	sbarrier.arrive $0xFFFF;
	s2 =	simm.s32 @!p0 $0x1C07  }
0x12f: {  	[timem:s3], [sflag:s2] =	dma.local @!p0 [hbm:s0], s1  }
0x130: {  	s0 =	simm.s32 @!p0 $0x7  }
0x131: {  	_ =	swait.ge @!p0 [sflag:s0], s1  }
0x132: {  	s1 =	ssub.s32 @!p0 $0x0, s1;
	[sflag:s0] =	ssyncset.done @!p0 $0x0  }
0x133: {  	[sflag:s0] =	ssyncadd.s32 @!p0 s1  }
0x134: {  	[bflag:$0x3] =	sbarrier.arrive $0xFFFF  }
0x135: {  	_ =	shalt  }

// kernel: kernel.4.cloned.1.call-start
scs
__scs_entry_jumppad:
0x0: {  	(pc) =	sbr.rel $0x88, $3  }
0x1: {  	(tag) =	ssettag $0x0;
	lr =	simm.s32 $0x1  }
0x2: {  	[smem:$0x3F98] =	sst lr;
	_ =	strace $0xD0000000  }
0x3: {  	_ = 	snop  }
0x4: {  	_ = 	snop  }
0x5: {  	_ = 	snop  }
0x6: {  	_ = 	snop  }
0x7: {  	_ = 	snop  }
__scs_overlays_trampoline_lowered:
0x8: {  	[smem:$0x3FA7] =	sst s0  }
0x9: {  	[smem:$0x3FA8] =	sst s1  }
0xa: {  	[smem:$0x3FA9] =	sst s2  }
0xb: {  	[smem:$0x3FAA] =	sst s3  }
0xc: {  	[smem:$0x3FAB] =	sst s4  }
0xd: {  	[smem:$0x3FAC] =	sst s5  }
0xe: {  	[smem:$0x3FAD] =	sst s6  }
0xf: {  	[smem:$0x3FAE] =	sst s7  }
0x10: {  	[smem:$0x3FAF] =	sst s8  }
0x11: {  	[smem:$0x3FB0] =	sst s9;
	s0 =	simm.s32 @!p0 $0x0  }
0x12: {  	s1 =	sld [smem:$0x3F96];
	s0 =	simm.s32 @p0 $0x1  }
0x13: {  	[smem:$0x3FB1] =	sst s0;
	s0 =	simm.s32 @!p1 $0x0  }
0x14: {  	s2 =	sld [smem:$0x3F95];
	s0 =	simm.s32 @p1 $0x1  }
0x15: {  	[smem:$0x3FB2] =	sst s0;
	s0 =	simm.s32 @!p2 $0x0  }
0x16: {  	s3 =	sld [smem:$0x3FDB];
	s0 =	simm.s32 @p2 $0x1  }
0x17: {  	s4 =	simm.s32 $0x1BF5;
	[smem:$0x3FB4] =	sst s0  }
0x18: {  	s0 =	sld [smem:$0x3F97];
	_ =	swait.ge [sflag:s4], $0x0  }
0x19: {  	s7 =	sld [smem:$0x3F98]  }
0x1a: {  	s8 =	sadd.s32 $0xFFFFE003, lr  }
0x1b: {  	s9 =	sadd.s32 $0xFFFFFEF7, lr;
	s5 =	simm.s32 $0xFFFFFFFF;
	p2 =	slt.u32 s8, $0xFFFFF086  }
0x1c: {  	p1 =	slt.u32 s9, $0xF7A;
	s5 =	simm.s32 @!p2 $0x0  }
0x1d: {  	s5 =	simm.s32 @p1 $0x1;
	p0 =	seq.s32 s7, s2  }
0x1e: {  	s7 =	smul.u32 @!p0 $0xF7A, s2;
	p2 =	seq.s32 @!p0 s5, $0x0  }
0x1f: {  	s9 =	smul.u32 $0xF7A, s1;
	s8 =	simm.s32 @!p0 $0x1BF5;
	p2 =	por !p2, p0  }
0x20: {  	[sflag:s8] =	ssyncset.s32 @!p0 $0xFFFFF086;
	s6 =	sadd.s32 @!p0 s3, s7;
	s7 =	simm.s32 @!p0 $0x108  }
0x21: {  	s3 =	sadd.s32 s3, s9;
	s6 =	sadd.s32 @!p0 $0x88, s6;
	s7 =	simm.s32 @p2 $0x1082  }
0x22: {  	[simem:s7], [sflag:s8] =	dma.local @!p0 [hbm:s6], $0xF7A  }
0x23: {  	s9 =	sor.u32 $0xD0000000, s2;
	s6 =	simm.s32 $0x108;
	_ =	swait.ge @!p0 [sflag:s8], $0x0  }
0x24: {  	s3 =	sadd.s32 $0x88, s3;
	s6 =	simm.s32 @!p1 $0x1082;
	[sflag:s4] =	ssyncset.s32 $0xFFFFF086  }
0x25: {  	[simem:s6], [sflag:s4] =	dma.local [hbm:s3], $0xF7A  }
0x26: {  	[smem:$0x3F98] =	sst s1;
	(tag) =	ssettag s2;
	_ =	strace s9  }
0x27: {  	s1 =	sld [smem:$0x3FA8]  }
0x28: {  	s2 =	sld [smem:$0x3FA9]  }
0x29: {  	s4 =	sld [smem:$0x3FAB]  }
0x2a: {  	p0 =	seq.s32 s5, $0x0;
	s5 =	sld [smem:$0x3FAC]  }
0x2b: {  	s6 =	sld [smem:$0x3FAD]  }
0x2c: {  	s7 =	sld [smem:$0x3FAE]  }
0x2d: {  	s3 =	simm.s32 $0x108;
	s8 =	sld [smem:$0x3FAF]  }
0x2e: {  	s3 =	simm.s32 @!p0 $0x1082;
	s9 =	sld [smem:$0x3FB0]  }
0x2f: {  	lr =	sadd.s32 s0, s3;
	s0 =	sld [smem:$0x3FA7]  }
0x30: {  	s3 =	sld [smem:$0x3FAA]  }
0x31: {  	[smem:$0x3FB3] =	sst s10  }
0x32: {  	s10 =	sld [smem:$0x3FB1];
	_ =	sdelay $0x3  }
0x33: {  	p0 =	seq.s32 s10, $0x1;
	s10 =	sld [smem:$0x3FB3];
	_ =	sdelay $0x3  }
0x34: {  	[smem:$0x3FB3] =	sst s10  }
0x35: {  	s10 =	sld [smem:$0x3FB2];
	_ =	sdelay $0x3  }
0x36: {  	p1 =	seq.s32 s10, $0x1;
	s10 =	sld [smem:$0x3FB3];
	_ =	sdelay $0x3  }
0x37: {  	[smem:$0x3FB3] =	sst s10  }
0x38: {  	s10 =	sld [smem:$0x3FB4]  }
0x39: {  	_ = 	snop;
	(pc) =	sbr.ind lr, $3  }
0x3a: {  	_ = 	snop  }
0x3b: {  	_ = 	snop  }
0x3c: {  	p2 =	seq.s32 s10, $0x1;
	s10 =	sld [smem:$0x3FB3]  }
0x3d: {  	_ =	shalt  }
0x3e: {  	_ =	shalt  }
0x3f: {  	_ =	shalt  }
0x40: {  	_ =	shalt  }
0x41: {  	_ =	shalt  }
0x42: {  	_ =	shalt  }
0x43: {  	_ =	shalt  }
0x44: {  	_ =	shalt  }
0x45: {  	_ =	shalt  }
0x46: {  	_ =	shalt  }
0x47: {  	_ =	shalt  }
0x48: {  	_ =	shalt  }
0x49: {  	_ =	shalt  }
0x4a: {  	_ =	shalt  }
0x4b: {  	_ =	shalt  }
0x4c: {  	_ =	shalt  }
0x4d: {  	_ =	shalt  }
0x4e: {  	_ =	shalt  }
0x4f: {  	_ =	shalt  }
0x50: {  	_ =	shalt  }
0x51: {  	_ =	shalt  }
0x52: {  	_ =	shalt  }
0x53: {  	_ =	shalt  }
0x54: {  	_ =	shalt  }
0x55: {  	_ =	shalt  }
0x56: {  	_ =	shalt  }
0x57: {  	_ =	shalt  }
0x58: {  	_ =	shalt  }
0x59: {  	_ =	shalt  }
0x5a: {  	_ =	shalt  }
0x5b: {  	_ =	shalt  }
0x5c: {  	_ =	shalt  }
0x5d: {  	_ =	shalt  }
0x5e: {  	_ =	shalt  }
0x5f: {  	_ =	shalt  }
0x60: {  	_ =	shalt  }
0x61: {  	_ =	shalt  }
0x62: {  	_ =	shalt  }
0x63: {  	_ =	shalt  }
0x64: {  	_ =	shalt  }
0x65: {  	_ =	shalt  }
0x66: {  	_ =	shalt  }
0x67: {  	_ =	shalt  }
0x68: {  	_ =	shalt  }
0x69: {  	_ =	shalt  }
0x6a: {  	_ =	shalt  }
0x6b: {  	_ =	shalt  }
0x6c: {  	_ =	shalt  }
0x6d: {  	_ =	shalt  }
0x6e: {  	_ =	shalt  }
0x6f: {  	_ =	shalt  }
0x70: {  	_ =	shalt  }
0x71: {  	_ =	shalt  }
0x72: {  	_ =	shalt  }
0x73: {  	_ =	shalt  }
0x74: {  	_ =	shalt  }
0x75: {  	_ =	shalt  }
0x76: {  	_ =	shalt  }
0x77: {  	_ =	shalt  }
0x78: {  	_ =	shalt  }
0x79: {  	_ =	shalt  }
0x7a: {  	_ =	shalt  }
0x7b: {  	_ =	shalt  }
0x7c: {  	_ =	shalt  }
0x7d: {  	_ =	shalt  }
0x7e: {  	_ =	shalt  }
0x7f: {  	_ =	shalt  }
0x80: {  	_ =	shalt  }
0x81: {  	_ =	shalt  }
0x82: {  	_ =	shalt  }
0x83: {  	_ =	shalt  }
0x84: {  	_ =	shalt  }
0x85: {  	_ =	shalt  }
0x86: {  	_ =	shalt  }
0x87: {  	_ =	shalt  }
.Lfunc_end0:
.L_simem_size_0:
called_computation.1_lowered:
.L_overlay_start_0:
0x88: {  	s2 =	sld [smem:$0x3FD9]  }
0x89: {  	s3 =	sld [smem:$0x3FFE];
	_ =	sdelay $0x1  }
0x8a: {  	s1 =	srdreg.scid  }
0x8b: {  	s0 =	sand.u32 $0x1, s1  }
0x8c: {  	s16 =	sshll.u32 s0, $0xA;
	s2 =	sadd.s32 s3, s2  }
0x8d: {  	s2 =	sadd.s32 s2, s16  }
0x8e: {  	[smem:$0x3FBF] =	sst s2  }
0x8f: {  	_ = 	snop  }
0x90: {  	(tm) =	ssettm $0x1  }
0x91: {  	s17 =	sld [smem:$0x3FFB];
	_ =	sdelay $0x3  }
0x92: {  	_ =	strace s17  }
0x93: {  	s2 =	sld [smem:$0x3FFC];
	_ =	sdelay $0x3  }
0x94: {  	_ =	strace s2  }
0x95: {  	s2 =	sld [smem:$0x3FFD];
	_ =	sdelay $0x3  }
0x96: {  	_ =	strace s2  }
0x97: {  	_ =	strace $0x8FFFFFFF  }
0x98: {  	s18 =	sld [smem:$0x3FDB];
	_ =	sdelay $0x1  }
0x99: {  	s19 =	simm.s32 $_scs_section_size  }
0x9a: {  	s4 =	simm.s32 $_size__tile_overlayer_lowered;
	s5 =	simm.s32 $_tile_overlayer_lowered  }
0x9b: {  	s22 =	simm.s32 $0x1BFF;
	s21 =	sshll.u32 s5, $0x1;
	s2 =	sadd.s32 s19, s18  }
0x9c: {  	s6 =	simm.s32 $0x0;
	s20 =	sshll.u32 s4, $0x1;
	s4 =	sadd.s32 s21, s2  }
0x9d: {  	[timem:s6], [sflag:s22] =	dma.local [hbm:s4], s20  }
0x9e: {  	_ =	swait.ge [sflag:s22], s20  }
0x9f: {  	s3 =	ssub.s32 $0x0, s20;
	[sflag:s22] =	ssyncset.done $0x0  }
0xa0: {  	[sflag:s22] =	ssyncadd.s32 s3;
	_ =	sdelay $0x1  }
0xa1: {  	s23 =	simm.s32 $0x1B8B  }
0xa2: {  	_ =	swait.ge [sflag:s23], $0x1  }
0xa3: {  	[sflag:s23] =	ssyncset.done $0x0  }
0xa4: {  	s25 =	simm.s32 $0x1B8E;
	s24 =	sld [smem:$0x3FFE];
	[sflag:s23] =	ssyncadd.s32 $0xFFFFFFFF  }
0xa5: {  	s26 =	simm.s32 $execute0_lowered;
	[smem:$0x3FD2] =	sst s25  }
0xa6: {  	s4 =	sshll.u32 s26, $0x1;
	_ =	strace $0x80000046;
	[dreg:$0x1] =	wrdreg $0xFFFFFFFF  }
0xa7: {  	s28 =	simm.s32 $_size_execute0_lowered;
	s2 =	sadd.s32 s2, s4;
	[dreg:$0x0] =	wrdreg $0x0  }
0xa8: {  	s4 =	sshll.u32 s28, $0x1;
	[dreg:$0x2] =	wrdreg s2  }
0xa9: {  	[dreg:$0x3] =	wrdreg s4  }
0xaa: {  	[dreg:$0x4] =	wrdreg $0xC0  }
0xab: {  	_ =	task [dreg:s6], $0x5FFFF  }
0xac: {  	[dreg:$0x1] =	wrdreg $0xFFFFFFFF  }
0xad: {  	[dreg:$0x0] =	wrdreg $0x60  }
0xae: {  	[dreg:$0x2] =	wrdreg s24  }
0xaf: {  	[dreg:$0x3] =	wrdreg $0x0  }
0xb0: {  	[dreg:$0x4] =	wrdreg $0x9  }
0xb1: {  	_ =	task.clear_ibuf [dreg:s6], $0x5FFFF;
	_ =	strace $0x90000046  }
0xb2: {  	s29 =	simm.s32 $0x9;
	_ =	strace $0x80000048  }
0xb3: {  	_ =	swait.ge [sflag:s29], $0x1  }
0xb4: {  	[sflag:s29] =	ssyncadd.s32 $0xFFFFFFFF  }
0xb5: {  	_ =	strace $0x90000048  }
0xb6: {  	_ =	sfence  }
0xb7: {  	s30 =	sld [smem:$0x0];
	_ =	sdelay $0x2  }
0xb8: {  	s31 =	sshll.u32 s1, $0xD;
	s1 =	sshrl.u32 s1, $0x2  }
0xb9: {  	s3 =	sand.u32 $0x4000, s31;
	s1 =	sadd.s32 s1, s30  }
0xba: {  	s0 =	sor.u32 s3, s0;
	s1 =	sshll.u32 s1, $0x11  }
0xbb: {  	s0 =	sor.u32 s1, s0  }
0xbc: {  	s0 =	sadd.s32 $0x8F2B, s0  }
0xbd: {  	[sflag:s0] =	ssyncadd.remote.s32 $0x1  }
0xbe: {  	_ =	sfence.sel $0xFFFF  }
0xbf: {  	[dreg:$0x0] =	wrdreg $0xFFFFFFFF;
	(pc) =	sbr.abs _section_cstart, $3  }
0xc0: {  	[dreg:$0x1] =	wrdreg $0xFFFFFFFF  }
0xc1: {  	_ =	task.clear_ibuf [dreg:s6], $0x2FFFF;
	_ =	strace $0x9FFFFFFF  }
0xc2: {  	(tm) =	ssettm $0x7FFFFFFF  }
0xc3: {  	_ =	shalt  }
tec
execute0_lowered:
.L_overlay_start_1:
0x0: {  	(tag) =	ssettag $0x1  }
0x1: {  	s0 =	rddreg [dreg:$0x0]  }
0x2: {  	s1 =	rddreg [dreg:$0x1];
	s2 =	srdreg.scid;
	s3 =	simm.s32 $0x0  }
0x3: {  	s6 =	stileid.u32;
	s13 =	simm.s32 $0x1700;
	s14 =	simm.s32 $0x7  }
0x4: {  	s15 =	simm.s32 $0x1400;
	s16 =	simm.s32 $0x5;
	s17 =	simm.s32 $0x50  }
0x5: {  	s18 =	simm.s32 $0x1600;
	s19 =	simm.s32 $0x1480;
	s20 =	simm.s32 $0x6  }
0x6: {  	s28 =	simm.s32 $0x2;
	s29 =	simm.s32 $0x1580;
	s8 =	smul.u32 $0x5000, s6  }
0x7: {  	s30 =	simm.s32 $0x4;
	s31 =	simm.s32 $0x0;
	s12 =	smul.u32 $0x2710, s6  }
0x8: {  	s2 =	sand.u32 $0x1, s2;
	[smem:$0x7FF] =	sst s3;
	s24 =	smul.u32 $0x280, s6  }
0x9: {  	s11 =	sadd.s32 $0x33C00, s0;
	s7 =	smul.u32 $0x2800, s2;
	s4 =	sshll.u32 s2, $0x4  }
0xa: {  	_ =	strace $0x80000047;
	s10 =	ssub.s32 $0x2, s2;
	s2 =	smul.u32 $0x27100, s2  }
0xb: {  	[dreg:$0x3] =	wrdreg s11;
	s5 =	sor.u32 s6, s4;
	s4 =	sadd.s32 $0x29600, s0  }
0xc: {  	s21 =	sshrl.u32 s10, $0x1;
	s8 =	sshrl.u32 s8, $0x2;
	s9 =	smul.u32 $0x2710, s5  }
0xd: {  	s5 =	sadd.s32 $0x33400, s0;
	s0 =	sadd.s32 s7, s0;
	s10 =	ssub.s32 s10, s21  }
0xe: {  	s2 =	sadd.s32 s12, s2;
	s8 =	sadd.s32 s8, s1;
	s21 =	simm.s32 $0x1680  }
.Ltmp0:
0xf: {  	s23 =	sadd.s32 $0xF0, s2;
	s25 =	sadd.s32 $0x34200, s0;
	(pc) =	sbr.rel .LBB2_1-.Ltmp0, $4  }
0x10: {  	s10 =	smax.u32 s10, $0x1;
	s0 =	sadd.s32 $0xA0, s2;
	s22 =	sshrl.u32 s9, $0x3  }
0x11: {  	v0 =	vlaneseq.u32;
	s26 =	sshrl.u32 s23, $0x3;
	s23 =	simm.s32 $0x1;
	s24 =	sadd.s32 s24, s25  }
0x12: {  	v0 =	vand.u32 $0x7, v0;
	s25 =	simm.s32 $0x1500;
	s7 =	sadd.s32 s4, s22;
	s11 =	sadd.s32 s26, s4  }
0x13: {  	v0 =	vmul.u32 $0x10, v0;
	s22 =	simm.s32 $0x3F00;
	s26 =	simm.s32 $0x3;
	s9 =	sadd.s32 $0xA, s7  }
.LBB2_4:
0x14: {  	_ =	swait.ge [sflag:s23], $0x2800  }
0x15: {  	[sflag:s23] =	ssyncset.done $0x0  }
0x16: {  	[sflag:s23] =	ssyncadd.s32 $0xFFFFD800  }
0x17: {  	[spmem:s1] =	stream.indirect.scatter.add.f32 [tilespmem:s13], [sflag:$0x3], $0x80, s25, s17, $0xb8;
	[tilespmem:$0x6700] =	vst v63  }
0x18: {  	_ =	swait.ge [sflag:s26], $0x2800  }
0x19: {  	[sflag:s26] =	ssyncset.done $0x0  }
0x1a: {  	[sflag:s26] =	ssyncadd.s32 $0xFFFFD800  }
0x1b: {  	[bflag:$0x0] =	sbarrier.arrive $0xFFFF  }
0x1c: {  	[tilespmem:s13], [sflag:$0x7] =	stream.linear.gather [spmem:s8], $0x1400, $0x38;
	[tilespmem:$0x6700] =	vst v63  }
0x1d: {  	s31 =	sadd.s32 $0x1, s31;
	_ =	swait.ge [sflag:s14], $0x1400  }
0x1e: {  	p0 =	sne.s32 s31, s10;
	[sflag:s14] =	ssyncset.done $0x0  }
.Ltmp1:
0x1f: {  	[sflag:s14] =	ssyncadd.s32 $0xFFFFEC00;
	(pc) =	sbr.rel @!p0 .LBB2_5-.Ltmp1, $4  }
0x20: {  	[hbm4b:s24+s3] =	stream.linear.scatter [tilespmem:s13], [sflag:$0x7], $0x1400, $0x38;
	[tilespmem:$0x6700] =	vst v63  }
0x21: {  	_ =	swait.ge [sflag:s14], $0x1400  }
0x22: {  	[sflag:s14] =	ssyncset.done $0x0  }
0x23: {  	[sflag:s14] =	ssyncadd.s32 $0xFFFFEC00  }
.LBB2_1:
0x24: {  	s2 =	rddreg [dreg:$0x3]  }
0x25: {  	[tilespmem:s13], [sflag:$0x7] =	stream.linear.gather [hbm4b:s2+s3], $0x2800, $0x38;
	[tilespmem:$0x6700] =	vst v63  }
0x26: {  	_ =	swait.ge [sflag:s14], $0x2800  }
0x27: {  	[sflag:s14] =	ssyncset.done $0x0  }
0x28: {  	[sflag:s14] =	ssyncadd.s32 $0xFFFFD800  }
0x29: {  	[spmem:s8] =	stream.linear.scatter [tilespmem:s13], [sflag:$0x7], $0x1400, $0x38;
	[tilespmem:$0x6700] =	vst v63  }
0x2a: {  	_ =	swait.ge [sflag:s14], $0x1400  }
0x2b: {  	[sflag:s14] =	ssyncset.done $0x0  }
0x2c: {  	[sflag:s14] =	ssyncadd.s32 $0xFFFFEC00  }
0x2d: {  	[bflag:$0x0] =	sbarrier.arrive $0xFFFF  }
0x2e: {  	[tilespmem:s15], [sflag:$0x5] =	stream.linear.gather [hbm4b:s7+s3], $0x50, $0x38;
	[tilespmem:$0x6700] =	vst v63  }
0x2f: {  	_ =	swait.ge [sflag:s16], $0x50  }
0x30: {  	[sflag:s16] =	ssyncset.done $0x0  }
0x31: {  	[sflag:s16] =	ssyncadd.s32 $0xFFFFFFB0  }
0x32: {  	v1 =	vld [tilespmem:$0x1400];
	_ =	sdelay $0x1  }
0x33: {  	v2 =	vld [tilespmem:$0x1410];
	_ =	sdelay $0x1  }
0x34: {  	v3 =	vld [tilespmem:$0x1420]  }
0x35: {  	v4 =	vshrl.u32 v1, $0x4;
	v1 =	vand.u32 $0xF, v1  }
0x36: {  	v63 =	vld [tilespmem:$0x1430];
	[tilespmem:$0x1500] =	vst v4;
	v1 =	vor.u32 v0, v1  }
0x37: {  	[tilespmem:$0x1600] =	vst v1;
	v1 =	vshrl.u32 v2, $0x4;
	v2 =	vand.u32 $0xF, v2  }
0x38: {  	[tilespmem:$0x1510] =	vst v1;
	v1 =	vor.u32 v0, v2;
	v2 =	vld [tilespmem:$0x1440]  }
0x39: {  	[tilespmem:$0x1610] =	vst v1;
	v1 =	vshrl.u32 v3, $0x4;
	v3 =	vand.u32 $0xF, v3  }
0x3a: {  	[tilespmem:$0x1520] =	vst v1;
	v1 =	vor.u32 v0, v3  }
0x3b: {  	v3 =	vand.u32 $0xF, v63;
	[tilespmem:$0x1620] =	vst v1;
	v1 =	vshrl.u32 v63, $0x4  }
0x3c: {  	[tilespmem:$0x1530] =	vst v1;
	v1 =	vor.u32 v0, v3  }
0x3d: {  	[tilespmem:$0x1630] =	vst v1;
	v1 =	vshrl.u32 v2, $0x4;
	v2 =	vand.u32 $0xF, v2  }
0x3e: {  	[tilespmem:$0x1540] =	vst v1;
	v1 =	vor.u32 v0, v2  }
0x3f: {  	[tilespmem:$0x1640] =	vst v1  }
0x40: {  	[tilespmem:s13], [sflag:$0x1] =	stream.indirect.gather [hbm4b:s5+s17], $0x80, s18, s17, $0xb8;
	[tilespmem:$0x6700] =	vst v63  }
0x41: {  	s12 =	smov.u32 s0;
	s2 =	simm.s32 $0x0  }
0x42: {  	[tilespmem:s19], [sflag:$0x6] =	stream.linear.gather [hbm4b:s9+s3], $0x50, $0x38;
	[tilespmem:$0x6700] =	vst v63  }
.LBB2_2:
0x43: {  	_ =	swait.ge [sflag:s20], $0x50  }
0x44: {  	[sflag:s20] =	ssyncset.done $0x0  }
0x45: {  	[sflag:s20] =	ssyncadd.s32 $0xFFFFFFB0  }
0x46: {  	v1 =	vld [tilespmem:$0x1480];
	_ =	sdelay $0x1  }
0x47: {  	v2 =	vld [tilespmem:$0x1490];
	_ =	sdelay $0x1  }
0x48: {  	v3 =	vld [tilespmem:$0x14A0]  }
0x49: {  	v4 =	vshrl.u32 v1, $0x4;
	v1 =	vand.u32 $0xF, v1  }
0x4a: {  	v61 =	vld [tilespmem:$0x14B0];
	[tilespmem:$0x1580] =	vst v4;
	v1 =	vor.u32 v0, v1  }
0x4b: {  	[tilespmem:$0x1680] =	vst v1;
	v1 =	vshrl.u32 v2, $0x4;
	v2 =	vand.u32 $0xF, v2  }
0x4c: {  	[tilespmem:$0x1590] =	vst v1;
	v1 =	vor.u32 v0, v2;
	v2 =	vld [tilespmem:$0x14C0]  }
0x4d: {  	[tilespmem:$0x1690] =	vst v1;
	v1 =	vshrl.u32 v3, $0x4;
	v3 =	vand.u32 $0xF, v3  }
0x4e: {  	[tilespmem:$0x15A0] =	vst v1;
	v1 =	vor.u32 v0, v3  }
0x4f: {  	v3 =	vand.u32 $0xF, v61;
	[tilespmem:$0x16A0] =	vst v1;
	v1 =	vshrl.u32 v61, $0x4  }
0x50: {  	[tilespmem:$0x15B0] =	vst v1;
	v1 =	vor.u32 v0, v3  }
0x51: {  	[tilespmem:$0x16B0] =	vst v1;
	v1 =	vshrl.u32 v2, $0x4;
	v2 =	vand.u32 $0xF, v2  }
0x52: {  	[tilespmem:$0x15C0] =	vst v1;
	v1 =	vor.u32 v0, v2  }
0x53: {  	[tilespmem:$0x16C0] =	vst v1  }
0x54: {  	[tilespmem:s22], [sflag:$0x2] =	stream.indirect.gather [hbm4b:s5+s17], $0x80, s21, s17, $0xb8;
	[tilespmem:$0x6700] =	vst v63  }
0x55: {  	_ =	swait.ge [sflag:s23], $0x2800  }
0x56: {  	[sflag:s23] =	ssyncset.done $0x0  }
0x57: {  	[sflag:s23] =	ssyncadd.s32 $0xFFFFD800  }
0x58: {  	[spmem:s1] =	stream.indirect.scatter.add.f32 [tilespmem:s13], [sflag:$0x3], $0x80, s25, s17, $0xb8;
	[tilespmem:$0x6700] =	vst v63  }
0x59: {  	_ =	swait.ge [sflag:s26], $0x2800  }
0x5a: {  	s6 =	sshrl.u32 s12, $0x3;
	[sflag:s26] =	ssyncset.done $0x0  }
0x5b: {  	s6 =	sadd.s32 s4, s6;
	[sflag:s26] =	ssyncadd.s32 $0xFFFFD800  }
0x5c: {  	[tilespmem:s15], [sflag:$0x5] =	stream.linear.gather [hbm4b:s6+s3], $0x50, $0x38;
	[tilespmem:$0x6700] =	vst v63  }
0x5d: {  	_ =	swait.ge [sflag:s28], $0x2800  }
0x5e: {  	[sflag:s28] =	ssyncset.done $0x0  }
0x5f: {  	[sflag:s28] =	ssyncadd.s32 $0xFFFFD800  }
0x60: {  	[spmem:s1] =	stream.indirect.scatter.add.f32 [tilespmem:s22], [sflag:$0x4], $0x80, s29, s17, $0xb8;
	[tilespmem:$0x6700] =	vst v63  }
0x61: {  	_ =	swait.ge [sflag:s16], $0x50  }
0x62: {  	[sflag:s16] =	ssyncset.done $0x0  }
0x63: {  	[sflag:s16] =	ssyncadd.s32 $0xFFFFFFB0  }
0x64: {  	v1 =	vld [tilespmem:$0x1400];
	_ =	sdelay $0x1  }
0x65: {  	v2 =	vld [tilespmem:$0x1410];
	_ =	sdelay $0x1  }
0x66: {  	v3 =	vld [tilespmem:$0x1420]  }
0x67: {  	v62 =	vshrl.u32 v1, $0x4;
	v1 =	vand.u32 $0xF, v1  }
0x68: {  	v63 =	vld [tilespmem:$0x1430];
	[tilespmem:$0x1500] =	vst v62;
	v1 =	vor.u32 v0, v1  }
0x69: {  	[tilespmem:$0x1600] =	vst v1;
	v1 =	vshrl.u32 v2, $0x4;
	v2 =	vand.u32 $0xF, v2  }
0x6a: {  	[tilespmem:$0x1510] =	vst v1;
	v1 =	vor.u32 v0, v2;
	v2 =	vld [tilespmem:$0x1440]  }
0x6b: {  	[tilespmem:$0x1610] =	vst v1;
	v1 =	vshrl.u32 v3, $0x4;
	v3 =	vand.u32 $0xF, v3  }
0x6c: {  	[tilespmem:$0x1520] =	vst v1;
	v1 =	vor.u32 v0, v3  }
0x6d: {  	v3 =	vand.u32 $0xF, v63;
	[tilespmem:$0x1620] =	vst v1;
	v1 =	vshrl.u32 v63, $0x4  }
0x6e: {  	[tilespmem:$0x1530] =	vst v1;
	v1 =	vor.u32 v0, v3  }
0x6f: {  	[tilespmem:$0x1630] =	vst v1;
	v1 =	vshrl.u32 v2, $0x4;
	v2 =	vand.u32 $0xF, v2  }
0x70: {  	p0 =	seq.s32 s2, $0x4C4;
	[tilespmem:$0x1540] =	vst v1;
	v1 =	vor.u32 v0, v2  }
.Ltmp2:
0x71: {  	[tilespmem:$0x1640] =	vst v1;
	(pc) =	sbr.rel @p0 .LBB2_4-.Ltmp2, $4  }
0x72: {  	[tilespmem:s13], [sflag:$0x1] =	stream.indirect.gather [hbm4b:s5+s17], $0x80, s18, s17, $0xb8;
	[tilespmem:$0x6700] =	vst v63  }
0x73: {  	_ =	swait.ge [sflag:s30], $0x2800  }
0x74: {  	[sflag:s30] =	ssyncset.done $0x0  }
0x75: {  	[sflag:s30] =	ssyncadd.s32 $0xFFFFD800  }
.Ltmp3:
0x76: {  	(pc) =	sbr.rel .LBB2_2-.Ltmp3, $3  }
0x77: {  	_ =	sdelay $0x1  }
0x78: {  	s6 =	sadd.s32 s2, s11;
	s2 =	sadd.s32 $0x14, s2;
	s12 =	sadd.s32 $0xA0, s12  }
0x79: {  	[tilespmem:s19], [sflag:$0x6] =	stream.linear.gather [hbm4b:s6+s3], $0x50, $0x38;
	[tilespmem:$0x6700] =	vst v63  }
.LBB2_5:
0x7a: {  	_ =	sfence.sel $0x180000  }
0x7b: {  	[bflag:$0x0] =	sbarrier.arrive $0xFFFF  }
0x7c: {  	_ =	strace $0x90000047  }
0x7d: {  	s0 =	stileid.u32;
	[bflag:$0x2] =	sbarrier.arrive $0xFFFF  }
0x7e: {  	p0 =	sne.s32 s0, $0x0;
	s0 =	rddreg [dreg:$0x2]  }
0x7f: {  	s0 =	sadd.s32 @!p0 $0x100000, s0  }
0x80: {  	[sflag:s0] =	ssyncadd.tile.s32 @!p0 $0x1;
	_ =	shalt  }
.Lfunc_end2:
_tile_overlayer_lowered:
.L_overlay_start_2:
0x81: {  	(tag) =	ssettag $0x2  }
0x82: {  	s0 =	rddreg [dreg:$0x0];
	s2 =	stileid.u32  }
0x83: {  	s1 =	rddreg [dreg:$0x1];
	p0 =	sne.s32 s2, $0x0  }
0x84: {  	s3 =	rddreg [dreg:$0x2];
	[bflag:$0x3] =	sbarrier.arrive $0xFFFF;
	s2 =	simm.s32 @!p0 $0x1C07  }
0x85: {  	[timem:s3], [sflag:s2] =	dma.local @!p0 [hbm:s0], s1  }
0x86: {  	s0 =	simm.s32 @!p0 $0x7  }
0x87: {  	_ =	swait.ge @!p0 [sflag:s0], s1  }
0x88: {  	s1 =	ssub.s32 @!p0 $0x0, s1;
	[sflag:s0] =	ssyncset.done @!p0 $0x0  }
0x89: {  	[sflag:s0] =	ssyncadd.s32 @!p0 s1  }
0x8a: {  	[bflag:$0x3] =	sbarrier.arrive $0xFFFF  }
0x8b: {  	_ =	shalt  }

</sc_bundles>
